<compile_context>
chip_gen: v7x
topology: tpu7x:2x2x1
jax: 0.10.2.dev20260603
libtpu: 0.0.44.dev20260713+nightly
codegen_flags: <defaults>
</compile_context>

<pallas_src>
import jax
import jax.numpy as jnp
from jax import lax
from jax.experimental import pallas as pl
from jax.experimental.pallas import tpu as pltpu
from jax.experimental.pallas import tpu_sc as plsc

_N = 10000
_E = 320000
_D = 128
_DE = 16
_G = 64
_TS = 512
_TASKS = 10

_NC = 2
_NS = 16
_NW = _NC * _NS
_EPT = _E // _NW
_CH = 128
_NFULL = _EPT // _CH
_TAIL = _EPT - _NFULL * _CH
_RPT = 624
_RTAIL = _N - _NS * _RPT
_NCHUNK = _N // _CH
_NTAIL = _N - _NCHUNK * _CH
_TSPT = _TS // _NS


def _sc_mesh():
    return plsc.VectorSubcoreMesh(
        core_axis_name="c", subcore_axis_name="s",
        num_cores=_NC, num_subcores=_NS)


def _zero_acc(acc_sh, z128, s):
    row0 = pl.multiple_of(s * _RPT, 8)
    pltpu.sync_copy(z128.at[pl.ds(0, _RPT)], acc_sh.at[pl.ds(row0, _RPT)])

    @pl.when(s == _NS - 1)
    def _():
        pltpu.sync_copy(z128.at[pl.ds(0, _RTAIL)],
                        acc_sh.at[pl.ds(_NS * _RPT, _RTAIL)])
    return row0


def _copy_out(acc_sh, out_hbm, c, s, row0):
    pltpu.sync_copy(acc_sh.at[pl.ds(row0, _RPT)],
                    out_hbm.at[c, pl.ds(row0, _RPT)])

    @pl.when(s == _NS - 1)
    def _():
        pltpu.sync_copy(acc_sh.at[pl.ds(_NS * _RPT, _RTAIL)],
                        out_hbm.at[c, pl.ds(_NS * _RPT, _RTAIL)])


def _agg_body(ei_hbm, h_hbm, z128, out_hbm,
              acc_sh, srcall, dst_a, dst_b, rows_a, rows_b,
              dst_t, rows_t, sem_a, sem_b):
    c = lax.axis_index("c")
    s = lax.axis_index("s")
    wid = c * _NS + s
    row0 = _zero_acc(acc_sh, z128, s)
    base = wid * _EPT
    pltpu.sync_copy(ei_hbm.at[pl.ds(base, _EPT)], srcall)
    plsc.subcore_barrier()

    def gsrc(i):
        return h_hbm.at[srcall.at[pl.ds(i * _CH, _CH)]]

    pltpu.sync_copy(ei_hbm.at[pl.ds(_E + base, _CH)], dst_a)
    pltpu.async_copy(gsrc(0), rows_a, sem_a)

    npair = _NFULL // 2

    def body(p, carry):
        i0 = p * 2
        i1 = i0 + 1
        pltpu.sync_copy(ei_hbm.at[pl.ds(_E + base + i1 * _CH, _CH)], dst_b)
        cd_b = pltpu.async_copy(gsrc(i1), rows_b, sem_b)
        pltpu.make_async_copy(gsrc(i0), rows_a, sem_a).wait()
        pltpu.sync_copy(rows_a, acc_sh.at[dst_a], add=True)

        @pl.when(p < npair - 1)
        def _():
            pltpu.sync_copy(ei_hbm.at[pl.ds(_E + base + (i0 + 2) * _CH, _CH)],
                            dst_a)
            pltpu.async_copy(gsrc(i0 + 2), rows_a, sem_a)

        cd_b.wait()
        pltpu.sync_copy(rows_b, acc_sh.at[dst_b], add=True)
        return carry

    lax.fori_loop(0, npair, body, 0)

    off = base + _NFULL * _CH
    pltpu.sync_copy(ei_hbm.at[pl.ds(_E + off, _TAIL)], dst_t)
    pltpu.async_copy(
        h_hbm.at[srcall.at[pl.ds(_NFULL * _CH, _TAIL)]], rows_t, sem_a).wait()
    pltpu.sync_copy(rows_t, acc_sh.at[dst_t], add=True)

    plsc.subcore_barrier()
    _copy_out(acc_sh, out_hbm, c, s, row0)


def _regpad(flat, wide, nrows):
    def rp(p, carry):
        for q in range(8):
            r = p * 8 + q
            wide[r, pl.ds(0, _DE)] = flat[pl.ds(r * _DE, _DE)]
        return carry
    lax.fori_loop(0, nrows // 8, rp, 0)


def _ea_body(ei_hbm, eaflat_hbm, z128, out_hbm,
             acc_sh, dst_a, dst_b, flat_a, flat_b, wide_a, wide_b,
             dst_t, flat_t, wide_t, sem_a, sem_b):
    c = lax.axis_index("c")
    s = lax.axis_index("s")
    wid = c * _NS + s
    row0 = _zero_acc(acc_sh, z128, s)
    pltpu.sync_copy(z128.at[pl.ds(0, _CH)], wide_a)
    pltpu.sync_copy(z128.at[pl.ds(0, _CH)], wide_b)
    pltpu.sync_copy(z128.at[pl.ds(0, _TAIL)], wide_t)
    base = wid * _EPT
    plsc.subcore_barrier()

    def rdsrc(i):
        return eaflat_hbm.at[pl.ds((base + i * _CH) * _DE, _CH * _DE)]

    pltpu.sync_copy(ei_hbm.at[pl.ds(_E + base, _CH)], dst_a)
    pltpu.async_copy(rdsrc(0), flat_a, sem_a)

    npair = _NFULL // 2

    def body(p, carry):
        i0 = p * 2
        i1 = i0 + 1
        pltpu.sync_copy(ei_hbm.at[pl.ds(_E + base + i1 * _CH, _CH)], dst_b)
        cd_b = pltpu.async_copy(rdsrc(i1), flat_b, sem_b)
        pltpu.make_async_copy(rdsrc(i0), flat_a, sem_a).wait()
        _regpad(flat_a, wide_a, _CH)
        pltpu.sync_copy(wide_a, acc_sh.at[dst_a], add=True)

        @pl.when(p < npair - 1)
        def _():
            pltpu.sync_copy(ei_hbm.at[pl.ds(_E + base + (i0 + 2) * _CH, _CH)],
                            dst_a)
            pltpu.async_copy(rdsrc(i0 + 2), flat_a, sem_a)

        cd_b.wait()
        _regpad(flat_b, wide_b, _CH)
        pltpu.sync_copy(wide_b, acc_sh.at[dst_b], add=True)
        return carry

    lax.fori_loop(0, npair, body, 0)

    off = base + _NFULL * _CH
    pltpu.sync_copy(ei_hbm.at[pl.ds(_E + off, _TAIL)], dst_t)
    pltpu.async_copy(eaflat_hbm.at[pl.ds(off * _DE, _TAIL * _DE)],
                     flat_t, sem_a).wait()
    _regpad(flat_t, wide_t, _TAIL)
    pltpu.sync_copy(wide_t, acc_sh.at[dst_t], add=True)

    plsc.subcore_barrier()
    _copy_out(acc_sh, out_hbm, c, s, row0)


def _pool_body(h_hbm, sid_hbm, z128, ones_hbm,
               sums_hbm, cnt_hbm,
               acc_sh, cnt_sh, rows_v, sid_v, rows_t, sid_t, ones_v):
    c = lax.axis_index("c")
    s = lax.axis_index("s")
    wid = c * _NS + s
    r0 = pl.multiple_of(s * _TSPT, 8)
    pltpu.sync_copy(z128.at[pl.ds(0, _TSPT)], acc_sh.at[pl.ds(r0, _TSPT)])
    pltpu.sync_copy(z128.at[pl.ds(0, _TSPT)], cnt_sh.at[pl.ds(r0, _TSPT)])
    pltpu.sync_copy(ones_hbm, ones_v)
    plsc.subcore_barrier()

    for j in range(3):
        k = wid + _NW * j

        @pl.when(k < _NCHUNK)
        def _():
            off = pl.multiple_of(k * _CH, 8)
            pltpu.sync_copy(h_hbm.at[pl.ds(off, _CH)], rows_v)
            pltpu.sync_copy(sid_hbm.at[pl.ds(off, _CH)], sid_v)
            pltpu.sync_copy(rows_v, acc_sh.at[sid_v], add=True)
            pltpu.sync_copy(ones_v, cnt_sh.at[sid_v], add=True)

    @pl.when(wid == _NW - 1)
    def _():
        off = _NCHUNK * _CH
        pltpu.sync_copy(h_hbm.at[pl.ds(off, _NTAIL)], rows_t)
        pltpu.sync_copy(sid_hbm.at[pl.ds(off, _NTAIL)], sid_t)
        pltpu.sync_copy(rows_t, acc_sh.at[sid_t], add=True)
        pltpu.sync_copy(ones_v.at[pl.ds(0, _NTAIL)], cnt_sh.at[sid_t], add=True)

    plsc.subcore_barrier()
    pltpu.sync_copy(acc_sh.at[pl.ds(r0, _TSPT)], sums_hbm.at[c, pl.ds(r0, _TSPT)])
    pltpu.sync_copy(cnt_sh.at[pl.ds(r0, _TSPT)], cnt_hbm.at[c, pl.ds(r0, _TSPT)])


def _dense_body(h_ref, parts_ref, ea_parts_ref,
                wr_ref, wn_ref, wep_ref, b_ref, g_ref, be_ref, out_ref):
    h = h_ref[...]
    nbr = parts_ref[0] + parts_ref[1]
    ea = ea_parts_ref[0] + ea_parts_ref[1]
    nbr = nbr + jnp.dot(ea, wep_ref[...], preferred_element_type=jnp.float32)
    z = (jnp.dot(h, wr_ref[...], preferred_element_type=jnp.float32)
         + jnp.dot(nbr, wn_ref[...], preferred_element_type=jnp.float32)
         + b_ref[...])
    m = jnp.mean(z, axis=0, keepdims=True)
    d = z - m
    v = jnp.mean(d * d, axis=0, keepdims=True)
    out_ref[...] = jnp.maximum(d * jax.lax.rsqrt(v + 1e-5) * g_ref[...]
                               + be_ref[...], 0.0)


def _head_body(sums_ref, cnt_ref, wf1_ref, bf1_ref, wf2_ref, bf2_ref, out_ref):
    sums = sums_ref[0] + sums_ref[1]
    cnt = cnt_ref[0] + cnt_ref[1]
    csafe = jnp.maximum(cnt[:, 0:1], 1.0)
    hsub = sums / csafe
    rows = lax.broadcasted_iota(jnp.int32, (_G, _TS), 0)
    cols = lax.broadcasted_iota(jnp.int32, (_G, _TS), 1)
    pool = jnp.where(cols // (_TS // _G) == rows, 1.0 / (_TS // _G), 0.0)
    hg = jnp.dot(pool, hsub, preferred_element_type=jnp.float32)
    t = jnp.maximum(jnp.dot(hg, wf1_ref[...], preferred_element_type=jnp.float32)
                    + bf1_ref[...], 0.0)
    out_ref[...] = (jnp.dot(t, wf2_ref[...], preferred_element_type=jnp.float32)
                    + bf2_ref[...])


def _dense(h, parts, ea_parts, wr, wn, wep, b, g, be):
    return pl.pallas_call(
        _dense_body,
        out_shape=jax.ShapeDtypeStruct((_N, _D), jnp.float32),
    )(h, parts, ea_parts, wr, wn, wep,
      b.reshape(1, -1), g.reshape(1, -1), be.reshape(1, -1))


def _make_agg():
    f32 = jnp.float32
    i32 = jnp.int32
    return pl.kernel(
        _agg_body,
        out_type=jax.ShapeDtypeStruct((_NC, _N, _D), f32),
        mesh=_sc_mesh(),
        scratch_types=[
            pltpu.VMEM_SHARED((_N, _D), f32),
            pltpu.VMEM((_EPT,), i32),
            pltpu.VMEM((_CH,), i32), pltpu.VMEM((_CH,), i32),
            pltpu.VMEM((_CH, _D), f32), pltpu.VMEM((_CH, _D), f32),
            pltpu.VMEM((_TAIL,), i32), pltpu.VMEM((_TAIL, _D), f32),
            pltpu.SemaphoreType.DMA, pltpu.SemaphoreType.DMA,
        ])


def kernel(x, edge_index, edge_attr, batch, subgraph_batch, num_subgraphs,
           subgraph_id_batch, W_root0, W_nbr0, We0, b0, g0, be0,
           W_root1, W_nbr1, We1, b1, g1, be1, Wf1, bf1, Wf2, bf2):
    f32 = jnp.float32
    i32 = jnp.int32
    z128 = jnp.zeros((_RPT, _D), f32)
    ones = jnp.ones((_CH, _D), f32)
    ei_flat = edge_index.reshape(-1)
    We0p = jnp.pad(We0, ((0, _D - _DE), (0, 0)))
    We1p = jnp.pad(We1, ((0, _D - _DE), (0, 0)))
    ea_flat = edge_attr.reshape(-1)

    agg = _make_agg()
    parts0 = agg(ei_flat, x, z128)

    ea_k = pl.kernel(
        _ea_body,
        out_type=jax.ShapeDtypeStruct((_NC, _N, _D), f32),
        mesh=_sc_mesh(),
        scratch_types=[
            pltpu.VMEM_SHARED((_N, _D), f32),
            pltpu.VMEM((_CH,), i32), pltpu.VMEM((_CH,), i32),
            pltpu.VMEM((_CH * _DE,), f32), pltpu.VMEM((_CH * _DE,), f32),
            pltpu.VMEM((_CH, _D), f32), pltpu.VMEM((_CH, _D), f32),
            pltpu.VMEM((_TAIL,), i32), pltpu.VMEM((_TAIL * _DE,), f32),
            pltpu.VMEM((_TAIL, _D), f32),
            pltpu.SemaphoreType.DMA, pltpu.SemaphoreType.DMA,
        ])
    ea_parts = ea_k(ei_flat, ea_flat, z128)

    h1 = _dense(x, parts0, ea_parts, W_root0, W_nbr0, We0p, b0, g0, be0)
    parts1 = _make_agg()(ei_flat, h1, z128)
    h2 = _dense(h1, parts1, ea_parts, W_root1, W_nbr1, We1p, b1, g1, be1)

    tmp = jnp.concatenate([jnp.zeros((1,), i32),
                           jnp.cumsum(num_subgraphs, dtype=i32)])
    sid = subgraph_batch + tmp[batch]

    pool = pl.kernel(
        _pool_body,
        out_type=(jax.ShapeDtypeStruct((_NC, _TS, _D), f32),
                  jax.ShapeDtypeStruct((_NC, _TS, _D), f32)),
        mesh=_sc_mesh(),
        scratch_types=[
            pltpu.VMEM_SHARED((_TS, _D), f32),
            pltpu.VMEM_SHARED((_TS, _D), f32),
            pltpu.VMEM((_CH, _D), f32), pltpu.VMEM((_CH,), i32),
            pltpu.VMEM((_NTAIL, _D), f32), pltpu.VMEM((_NTAIL,), i32),
            pltpu.VMEM((_CH, _D), f32),
        ])
    sums, cnts = pool(h2, sid, z128, ones)

    out = pl.pallas_call(
        _head_body,
        out_shape=jax.ShapeDtypeStruct((_G, _TASKS), jnp.float32),
    )(sums, cnts, Wf1, bf1.reshape(1, -1), Wf2, bf2.reshape(1, -1))
    return out

# --- scband reference (transcript-rebuilt; emitter-appended) ---
"""Pipeline reference for scband-dsnetwork-7249904796358 (READ-ONLY COPY).

The authoritative reference and input builder live on the scoring server;
editing this copy changes nothing except your own understanding.
"""

import jax, jax.numpy as jnp
import numpy as np

N = 10000
E = 320000
D = 128
DE = 16
G = 64
S = 8
TS = G * S
EMB = 128
TASKS = 10


def _seg_mean(data, ids, num):
    s = jax.ops.segment_sum(data, ids, num_segments=num)
    c = jax.ops.segment_sum(jnp.ones((data.shape[0],), data.dtype), ids, num_segments=num)
    return s / jnp.maximum(c, 1.0)[:, None]


def _bn(h, g, b):
    m = jnp.mean(h, axis=0)
    v = jnp.var(h, axis=0)
    return (h - m) / jnp.sqrt(v + 1e-5) * g + b


def setup_inputs(seed: int = 0):
    key = jax.random.key(seed)
    ks = jax.random.split(key, 24)
    inp = {}
    inp["x"] = jax.random.normal(ks[0], (N, D), dtype=jnp.float32)
    inp["edge_index"] = jax.random.randint(ks[1], (2, E), 0, N, dtype=jnp.int32)
    inp["edge_attr"] = jax.random.normal(ks[2], (E, DE), dtype=jnp.float32)
    inp["batch"] = jnp.sort(jax.random.randint(ks[3], (N,), 0, G, dtype=jnp.int32))
    inp["subgraph_batch"] = jax.random.randint(ks[4], (N,), 0, S, dtype=jnp.int32)
    inp["num_subgraphs"] = jnp.full((G,), S, dtype=jnp.int32)
    inp["subgraph_id_batch"] = jnp.repeat(jnp.arange(G, dtype=jnp.int32), S)
    sd = 1.0 / np.sqrt(D)
    se = 1.0 / np.sqrt(DE)
    sm = 1.0 / np.sqrt(EMB)
    inp["W_root0"] = jax.random.normal(ks[5], (D, EMB), dtype=jnp.float32) * sd
    inp["W_nbr0"] = jax.random.normal(ks[6], (D, EMB), dtype=jnp.float32) * sd
    inp["We0"] = jax.random.normal(ks[7], (DE, D), dtype=jnp.float32) * se
    inp["b0"] = jnp.zeros((EMB,), jnp.float32)
    inp["g0"] = jnp.ones((EMB,), jnp.float32)
    inp["be0"] = jnp.zeros((EMB,), jnp.float32)
    inp["W_root1"] = jax.random.normal(ks[8], (EMB, EMB), dtype=jnp.float32) * sm
    inp["W_nbr1"] = jax.random.normal(ks[9], (EMB, EMB), dtype=jnp.float32) * sm
    inp["We1"] = jax.random.normal(ks[10], (DE, EMB), dtype=jnp.float32) * se
    inp["b1"] = jnp.zeros((EMB,), jnp.float32)
    inp["g1"] = jnp.ones((EMB,), jnp.float32)
    inp["be1"] = jnp.zeros((EMB,), jnp.float32)
    inp["Wf1"] = jax.random.normal(ks[11], (EMB, 2 * EMB), dtype=jnp.float32) * sm
    inp["bf1"] = jnp.zeros((2 * EMB,), jnp.float32)
    inp["Wf2"] = jax.random.normal(ks[12], (2 * EMB, TASKS), dtype=jnp.float32) * (1.0 / np.sqrt(2 * EMB))
    inp["bf2"] = jnp.zeros((TASKS,), jnp.float32)
    return inp


def _forward(x, edge_attr, Ws, edge_index, batch, subgraph_batch, num_subgraphs, subgraph_id_batch):
    (W_root0, W_nbr0, We0, b0, g0, be0,
     W_root1, W_nbr1, We1, b1, g1, be1,
     Wf1, bf1, Wf2, bf2) = Ws
    src = edge_index[0]
    dst = edge_index[1]
    h = x
    for (Wr, Wn, We, b, g, be) in ((W_root0, W_nbr0, We0, b0, g0, be0),
                                   (W_root1, W_nbr1, We1, b1, g1, be1)):
        msg = h[src] + edge_attr @ We
        agg = jax.ops.segment_sum(msg, dst, num_segments=N)
        z = h @ Wr + agg @ Wn + b
        h = jax.nn.relu(_bn(z, g, be))
    tmp = jnp.concatenate([jnp.zeros((1,), num_subgraphs.dtype), jnp.cumsum(num_subgraphs)])
    sid = subgraph_batch + tmp[batch]
    h_sub = _seg_mean(h, sid, TS)
    h_graph = _seg_mean(h_sub, subgraph_id_batch, G)
    hg = jax.nn.relu(h_graph @ Wf1 + bf1)
    return hg @ Wf2 + bf2


def reference(x, edge_index, edge_attr, batch, subgraph_batch, num_subgraphs, subgraph_id_batch,
              W_root0, W_nbr0, We0, b0, g0, be0,
              W_root1, W_nbr1, We1, b1, g1, be1,
              Wf1, bf1, Wf2, bf2):
    Ws = (W_root0, W_nbr0, We0, b0, g0, be0,
          W_root1, W_nbr1, We1, b1, g1, be1,
          Wf1, bf1, Wf2, bf2)
    return _forward(x, edge_attr, Ws, edge_index, batch, subgraph_batch, num_subgraphs, subgraph_id_batch)

if __name__ == "__main__":
    import jax
    _d = setup_inputs()
    print(jax.jit(kernel)(*tuple(_d.values())))

</pallas_src>

<mosaic_0001>
#map = affine_map<(d0, d1) -> (0)>
#map1 = affine_map<(d0, d1) -> (0, 0)>
#map2 = affine_map<(d0, d1) -> (0, 0, 0)>
module attributes {stable_mosaic.version = 14 : i64} {
  func.func @_agg_body(%arg0: i32, %arg1: i32, %arg2: memref<640000xi32, #tpu.memory_space<hbm>>, %arg3: memref<10000x128xf32, #tpu.memory_space<hbm>>, %arg4: memref<624x128xf32, #tpu.memory_space<hbm>>, %arg5: memref<2x10000x128xf32, #tpu.memory_space<hbm>>, %arg6: memref<10000x128xf32, #tpu.memory_space<vmem_shared>>, %arg7: memref<10000xi32, #tpu.memory_space<vmem>>, %arg8: memref<128xi32, #tpu.memory_space<vmem>>, %arg9: memref<128xi32, #tpu.memory_space<vmem>>, %arg10: memref<128x128xf32, #tpu.memory_space<vmem>>, %arg11: memref<128x128xf32, #tpu.memory_space<vmem>>, %arg12: memref<16xi32, #tpu.memory_space<vmem>>, %arg13: memref<16x128xf32, #tpu.memory_space<vmem>>, %arg14: memref<!tpu.dma_semaphore, #tpu.memory_space<semaphore_mem>>, %arg15: memref<!tpu.dma_semaphore, #tpu.memory_space<semaphore_mem>>) attributes {dimension_semantics = [#tpu.dimension_semantics<core_parallel>, #tpu.dimension_semantics<subcore_parallel>], iteration_bounds = array<i64: 2, 16>, scalar_prefetch = 0 : i64, scratch_operands = 10 : i64, tpu.core_type = #tpu.core_type<sc_vector_subcore>, window_params = [{transform_indices = #map}, {transform_indices = #map1}, {transform_indices = #map1}, {transform_indices = #map2}]} {
    %mul3A = arith.constant 16 : i32
    %mul3A_0 = arith.muli %arg0, %mul3A : i32
    %add3A = arith.addi %mul3A_0, %arg1 : i32
    %mul3A_1 = arith.constant 624 : i32
    %mul3A_2 = arith.muli %arg1, %mul3A_1 : i32
    %multiple_of3A = tpu.assume_multiple %mul3A_2, 8 : i32
    "tpu.region"() ({
      %run_scoped3A = tpu.sem_alloc : memref<!tpu.dma_semaphore, #tpu.memory_space<semaphore_mem>>
      %dma_start3A_37 = arith.constant 0 : i32
      %dma_start3A_38 = tpu.memref_slice %arg6[%multiple_of3A, %dma_start3A_37] : memref<10000x128xf32, #tpu.memory_space<vmem_shared>> -> memref<624x128xf32, #tpu.memory_space<vmem_shared>>
      %dma_start3A_39 = arith.constant 0 : i32
      %dma_start3A_40 = arith.constant 0 : i32
      %dma_start3A_41 = tpu.memref_slice %arg4[%dma_start3A_39, %dma_start3A_40] : memref<624x128xf32, #tpu.memory_space<hbm>> -> memref<624x128xf32, #tpu.memory_space<hbm>>
      tpu.enqueue_dma source(%dma_start3A_41 : memref<624x128xf32, #tpu.memory_space<hbm>>) target(%dma_start3A_38 : memref<624x128xf32, #tpu.memory_space<vmem_shared>>) target_semaphore(%run_scoped3A : memref<!tpu.dma_semaphore, #tpu.memory_space<semaphore_mem>>)
      %dma_wait3A_42 = arith.constant 0 : i32
      %dma_wait3A_43 = tpu.memref_slice %arg6[%multiple_of3A, %dma_wait3A_42] : memref<10000x128xf32, #tpu.memory_space<vmem_shared>> -> memref<624x128xf32, #tpu.memory_space<vmem_shared>>
      %dma_wait3A_44 = arith.constant 0 : i32
      %dma_wait3A_45 = arith.constant 0 : i32
      %dma_wait3A_46 = tpu.memref_slice %arg4[%dma_wait3A_44, %dma_wait3A_45] : memref<624x128xf32, #tpu.memory_space<hbm>> -> memref<624x128xf32, #tpu.memory_space<hbm>>
      tpu.wait_dma2 semaphore(%run_scoped3A : memref<!tpu.dma_semaphore, #tpu.memory_space<semaphore_mem>>) src(%dma_wait3A_46 : memref<624x128xf32, #tpu.memory_space<hbm>>) dst(%dma_wait3A_43 : memref<624x128xf32, #tpu.memory_space<vmem_shared>>)
      tpu.yield
    }) : () -> ()
    %eq3A = arith.constant 15 : i32
    %eq3A_3 = arith.cmpi eq, %arg1, %eq3A : i32
    %convert_element_type3A = arith.extui %eq3A_3 : i1 to i32
    %cond3A = arith.constant 0 : i32
    %cond3A_4 = arith.cmpi ne, %convert_element_type3A, %cond3A : i32
    scf.if %cond3A_4 {
      "tpu.region"() ({
        %run_scoped3A = tpu.sem_alloc : memref<!tpu.dma_semaphore, #tpu.memory_space<semaphore_mem>>
        %dma_start3A_37 = arith.constant 9984 : i32
        %dma_start3A_38 = arith.constant 0 : i32
        %dma_start3A_39 = tpu.memref_slice %arg6[%dma_start3A_37, %dma_start3A_38] : memref<10000x128xf32, #tpu.memory_space<vmem_shared>> -> memref<16x128xf32, #tpu.memory_space<vmem_shared>>
        %dma_start3A_40 = arith.constant 0 : i32
        %dma_start3A_41 = arith.constant 0 : i32
        %dma_start3A_42 = tpu.memref_slice %arg4[%dma_start3A_40, %dma_start3A_41] : memref<624x128xf32, #tpu.memory_space<hbm>> -> memref<16x128xf32, #tpu.memory_space<hbm>>
        tpu.enqueue_dma source(%dma_start3A_42 : memref<16x128xf32, #tpu.memory_space<hbm>>) target(%dma_start3A_39 : memref<16x128xf32, #tpu.memory_space<vmem_shared>>) target_semaphore(%run_scoped3A : memref<!tpu.dma_semaphore, #tpu.memory_space<semaphore_mem>>)
        %dma_wait3A_43 = arith.constant 9984 : i32
        %dma_wait3A_44 = arith.constant 0 : i32
        %dma_wait3A_45 = tpu.memref_slice %arg6[%dma_wait3A_43, %dma_wait3A_44] : memref<10000x128xf32, #tpu.memory_space<vmem_shared>> -> memref<16x128xf32, #tpu.memory_space<vmem_shared>>
        %dma_wait3A_46 = arith.constant 0 : i32
        %dma_wait3A_47 = arith.constant 0 : i32
        %dma_wait3A_48 = tpu.memref_slice %arg4[%dma_wait3A_46, %dma_wait3A_47] : memref<624x128xf32, #tpu.memory_space<hbm>> -> memref<16x128xf32, #tpu.memory_space<hbm>>
        tpu.wait_dma2 semaphore(%run_scoped3A : memref<!tpu.dma_semaphore, #tpu.memory_space<semaphore_mem>>) src(%dma_wait3A_48 : memref<16x128xf32, #tpu.memory_space<hbm>>) dst(%dma_wait3A_45 : memref<16x128xf32, #tpu.memory_space<vmem_shared>>)
        tpu.yield
      }) : () -> ()
    } else {
    }
    %mul3A_5 = arith.constant 10000 : i32
    %mul3A_6 = arith.muli %add3A, %mul3A_5 : i32
    "tpu.region"() ({
      %run_scoped3A = tpu.sem_alloc : memref<!tpu.dma_semaphore, #tpu.memory_space<semaphore_mem>>
      %dma_start3A_37 = tpu.memref_slice %arg2[%mul3A_6] : memref<640000xi32, #tpu.memory_space<hbm>> -> memref<10000xi32, #tpu.memory_space<hbm>>
      %dma_start3A_38 = tpu.memref_slice %arg2[%mul3A_6] : memref<640000xi32, #tpu.memory_space<hbm>> -> memref<10000xi32, #tpu.memory_space<hbm>>
      tpu.enqueue_dma source(%dma_start3A_38 : memref<10000xi32, #tpu.memory_space<hbm>>) target(%arg7 : memref<10000xi32, #tpu.memory_space<vmem>>) target_semaphore(%run_scoped3A : memref<!tpu.dma_semaphore, #tpu.memory_space<semaphore_mem>>)
      %dma_wait3A_39 = tpu.memref_slice %arg2[%mul3A_6] : memref<640000xi32, #tpu.memory_space<hbm>> -> memref<10000xi32, #tpu.memory_space<hbm>>
      %dma_wait3A_40 = tpu.memref_slice %arg2[%mul3A_6] : memref<640000xi32, #tpu.memory_space<hbm>> -> memref<10000xi32, #tpu.memory_space<hbm>>
      tpu.wait_dma2 semaphore(%run_scoped3A : memref<!tpu.dma_semaphore, #tpu.memory_space<semaphore_mem>>) src(%dma_wait3A_40 : memref<10000xi32, #tpu.memory_space<hbm>>) dst(%arg7 : memref<10000xi32, #tpu.memory_space<vmem>>)
      tpu.yield
    }) : () -> ()
    %barrier3A = arith.constant 0 : index
    tpu.barrier barrier_id(%barrier3A)
    %add3A_7 = arith.constant 320000 : i32
    %add3A_8 = arith.addi %add3A_7, %mul3A_6 : i32
    "tpu.region"() ({
      %run_scoped3A = tpu.sem_alloc : memref<!tpu.dma_semaphore, #tpu.memory_space<semaphore_mem>>
      %dma_start3A_37 = tpu.memref_slice %arg2[%add3A_8] : memref<640000xi32, #tpu.memory_space<hbm>> -> memref<128xi32, #tpu.memory_space<hbm>>
      %dma_start3A_38 = tpu.memref_slice %arg2[%add3A_8] : memref<640000xi32, #tpu.memory_space<hbm>> -> memref<128xi32, #tpu.memory_space<hbm>>
      tpu.enqueue_dma source(%dma_start3A_38 : memref<128xi32, #tpu.memory_space<hbm>>) target(%arg8 : memref<128xi32, #tpu.memory_space<vmem>>) target_semaphore(%run_scoped3A : memref<!tpu.dma_semaphore, #tpu.memory_space<semaphore_mem>>)
      %dma_wait3A_39 = tpu.memref_slice %arg2[%add3A_8] : memref<640000xi32, #tpu.memory_space<hbm>> -> memref<128xi32, #tpu.memory_space<hbm>>
      %dma_wait3A_40 = tpu.memref_slice %arg2[%add3A_8] : memref<640000xi32, #tpu.memory_space<hbm>> -> memref<128xi32, #tpu.memory_space<hbm>>
      tpu.wait_dma2 semaphore(%run_scoped3A : memref<!tpu.dma_semaphore, #tpu.memory_space<semaphore_mem>>) src(%dma_wait3A_40 : memref<128xi32, #tpu.memory_space<hbm>>) dst(%arg8 : memref<128xi32, #tpu.memory_space<vmem>>)
      tpu.yield
    }) : () -> ()
    %dma_start3A = arith.constant 0 : i32
    %dma_start3A_9 = tpu.memref_slice %arg7[%dma_start3A] : memref<10000xi32, #tpu.memory_space<vmem>> -> memref<128xi32, #tpu.memory_space<vmem>>
    %dma_start3A_10 = arith.constant 0 : i32
    %dma_start3A_11 = arith.constant 0 : i32
    %dma_start3A_12 = tpu.memref_slice %arg3[%dma_start3A_10, %dma_start3A_11] : memref<10000x128xf32, #tpu.memory_space<hbm>> -> memref<10000x128xf32, #tpu.memory_space<hbm>>
    tpu.enqueue_indirect_dma source(%dma_start3A_12 : memref<10000x128xf32, #tpu.memory_space<hbm>>) target(%arg10 : memref<128x128xf32, #tpu.memory_space<vmem>>) offsets(%dma_start3A_9 : memref<128xi32, #tpu.memory_space<vmem>>) semaphore(%arg14 : memref<!tpu.dma_semaphore, #tpu.memory_space<semaphore_mem>>)
    %scan3A = arith.constant 0 : i32
    %scan3A_13 = arith.constant 0 : i32
    %scan3A_14 = arith.constant 39 : i32
    %scan3A_15 = arith.addi %scan3A_13, %scan3A_14 : i32
    %scan3A_16 = arith.constant 1 : i32
    scf.for %scan3A_37 = %scan3A_13 to %scan3A_15 step %scan3A_16  : i32 {
      %mul3A_38 = arith.constant 2 : i32
      %mul3A_39 = arith.muli %scan3A_37, %mul3A_38 : i32
      %add3A_40 = arith.constant 1 : i32
      %add3A_41 = arith.addi %mul3A_39, %add3A_40 : i32
      %add3A_42 = arith.constant 320000 : i32
      %add3A_43 = arith.addi %add3A_42, %mul3A_6 : i32
      %mul3A_44 = arith.constant 128 : i32
      %mul3A_45 = arith.muli %add3A_41, %mul3A_44 : i32
      %add3A_46 = arith.addi %add3A_43, %mul3A_45 : i32
      "tpu.region"() ({
        %run_scoped3A = tpu.sem_alloc : memref<!tpu.dma_semaphore, #tpu.memory_space<semaphore_mem>>
        %dma_start3A_67 = tpu.memref_slice %arg2[%add3A_46] : memref<640000xi32, #tpu.memory_space<hbm>> -> memref<128xi32, #tpu.memory_space<hbm>>
        %dma_start3A_68 = tpu.memref_slice %arg2[%add3A_46] : memref<640000xi32, #tpu.memory_space<hbm>> -> memref<128xi32, #tpu.memory_space<hbm>>
        tpu.enqueue_dma source(%dma_start3A_68 : memref<128xi32, #tpu.memory_space<hbm>>) target(%arg9 : memref<128xi32, #tpu.memory_space<vmem>>) target_semaphore(%run_scoped3A : memref<!tpu.dma_semaphore, #tpu.memory_space<semaphore_mem>>)
        %dma_wait3A_69 = tpu.memref_slice %arg2[%add3A_46] : memref<640000xi32, #tpu.memory_space<hbm>> -> memref<128xi32, #tpu.memory_space<hbm>>
        %dma_wait3A_70 = tpu.memref_slice %arg2[%add3A_46] : memref<640000xi32, #tpu.memory_space<hbm>> -> memref<128xi32, #tpu.memory_space<hbm>>
        tpu.wait_dma2 semaphore(%run_scoped3A : memref<!tpu.dma_semaphore, #tpu.memory_space<semaphore_mem>>) src(%dma_wait3A_70 : memref<128xi32, #tpu.memory_space<hbm>>) dst(%arg9 : memref<128xi32, #tpu.memory_space<vmem>>)
        tpu.yield
      }) : () -> ()
      %mul3A_47 = arith.constant 128 : i32
      %mul3A_48 = arith.muli %add3A_41, %mul3A_47 : i32
      %dma_start3A_49 = tpu.memref_slice %arg7[%mul3A_48] : memref<10000xi32, #tpu.memory_space<vmem>> -> memref<128xi32, #tpu.memory_space<vmem>>
      %dma_start3A_50 = arith.constant 0 : i32
      %dma_start3A_51 = arith.constant 0 : i32
      %dma_start3A_52 = tpu.memref_slice %arg3[%dma_start3A_50, %dma_start3A_51] : memref<10000x128xf32, #tpu.memory_space<hbm>> -> memref<10000x128xf32, #tpu.memory_space<hbm>>
      tpu.enqueue_indirect_dma source(%dma_start3A_52 : memref<10000x128xf32, #tpu.memory_space<hbm>>) target(%arg11 : memref<128x128xf32, #tpu.memory_space<vmem>>) offsets(%dma_start3A_49 : memref<128xi32, #tpu.memory_space<vmem>>) semaphore(%arg15 : memref<!tpu.dma_semaphore, #tpu.memory_space<semaphore_mem>>)
      %mul3A_53 = arith.constant 128 : i32
      %mul3A_54 = arith.muli %mul3A_39, %mul3A_53 : i32
      %dma_wait3A_55 = tpu.memref_slice %arg7[%mul3A_54] : memref<10000xi32, #tpu.memory_space<vmem>> -> memref<128xi32, #tpu.memory_space<vmem>>
      %dma_wait3A_56 = arith.constant 0 : i32
      %dma_wait3A_57 = arith.constant 0 : i32
      %dma_wait3A_58 = tpu.memref_slice %arg3[%dma_wait3A_56, %dma_wait3A_57] : memref<10000x128xf32, #tpu.memory_space<hbm>> -> memref<10000x128xf32, #tpu.memory_space<hbm>>
      tpu.wait_indirect_dma semaphore(%arg14 : memref<!tpu.dma_semaphore, #tpu.memory_space<semaphore_mem>>) src(%dma_wait3A_58 : memref<10000x128xf32, #tpu.memory_space<hbm>>) dst(%arg10 : memref<128x128xf32, #tpu.memory_space<vmem>>)
      "tpu.region"() ({
        %run_scoped3A = tpu.sem_alloc : memref<!tpu.dma_semaphore, #tpu.memory_space<semaphore_mem>>
        %dma_start3A_67 = arith.constant 0 : i32
        %dma_start3A_68 = arith.constant 0 : i32
        %dma_start3A_69 = tpu.memref_slice %arg6[%dma_start3A_67, %dma_start3A_68] : memref<10000x128xf32, #tpu.memory_space<vmem_shared>> -> memref<10000x128xf32, #tpu.memory_space<vmem_shared>>
        tpu.enqueue_indirect_dma source(%arg10 : memref<128x128xf32, #tpu.memory_space<vmem>>) target(%dma_start3A_69 : memref<10000x128xf32, #tpu.memory_space<vmem_shared>>) offsets(%arg8 : memref<128xi32, #tpu.memory_space<vmem>>) semaphore(%run_scoped3A : memref<!tpu.dma_semaphore, #tpu.memory_space<semaphore_mem>>) {add = true}
        %dma_wait3A_70 = arith.constant 0 : i32
        %dma_wait3A_71 = arith.constant 0 : i32
        %dma_wait3A_72 = tpu.memref_slice %arg6[%dma_wait3A_70, %dma_wait3A_71] : memref<10000x128xf32, #tpu.memory_space<vmem_shared>> -> memref<10000x128xf32, #tpu.memory_space<vmem_shared>>
        tpu.wait_indirect_dma semaphore(%run_scoped3A : memref<!tpu.dma_semaphore, #tpu.memory_space<semaphore_mem>>) src(%arg10 : memref<128x128xf32, #tpu.memory_space<vmem>>) dst(%dma_wait3A_72 : memref<10000x128xf32, #tpu.memory_space<vmem_shared>>)
        tpu.yield
      }) : () -> ()
      %lt3A = arith.constant 38 : i32
      %lt3A_59 = arith.cmpi slt, %scan3A_37, %lt3A : i32
      %convert_element_type3A_60 = arith.extui %lt3A_59 : i1 to i32
      %cond3A_61 = arith.constant 0 : i32
      %cond3A_62 = arith.cmpi ne, %convert_element_type3A_60, %cond3A_61 : i32
      scf.if %cond3A_62 {
        %add3A_67 = arith.constant 320000 : i32
        %add3A_68 = arith.addi %add3A_67, %mul3A_6 : i32
        %add3A_69 = arith.constant 2 : i32
        %add3A_70 = arith.addi %mul3A_39, %add3A_69 : i32
        %mul3A_71 = arith.constant 128 : i32
        %mul3A_72 = arith.muli %add3A_70, %mul3A_71 : i32
        %add3A_73 = arith.addi %add3A_68, %mul3A_72 : i32
        "tpu.region"() ({
          %run_scoped3A = tpu.sem_alloc : memref<!tpu.dma_semaphore, #tpu.memory_space<semaphore_mem>>
          %dma_start3A_82 = tpu.memref_slice %arg2[%add3A_73] : memref<640000xi32, #tpu.memory_space<hbm>> -> memref<128xi32, #tpu.memory_space<hbm>>
          %dma_start3A_83 = tpu.memref_slice %arg2[%add3A_73] : memref<640000xi32, #tpu.memory_space<hbm>> -> memref<128xi32, #tpu.memory_space<hbm>>
          tpu.enqueue_dma source(%dma_start3A_83 : memref<128xi32, #tpu.memory_space<hbm>>) target(%arg8 : memref<128xi32, #tpu.memory_space<vmem>>) target_semaphore(%run_scoped3A : memref<!tpu.dma_semaphore, #tpu.memory_space<semaphore_mem>>)
          %dma_wait3A_84 = tpu.memref_slice %arg2[%add3A_73] : memref<640000xi32, #tpu.memory_space<hbm>> -> memref<128xi32, #tpu.memory_space<hbm>>
          %dma_wait3A_85 = tpu.memref_slice %arg2[%add3A_73] : memref<640000xi32, #tpu.memory_space<hbm>> -> memref<128xi32, #tpu.memory_space<hbm>>
          tpu.wait_dma2 semaphore(%run_scoped3A : memref<!tpu.dma_semaphore, #tpu.memory_space<semaphore_mem>>) src(%dma_wait3A_85 : memref<128xi32, #tpu.memory_space<hbm>>) dst(%arg8 : memref<128xi32, #tpu.memory_space<vmem>>)
          tpu.yield
        }) : () -> ()
        %add3A_74 = arith.constant 2 : i32
        %add3A_75 = arith.addi %mul3A_39, %add3A_74 : i32
        %mul3A_76 = arith.constant 128 : i32
        %mul3A_77 = arith.muli %add3A_75, %mul3A_76 : i32
        %dma_start3A_78 = tpu.memref_slice %arg7[%mul3A_77] : memref<10000xi32, #tpu.memory_space<vmem>> -> memref<128xi32, #tpu.memory_space<vmem>>
        %dma_start3A_79 = arith.constant 0 : i32
        %dma_start3A_80 = arith.constant 0 : i32
        %dma_start3A_81 = tpu.memref_slice %arg3[%dma_start3A_79, %dma_start3A_80] : memref<10000x128xf32, #tpu.memory_space<hbm>> -> memref<10000x128xf32, #tpu.memory_space<hbm>>
        tpu.enqueue_indirect_dma source(%dma_start3A_81 : memref<10000x128xf32, #tpu.memory_space<hbm>>) target(%arg10 : memref<128x128xf32, #tpu.memory_space<vmem>>) offsets(%dma_start3A_78 : memref<128xi32, #tpu.memory_space<vmem>>) semaphore(%arg14 : memref<!tpu.dma_semaphore, #tpu.memory_space<semaphore_mem>>)
      } else {
      }
      %dma_wait3A_63 = tpu.memref_slice %arg7[%mul3A_48] : memref<10000xi32, #tpu.memory_space<vmem>> -> memref<128xi32, #tpu.memory_space<vmem>>
      %dma_wait3A_64 = arith.constant 0 : i32
      %dma_wait3A_65 = arith.constant 0 : i32
      %dma_wait3A_66 = tpu.memref_slice %arg3[%dma_wait3A_64, %dma_wait3A_65] : memref<10000x128xf32, #tpu.memory_space<hbm>> -> memref<10000x128xf32, #tpu.memory_space<hbm>>
      tpu.wait_indirect_dma semaphore(%arg15 : memref<!tpu.dma_semaphore, #tpu.memory_space<semaphore_mem>>) src(%dma_wait3A_66 : memref<10000x128xf32, #tpu.memory_space<hbm>>) dst(%arg11 : memref<128x128xf32, #tpu.memory_space<vmem>>)
      "tpu.region"() ({
        %run_scoped3A = tpu.sem_alloc : memref<!tpu.dma_semaphore, #tpu.memory_space<semaphore_mem>>
        %dma_start3A_67 = arith.constant 0 : i32
        %dma_start3A_68 = arith.constant 0 : i32
        %dma_start3A_69 = tpu.memref_slice %arg6[%dma_start3A_67, %dma_start3A_68] : memref<10000x128xf32, #tpu.memory_space<vmem_shared>> -> memref<10000x128xf32, #tpu.memory_space<vmem_shared>>
        tpu.enqueue_indirect_dma source(%arg11 : memref<128x128xf32, #tpu.memory_space<vmem>>) target(%dma_start3A_69 : memref<10000x128xf32, #tpu.memory_space<vmem_shared>>) offsets(%arg9 : memref<128xi32, #tpu.memory_space<vmem>>) semaphore(%run_scoped3A : memref<!tpu.dma_semaphore, #tpu.memory_space<semaphore_mem>>) {add = true}
        %dma_wait3A_70 = arith.constant 0 : i32
        %dma_wait3A_71 = arith.constant 0 : i32
        %dma_wait3A_72 = tpu.memref_slice %arg6[%dma_wait3A_70, %dma_wait3A_71] : memref<10000x128xf32, #tpu.memory_space<vmem_shared>> -> memref<10000x128xf32, #tpu.memory_space<vmem_shared>>
        tpu.wait_indirect_dma semaphore(%run_scoped3A : memref<!tpu.dma_semaphore, #tpu.memory_space<semaphore_mem>>) src(%arg11 : memref<128x128xf32, #tpu.memory_space<vmem>>) dst(%dma_wait3A_72 : memref<10000x128xf32, #tpu.memory_space<vmem_shared>>)
        tpu.yield
      }) : () -> ()
    }
    %scan3A_17 = arith.constant 39 : i32
    %add3A_18 = arith.constant 9984 : i32
    %add3A_19 = arith.addi %mul3A_6, %add3A_18 : i32
    %add3A_20 = arith.constant 320000 : i32
    %add3A_21 = arith.addi %add3A_20, %add3A_19 : i32
    "tpu.region"() ({
      %run_scoped3A = tpu.sem_alloc : memref<!tpu.dma_semaphore, #tpu.memory_space<semaphore_mem>>
      %dma_start3A_37 = tpu.memref_slice %arg2[%add3A_21] : memref<640000xi32, #tpu.memory_space<hbm>> -> memref<16xi32, #tpu.memory_space<hbm>>
      %dma_start3A_38 = tpu.memref_slice %arg2[%add3A_21] : memref<640000xi32, #tpu.memory_space<hbm>> -> memref<16xi32, #tpu.memory_space<hbm>>
      tpu.enqueue_dma source(%dma_start3A_38 : memref<16xi32, #tpu.memory_space<hbm>>) target(%arg12 : memref<16xi32, #tpu.memory_space<vmem>>) target_semaphore(%run_scoped3A : memref<!tpu.dma_semaphore, #tpu.memory_space<semaphore_mem>>)
      %dma_wait3A_39 = tpu.memref_slice %arg2[%add3A_21] : memref<640000xi32, #tpu.memory_space<hbm>> -> memref<16xi32, #tpu.memory_space<hbm>>
      %dma_wait3A_40 = tpu.memref_slice %arg2[%add3A_21] : memref<640000xi32, #tpu.memory_space<hbm>> -> memref<16xi32, #tpu.memory_space<hbm>>
      tpu.wait_dma2 semaphore(%run_scoped3A : memref<!tpu.dma_semaphore, #tpu.memory_space<semaphore_mem>>) src(%dma_wait3A_40 : memref<16xi32, #tpu.memory_space<hbm>>) dst(%arg12 : memref<16xi32, #tpu.memory_space<vmem>>)
      tpu.yield
    }) : () -> ()
    %dma_start3A_22 = arith.constant 9984 : i32
    %dma_start3A_23 = tpu.memref_slice %arg7[%dma_start3A_22] : memref<10000xi32, #tpu.memory_space<vmem>> -> memref<16xi32, #tpu.memory_space<vmem>>
    %dma_start3A_24 = arith.constant 0 : i32
    %dma_start3A_25 = arith.constant 0 : i32
    %dma_start3A_26 = tpu.memref_slice %arg3[%dma_start3A_24, %dma_start3A_25] : memref<10000x128xf32, #tpu.memory_space<hbm>> -> memref<10000x128xf32, #tpu.memory_space<hbm>>
    tpu.enqueue_indirect_dma source(%dma_start3A_26 : memref<10000x128xf32, #tpu.memory_space<hbm>>) target(%arg13 : memref<16x128xf32, #tpu.memory_space<vmem>>) offsets(%dma_start3A_23 : memref<16xi32, #tpu.memory_space<vmem>>) semaphore(%arg14 : memref<!tpu.dma_semaphore, #tpu.memory_space<semaphore_mem>>)
    %dma_wait3A = arith.constant 9984 : i32
    %dma_wait3A_27 = tpu.memref_slice %arg7[%dma_wait3A] : memref<10000xi32, #tpu.memory_space<vmem>> -> memref<16xi32, #tpu.memory_space<vmem>>
    %dma_wait3A_28 = arith.constant 0 : i32
    %dma_wait3A_29 = arith.constant 0 : i32
    %dma_wait3A_30 = tpu.memref_slice %arg3[%dma_wait3A_28, %dma_wait3A_29] : memref<10000x128xf32, #tpu.memory_space<hbm>> -> memref<10000x128xf32, #tpu.memory_space<hbm>>
    tpu.wait_indirect_dma semaphore(%arg14 : memref<!tpu.dma_semaphore, #tpu.memory_space<semaphore_mem>>) src(%dma_wait3A_30 : memref<10000x128xf32, #tpu.memory_space<hbm>>) dst(%arg13 : memref<16x128xf32, #tpu.memory_space<vmem>>)
    "tpu.region"() ({
      %run_scoped3A = tpu.sem_alloc : memref<!tpu.dma_semaphore, #tpu.memory_space<semaphore_mem>>
      %dma_start3A_37 = arith.constant 0 : i32
      %dma_start3A_38 = arith.constant 0 : i32
      %dma_start3A_39 = tpu.memref_slice %arg6[%dma_start3A_37, %dma_start3A_38] : memref<10000x128xf32, #tpu.memory_space<vmem_shared>> -> memref<10000x128xf32, #tpu.memory_space<vmem_shared>>
      tpu.enqueue_indirect_dma source(%arg13 : memref<16x128xf32, #tpu.memory_space<vmem>>) target(%dma_start3A_39 : memref<10000x128xf32, #tpu.memory_space<vmem_shared>>) offsets(%arg12 : memref<16xi32, #tpu.memory_space<vmem>>) semaphore(%run_scoped3A : memref<!tpu.dma_semaphore, #tpu.memory_space<semaphore_mem>>) {add = true}
      %dma_wait3A_40 = arith.constant 0 : i32
      %dma_wait3A_41 = arith.constant 0 : i32
      %dma_wait3A_42 = tpu.memref_slice %arg6[%dma_wait3A_40, %dma_wait3A_41] : memref<10000x128xf32, #tpu.memory_space<vmem_shared>> -> memref<10000x128xf32, #tpu.memory_space<vmem_shared>>
      tpu.wait_indirect_dma semaphore(%run_scoped3A : memref<!tpu.dma_semaphore, #tpu.memory_space<semaphore_mem>>) src(%arg13 : memref<16x128xf32, #tpu.memory_space<vmem>>) dst(%dma_wait3A_42 : memref<10000x128xf32, #tpu.memory_space<vmem_shared>>)
      tpu.yield
    }) : () -> ()
    %barrier3A_31 = arith.constant 0 : index
    tpu.barrier barrier_id(%barrier3A_31)
    "tpu.region"() ({
      %run_scoped3A = tpu.sem_alloc : memref<!tpu.dma_semaphore, #tpu.memory_space<semaphore_mem>>
      %dma_start3A_37 = arith.constant 0 : i32
      %dma_start3A_38 = tpu.memref_slice %arg5[%arg0, %multiple_of3A, %dma_start3A_37] : memref<2x10000x128xf32, #tpu.memory_space<hbm>> -> memref<1x624x128xf32, #tpu.memory_space<hbm>>
      %dma_start3A_39 = tpu.memref_squeeze %dma_start3A_38 : memref<1x624x128xf32, #tpu.memory_space<hbm>> -> memref<624x128xf32, #tpu.memory_space<hbm>>
      %dma_start3A_40 = arith.constant 0 : i32
      %dma_start3A_41 = tpu.memref_slice %arg6[%multiple_of3A, %dma_start3A_40] : memref<10000x128xf32, #tpu.memory_space<vmem_shared>> -> memref<624x128xf32, #tpu.memory_space<vmem_shared>>
      tpu.enqueue_dma source(%dma_start3A_41 : memref<624x128xf32, #tpu.memory_space<vmem_shared>>) target(%dma_start3A_39 : memref<624x128xf32, #tpu.memory_space<hbm>>) target_semaphore(%run_scoped3A : memref<!tpu.dma_semaphore, #tpu.memory_space<semaphore_mem>>)
      %dma_wait3A_42 = arith.constant 0 : i32
      %dma_wait3A_43 = tpu.memref_slice %arg5[%arg0, %multiple_of3A, %dma_wait3A_42] : memref<2x10000x128xf32, #tpu.memory_space<hbm>> -> memref<1x624x128xf32, #tpu.memory_space<hbm>>
      %dma_wait3A_44 = tpu.memref_squeeze %dma_wait3A_43 : memref<1x624x128xf32, #tpu.memory_space<hbm>> -> memref<624x128xf32, #tpu.memory_space<hbm>>
      %dma_wait3A_45 = arith.constant 0 : i32
      %dma_wait3A_46 = tpu.memref_slice %arg6[%multiple_of3A, %dma_wait3A_45] : memref<10000x128xf32, #tpu.memory_space<vmem_shared>> -> memref<624x128xf32, #tpu.memory_space<vmem_shared>>
      tpu.wait_dma2 semaphore(%run_scoped3A : memref<!tpu.dma_semaphore, #tpu.memory_space<semaphore_mem>>) src(%dma_wait3A_46 : memref<624x128xf32, #tpu.memory_space<vmem_shared>>) dst(%dma_wait3A_44 : memref<624x128xf32, #tpu.memory_space<hbm>>)
      tpu.yield
    }) : () -> ()
    %eq3A_32 = arith.constant 15 : i32
    %eq3A_33 = arith.cmpi eq, %arg1, %eq3A_32 : i32
    %convert_element_type3A_34 = arith.extui %eq3A_33 : i1 to i32
    %cond3A_35 = arith.constant 0 : i32
    %cond3A_36 = arith.cmpi ne, %convert_element_type3A_34, %cond3A_35 : i32
    scf.if %cond3A_36 {
      "tpu.region"() ({
        %run_scoped3A = tpu.sem_alloc : memref<!tpu.dma_semaphore, #tpu.memory_space<semaphore_mem>>
        %dma_start3A_37 = arith.constant 9984 : i32
        %dma_start3A_38 = arith.constant 0 : i32
        %dma_start3A_39 = tpu.memref_slice %arg5[%arg0, %dma_start3A_37, %dma_start3A_38] : memref<2x10000x128xf32, #tpu.memory_space<hbm>> -> memref<1x16x128xf32, #tpu.memory_space<hbm>>
        %dma_start3A_40 = tpu.memref_squeeze %dma_start3A_39 : memref<1x16x128xf32, #tpu.memory_space<hbm>> -> memref<16x128xf32, #tpu.memory_space<hbm>>
        %dma_start3A_41 = arith.constant 9984 : i32
        %dma_start3A_42 = arith.constant 0 : i32
        %dma_start3A_43 = tpu.memref_slice %arg6[%dma_start3A_41, %dma_start3A_42] : memref<10000x128xf32, #tpu.memory_space<vmem_shared>> -> memref<16x128xf32, #tpu.memory_space<vmem_shared>>
        tpu.enqueue_dma source(%dma_start3A_43 : memref<16x128xf32, #tpu.memory_space<vmem_shared>>) target(%dma_start3A_40 : memref<16x128xf32, #tpu.memory_space<hbm>>) target_semaphore(%run_scoped3A : memref<!tpu.dma_semaphore, #tpu.memory_space<semaphore_mem>>)
        %dma_wait3A_44 = arith.constant 9984 : i32
        %dma_wait3A_45 = arith.constant 0 : i32
        %dma_wait3A_46 = tpu.memref_slice %arg5[%arg0, %dma_wait3A_44, %dma_wait3A_45] : memref<2x10000x128xf32, #tpu.memory_space<hbm>> -> memref<1x16x128xf32, #tpu.memory_space<hbm>>
        %dma_wait3A_47 = tpu.memref_squeeze %dma_wait3A_46 : memref<1x16x128xf32, #tpu.memory_space<hbm>> -> memref<16x128xf32, #tpu.memory_space<hbm>>
        %dma_wait3A_48 = arith.constant 9984 : i32
        %dma_wait3A_49 = arith.constant 0 : i32
        %dma_wait3A_50 = tpu.memref_slice %arg6[%dma_wait3A_48, %dma_wait3A_49] : memref<10000x128xf32, #tpu.memory_space<vmem_shared>> -> memref<16x128xf32, #tpu.memory_space<vmem_shared>>
        tpu.wait_dma2 semaphore(%run_scoped3A : memref<!tpu.dma_semaphore, #tpu.memory_space<semaphore_mem>>) src(%dma_wait3A_50 : memref<16x128xf32, #tpu.memory_space<vmem_shared>>) dst(%dma_wait3A_47 : memref<16x128xf32, #tpu.memory_space<hbm>>)
        tpu.yield
      }) : () -> ()
    } else {
    }
    return
  }
}

#map = affine_map<(d0, d1) -> (0)>
#map1 = affine_map<(d0, d1) -> (0, 0)>
#map2 = affine_map<(d0, d1) -> (0, 0, 0)>
module attributes {stable_mosaic.version = 14 : i64} {
  func.func @_ea_body(%arg0: i32, %arg1: i32, %arg2: memref<640000xi32, #tpu.memory_space<hbm>>, %arg3: memref<5120000xf32, #tpu.memory_space<hbm>>, %arg4: memref<624x128xf32, #tpu.memory_space<hbm>>, %arg5: memref<2x10000x128xf32, #tpu.memory_space<hbm>>, %arg6: memref<10000x128xf32, #tpu.memory_space<vmem_shared>>, %arg7: memref<128xi32, #tpu.memory_space<vmem>>, %arg8: memref<128xi32, #tpu.memory_space<vmem>>, %arg9: memref<2048xf32, #tpu.memory_space<vmem>>, %arg10: memref<2048xf32, #tpu.memory_space<vmem>>, %arg11: memref<128x128xf32, #tpu.memory_space<vmem>>, %arg12: memref<128x128xf32, #tpu.memory_space<vmem>>, %arg13: memref<16xi32, #tpu.memory_space<vmem>>, %arg14: memref<256xf32, #tpu.memory_space<vmem>>, %arg15: memref<16x128xf32, #tpu.memory_space<vmem>>, %arg16: memref<!tpu.dma_semaphore, #tpu.memory_space<semaphore_mem>>, %arg17: memref<!tpu.dma_semaphore, #tpu.memory_space<semaphore_mem>>) attributes {dimension_semantics = [#tpu.dimension_semantics<core_parallel>, #tpu.dimension_semantics<subcore_parallel>], iteration_bounds = array<i64: 2, 16>, scalar_prefetch = 0 : i64, scratch_operands = 12 : i64, tpu.core_type = #tpu.core_type<sc_vector_subcore>, window_params = [{transform_indices = #map}, {transform_indices = #map}, {transform_indices = #map1}, {transform_indices = #map2}]} {
    %mul3A = arith.constant 16 : i32
    %mul3A_0 = arith.muli %arg0, %mul3A : i32
    %add3A = arith.addi %mul3A_0, %arg1 : i32
    %mul3A_1 = arith.constant 624 : i32
    %mul3A_2 = arith.muli %arg1, %mul3A_1 : i32
    %multiple_of3A = tpu.assume_multiple %mul3A_2, 8 : i32
    "tpu.region"() ({
      %run_scoped3A = tpu.sem_alloc : memref<!tpu.dma_semaphore, #tpu.memory_space<semaphore_mem>>
      %dma_start3A_40 = arith.constant 0 : i32
      %dma_start3A_41 = tpu.memref_slice %arg6[%multiple_of3A, %dma_start3A_40] : memref<10000x128xf32, #tpu.memory_space<vmem_shared>> -> memref<624x128xf32, #tpu.memory_space<vmem_shared>>
      %dma_start3A_42 = arith.constant 0 : i32
      %dma_start3A_43 = arith.constant 0 : i32
      %dma_start3A_44 = tpu.memref_slice %arg4[%dma_start3A_42, %dma_start3A_43] : memref<624x128xf32, #tpu.memory_space<hbm>> -> memref<624x128xf32, #tpu.memory_space<hbm>>
      tpu.enqueue_dma source(%dma_start3A_44 : memref<624x128xf32, #tpu.memory_space<hbm>>) target(%dma_start3A_41 : memref<624x128xf32, #tpu.memory_space<vmem_shared>>) target_semaphore(%run_scoped3A : memref<!tpu.dma_semaphore, #tpu.memory_space<semaphore_mem>>)
      %dma_wait3A_45 = arith.constant 0 : i32
      %dma_wait3A_46 = tpu.memref_slice %arg6[%multiple_of3A, %dma_wait3A_45] : memref<10000x128xf32, #tpu.memory_space<vmem_shared>> -> memref<624x128xf32, #tpu.memory_space<vmem_shared>>
      %dma_wait3A_47 = arith.constant 0 : i32
      %dma_wait3A_48 = arith.constant 0 : i32
      %dma_wait3A_49 = tpu.memref_slice %arg4[%dma_wait3A_47, %dma_wait3A_48] : memref<624x128xf32, #tpu.memory_space<hbm>> -> memref<624x128xf32, #tpu.memory_space<hbm>>
      tpu.wait_dma2 semaphore(%run_scoped3A : memref<!tpu.dma_semaphore, #tpu.memory_space<semaphore_mem>>) src(%dma_wait3A_49 : memref<624x128xf32, #tpu.memory_space<hbm>>) dst(%dma_wait3A_46 : memref<624x128xf32, #tpu.memory_space<vmem_shared>>)
      tpu.yield
    }) : () -> ()
    %eq3A = arith.constant 15 : i32
    %eq3A_3 = arith.cmpi eq, %arg1, %eq3A : i32
    %convert_element_type3A = arith.extui %eq3A_3 : i1 to i32
    %cond3A = arith.constant 0 : i32
    %cond3A_4 = arith.cmpi ne, %convert_element_type3A, %cond3A : i32
    scf.if %cond3A_4 {
      "tpu.region"() ({
        %run_scoped3A = tpu.sem_alloc : memref<!tpu.dma_semaphore, #tpu.memory_space<semaphore_mem>>
        %dma_start3A_40 = arith.constant 9984 : i32
        %dma_start3A_41 = arith.constant 0 : i32
        %dma_start3A_42 = tpu.memref_slice %arg6[%dma_start3A_40, %dma_start3A_41] : memref<10000x128xf32, #tpu.memory_space<vmem_shared>> -> memref<16x128xf32, #tpu.memory_space<vmem_shared>>
        %dma_start3A_43 = arith.constant 0 : i32
        %dma_start3A_44 = arith.constant 0 : i32
        %dma_start3A_45 = tpu.memref_slice %arg4[%dma_start3A_43, %dma_start3A_44] : memref<624x128xf32, #tpu.memory_space<hbm>> -> memref<16x128xf32, #tpu.memory_space<hbm>>
        tpu.enqueue_dma source(%dma_start3A_45 : memref<16x128xf32, #tpu.memory_space<hbm>>) target(%dma_start3A_42 : memref<16x128xf32, #tpu.memory_space<vmem_shared>>) target_semaphore(%run_scoped3A : memref<!tpu.dma_semaphore, #tpu.memory_space<semaphore_mem>>)
        %dma_wait3A_46 = arith.constant 9984 : i32
        %dma_wait3A_47 = arith.constant 0 : i32
        %dma_wait3A_48 = tpu.memref_slice %arg6[%dma_wait3A_46, %dma_wait3A_47] : memref<10000x128xf32, #tpu.memory_space<vmem_shared>> -> memref<16x128xf32, #tpu.memory_space<vmem_shared>>
        %dma_wait3A_49 = arith.constant 0 : i32
        %dma_wait3A_50 = arith.constant 0 : i32
        %dma_wait3A_51 = tpu.memref_slice %arg4[%dma_wait3A_49, %dma_wait3A_50] : memref<624x128xf32, #tpu.memory_space<hbm>> -> memref<16x128xf32, #tpu.memory_space<hbm>>
        tpu.wait_dma2 semaphore(%run_scoped3A : memref<!tpu.dma_semaphore, #tpu.memory_space<semaphore_mem>>) src(%dma_wait3A_51 : memref<16x128xf32, #tpu.memory_space<hbm>>) dst(%dma_wait3A_48 : memref<16x128xf32, #tpu.memory_space<vmem_shared>>)
        tpu.yield
      }) : () -> ()
    } else {
    }
    "tpu.region"() ({
      %run_scoped3A = tpu.sem_alloc : memref<!tpu.dma_semaphore, #tpu.memory_space<semaphore_mem>>
      %dma_start3A_40 = arith.constant 0 : i32
      %dma_start3A_41 = arith.constant 0 : i32
      %dma_start3A_42 = tpu.memref_slice %arg4[%dma_start3A_40, %dma_start3A_41] : memref<624x128xf32, #tpu.memory_space<hbm>> -> memref<128x128xf32, #tpu.memory_space<hbm>>
      %dma_start3A_43 = arith.constant 0 : i32
      %dma_start3A_44 = arith.constant 0 : i32
      %dma_start3A_45 = tpu.memref_slice %arg4[%dma_start3A_43, %dma_start3A_44] : memref<624x128xf32, #tpu.memory_space<hbm>> -> memref<128x128xf32, #tpu.memory_space<hbm>>
      tpu.enqueue_dma source(%dma_start3A_45 : memref<128x128xf32, #tpu.memory_space<hbm>>) target(%arg11 : memref<128x128xf32, #tpu.memory_space<vmem>>) target_semaphore(%run_scoped3A : memref<!tpu.dma_semaphore, #tpu.memory_space<semaphore_mem>>)
      %dma_wait3A_46 = arith.constant 0 : i32
      %dma_wait3A_47 = arith.constant 0 : i32
      %dma_wait3A_48 = tpu.memref_slice %arg4[%dma_wait3A_46, %dma_wait3A_47] : memref<624x128xf32, #tpu.memory_space<hbm>> -> memref<128x128xf32, #tpu.memory_space<hbm>>
      %dma_wait3A_49 = arith.constant 0 : i32
      %dma_wait3A_50 = arith.constant 0 : i32
      %dma_wait3A_51 = tpu.memref_slice %arg4[%dma_wait3A_49, %dma_wait3A_50] : memref<624x128xf32, #tpu.memory_space<hbm>> -> memref<128x128xf32, #tpu.memory_space<hbm>>
      tpu.wait_dma2 semaphore(%run_scoped3A : memref<!tpu.dma_semaphore, #tpu.memory_space<semaphore_mem>>) src(%dma_wait3A_51 : memref<128x128xf32, #tpu.memory_space<hbm>>) dst(%arg11 : memref<128x128xf32, #tpu.memory_space<vmem>>)
      tpu.yield
    }) : () -> ()
    "tpu.region"() ({
      %run_scoped3A = tpu.sem_alloc : memref<!tpu.dma_semaphore, #tpu.memory_space<semaphore_mem>>
      %dma_start3A_40 = arith.constant 0 : i32
      %dma_start3A_41 = arith.constant 0 : i32
      %dma_start3A_42 = tpu.memref_slice %arg4[%dma_start3A_40, %dma_start3A_41] : memref<624x128xf32, #tpu.memory_space<hbm>> -> memref<128x128xf32, #tpu.memory_space<hbm>>
      %dma_start3A_43 = arith.constant 0 : i32
      %dma_start3A_44 = arith.constant 0 : i32
      %dma_start3A_45 = tpu.memref_slice %arg4[%dma_start3A_43, %dma_start3A_44] : memref<624x128xf32, #tpu.memory_space<hbm>> -> memref<128x128xf32, #tpu.memory_space<hbm>>
      tpu.enqueue_dma source(%dma_start3A_45 : memref<128x128xf32, #tpu.memory_space<hbm>>) target(%arg12 : memref<128x128xf32, #tpu.memory_space<vmem>>) target_semaphore(%run_scoped3A : memref<!tpu.dma_semaphore, #tpu.memory_space<semaphore_mem>>)
      %dma_wait3A_46 = arith.constant 0 : i32
      %dma_wait3A_47 = arith.constant 0 : i32
      %dma_wait3A_48 = tpu.memref_slice %arg4[%dma_wait3A_46, %dma_wait3A_47] : memref<624x128xf32, #tpu.memory_space<hbm>> -> memref<128x128xf32, #tpu.memory_space<hbm>>
      %dma_wait3A_49 = arith.constant 0 : i32
      %dma_wait3A_50 = arith.constant 0 : i32
      %dma_wait3A_51 = tpu.memref_slice %arg4[%dma_wait3A_49, %dma_wait3A_50] : memref<624x128xf32, #tpu.memory_space<hbm>> -> memref<128x128xf32, #tpu.memory_space<hbm>>
      tpu.wait_dma2 semaphore(%run_scoped3A : memref<!tpu.dma_semaphore, #tpu.memory_space<semaphore_mem>>) src(%dma_wait3A_51 : memref<128x128xf32, #tpu.memory_space<hbm>>) dst(%arg12 : memref<128x128xf32, #tpu.memory_space<vmem>>)
      tpu.yield
    }) : () -> ()
    "tpu.region"() ({
      %run_scoped3A = tpu.sem_alloc : memref<!tpu.dma_semaphore, #tpu.memory_space<semaphore_mem>>
      %dma_start3A_40 = arith.constant 0 : i32
      %dma_start3A_41 = arith.constant 0 : i32
      %dma_start3A_42 = tpu.memref_slice %arg4[%dma_start3A_40, %dma_start3A_41] : memref<624x128xf32, #tpu.memory_space<hbm>> -> memref<16x128xf32, #tpu.memory_space<hbm>>
      %dma_start3A_43 = arith.constant 0 : i32
      %dma_start3A_44 = arith.constant 0 : i32
      %dma_start3A_45 = tpu.memref_slice %arg4[%dma_start3A_43, %dma_start3A_44] : memref<624x128xf32, #tpu.memory_space<hbm>> -> memref<16x128xf32, #tpu.memory_space<hbm>>
      tpu.enqueue_dma source(%dma_start3A_45 : memref<16x128xf32, #tpu.memory_space<hbm>>) target(%arg15 : memref<16x128xf32, #tpu.memory_space<vmem>>) target_semaphore(%run_scoped3A : memref<!tpu.dma_semaphore, #tpu.memory_space<semaphore_mem>>)
      %dma_wait3A_46 = arith.constant 0 : i32
      %dma_wait3A_47 = arith.constant 0 : i32
      %dma_wait3A_48 = tpu.memref_slice %arg4[%dma_wait3A_46, %dma_wait3A_47] : memref<624x128xf32, #tpu.memory_space<hbm>> -> memref<16x128xf32, #tpu.memory_space<hbm>>
      %dma_wait3A_49 = arith.constant 0 : i32
      %dma_wait3A_50 = arith.constant 0 : i32
      %dma_wait3A_51 = tpu.memref_slice %arg4[%dma_wait3A_49, %dma_wait3A_50] : memref<624x128xf32, #tpu.memory_space<hbm>> -> memref<16x128xf32, #tpu.memory_space<hbm>>
      tpu.wait_dma2 semaphore(%run_scoped3A : memref<!tpu.dma_semaphore, #tpu.memory_space<semaphore_mem>>) src(%dma_wait3A_51 : memref<16x128xf32, #tpu.memory_space<hbm>>) dst(%arg15 : memref<16x128xf32, #tpu.memory_space<vmem>>)
      tpu.yield
    }) : () -> ()
    %mul3A_5 = arith.constant 10000 : i32
    %mul3A_6 = arith.muli %add3A, %mul3A_5 : i32
    %barrier3A = arith.constant 0 : index
    tpu.barrier barrier_id(%barrier3A)
    %add3A_7 = arith.constant 320000 : i32
    %add3A_8 = arith.addi %add3A_7, %mul3A_6 : i32
    "tpu.region"() ({
      %run_scoped3A = tpu.sem_alloc : memref<!tpu.dma_semaphore, #tpu.memory_space<semaphore_mem>>
      %dma_start3A_40 = tpu.memref_slice %arg2[%add3A_8] : memref<640000xi32, #tpu.memory_space<hbm>> -> memref<128xi32, #tpu.memory_space<hbm>>
      %dma_start3A_41 = tpu.memref_slice %arg2[%add3A_8] : memref<640000xi32, #tpu.memory_space<hbm>> -> memref<128xi32, #tpu.memory_space<hbm>>
      tpu.enqueue_dma source(%dma_start3A_41 : memref<128xi32, #tpu.memory_space<hbm>>) target(%arg7 : memref<128xi32, #tpu.memory_space<vmem>>) target_semaphore(%run_scoped3A : memref<!tpu.dma_semaphore, #tpu.memory_space<semaphore_mem>>)
      %dma_wait3A_42 = tpu.memref_slice %arg2[%add3A_8] : memref<640000xi32, #tpu.memory_space<hbm>> -> memref<128xi32, #tpu.memory_space<hbm>>
      %dma_wait3A_43 = tpu.memref_slice %arg2[%add3A_8] : memref<640000xi32, #tpu.memory_space<hbm>> -> memref<128xi32, #tpu.memory_space<hbm>>
      tpu.wait_dma2 semaphore(%run_scoped3A : memref<!tpu.dma_semaphore, #tpu.memory_space<semaphore_mem>>) src(%dma_wait3A_43 : memref<128xi32, #tpu.memory_space<hbm>>) dst(%arg7 : memref<128xi32, #tpu.memory_space<vmem>>)
      tpu.yield
    }) : () -> ()
    %add3A_9 = arith.constant 0 : i32
    %add3A_10 = arith.addi %mul3A_6, %add3A_9 : i32
    %mul3A_11 = arith.constant 16 : i32
    %mul3A_12 = arith.muli %add3A_10, %mul3A_11 : i32
    %dma_start3A = tpu.memref_slice %arg3[%mul3A_12] : memref<5120000xf32, #tpu.memory_space<hbm>> -> memref<2048xf32, #tpu.memory_space<hbm>>
    %dma_start3A_13 = tpu.memref_slice %arg3[%mul3A_12] : memref<5120000xf32, #tpu.memory_space<hbm>> -> memref<2048xf32, #tpu.memory_space<hbm>>
    tpu.enqueue_dma source(%dma_start3A_13 : memref<2048xf32, #tpu.memory_space<hbm>>) target(%arg9 : memref<2048xf32, #tpu.memory_space<vmem>>) target_semaphore(%arg16 : memref<!tpu.dma_semaphore, #tpu.memory_space<semaphore_mem>>)
    %scan3A = arith.constant 0 : i32
    %scan3A_14 = arith.constant 0 : i32
    %scan3A_15 = arith.constant 39 : i32
    %scan3A_16 = arith.addi %scan3A_14, %scan3A_15 : i32
    %scan3A_17 = arith.constant 1 : i32
    scf.for %scan3A_40 = %scan3A_14 to %scan3A_16 step %scan3A_17  : i32 {
      %mul3A_41 = arith.constant 2 : i32
      %mul3A_42 = arith.muli %scan3A_40, %mul3A_41 : i32
      %add3A_43 = arith.constant 1 : i32
      %add3A_44 = arith.addi %mul3A_42, %add3A_43 : i32
      %add3A_45 = arith.constant 320000 : i32
      %add3A_46 = arith.addi %add3A_45, %mul3A_6 : i32
      %mul3A_47 = arith.constant 128 : i32
      %mul3A_48 = arith.muli %add3A_44, %mul3A_47 : i32
      %add3A_49 = arith.addi %add3A_46, %mul3A_48 : i32
      "tpu.region"() ({
        %run_scoped3A = tpu.sem_alloc : memref<!tpu.dma_semaphore, #tpu.memory_space<semaphore_mem>>
        %dma_start3A_82 = tpu.memref_slice %arg2[%add3A_49] : memref<640000xi32, #tpu.memory_space<hbm>> -> memref<128xi32, #tpu.memory_space<hbm>>
        %dma_start3A_83 = tpu.memref_slice %arg2[%add3A_49] : memref<640000xi32, #tpu.memory_space<hbm>> -> memref<128xi32, #tpu.memory_space<hbm>>
        tpu.enqueue_dma source(%dma_start3A_83 : memref<128xi32, #tpu.memory_space<hbm>>) target(%arg8 : memref<128xi32, #tpu.memory_space<vmem>>) target_semaphore(%run_scoped3A : memref<!tpu.dma_semaphore, #tpu.memory_space<semaphore_mem>>)
        %dma_wait3A_84 = tpu.memref_slice %arg2[%add3A_49] : memref<640000xi32, #tpu.memory_space<hbm>> -> memref<128xi32, #tpu.memory_space<hbm>>
        %dma_wait3A_85 = tpu.memref_slice %arg2[%add3A_49] : memref<640000xi32, #tpu.memory_space<hbm>> -> memref<128xi32, #tpu.memory_space<hbm>>
        tpu.wait_dma2 semaphore(%run_scoped3A : memref<!tpu.dma_semaphore, #tpu.memory_space<semaphore_mem>>) src(%dma_wait3A_85 : memref<128xi32, #tpu.memory_space<hbm>>) dst(%arg8 : memref<128xi32, #tpu.memory_space<vmem>>)
        tpu.yield
      }) : () -> ()
      %mul3A_50 = arith.constant 128 : i32
      %mul3A_51 = arith.muli %add3A_44, %mul3A_50 : i32
      %add3A_52 = arith.addi %mul3A_6, %mul3A_51 : i32
      %mul3A_53 = arith.constant 16 : i32
      %mul3A_54 = arith.muli %add3A_52, %mul3A_53 : i32
      %dma_start3A_55 = tpu.memref_slice %arg3[%mul3A_54] : memref<5120000xf32, #tpu.memory_space<hbm>> -> memref<2048xf32, #tpu.memory_space<hbm>>
      %dma_start3A_56 = tpu.memref_slice %arg3[%mul3A_54] : memref<5120000xf32, #tpu.memory_space<hbm>> -> memref<2048xf32, #tpu.memory_space<hbm>>
      tpu.enqueue_dma source(%dma_start3A_56 : memref<2048xf32, #tpu.memory_space<hbm>>) target(%arg10 : memref<2048xf32, #tpu.memory_space<vmem>>) target_semaphore(%arg17 : memref<!tpu.dma_semaphore, #tpu.memory_space<semaphore_mem>>)
      %mul3A_57 = arith.constant 128 : i32
      %mul3A_58 = arith.muli %mul3A_42, %mul3A_57 : i32
      %add3A_59 = arith.addi %mul3A_6, %mul3A_58 : i32
      %mul3A_60 = arith.constant 16 : i32
      %mul3A_61 = arith.muli %add3A_59, %mul3A_60 : i32
      %dma_wait3A_62 = tpu.memref_slice %arg3[%mul3A_61] : memref<5120000xf32, #tpu.memory_space<hbm>> -> memref<2048xf32, #tpu.memory_space<hbm>>
      %dma_wait3A_63 = tpu.memref_slice %arg3[%mul3A_61] : memref<5120000xf32, #tpu.memory_space<hbm>> -> memref<2048xf32, #tpu.memory_space<hbm>>
      tpu.wait_dma2 semaphore(%arg16 : memref<!tpu.dma_semaphore, #tpu.memory_space<semaphore_mem>>) src(%dma_wait3A_63 : memref<2048xf32, #tpu.memory_space<hbm>>) dst(%arg9 : memref<2048xf32, #tpu.memory_space<vmem>>)
      %scan3A_64 = arith.constant 0 : i32
      %scan3A_65 = arith.constant 0 : i32
      %scan3A_66 = arith.constant 16 : i32
      %scan3A_67 = arith.addi %scan3A_65, %scan3A_66 : i32
      %scan3A_68 = arith.constant 1 : i32
      scf.for %scan3A_82 = %scan3A_65 to %scan3A_67 step %scan3A_68  : i32 {
        %mul3A_83 = arith.constant 8 : i32
        %mul3A_84 = arith.muli %scan3A_82, %mul3A_83 : i32
        %add3A_85 = arith.constant 0 : i32
        %add3A_86 = arith.addi %mul3A_84, %add3A_85 : i32
        %mul3A_87 = arith.constant 16 : i32
        %mul3A_88 = arith.muli %add3A_86, %mul3A_87 : i32
        %get3A = arith.index_cast %mul3A_88 : i32 to index
        %get3A_89 = tpu.vector_load %arg9[%get3A] {strides = array<i32>} : memref<2048xf32, #tpu.memory_space<vmem>>, vector<16xf32>,
        %get3A_90 = vector.shape_cast %get3A_89 : vector<16xf32> to vector<16xf32>
        %swap3A = arith.index_cast %add3A_86 : i32 to index
        %swap3A_91 = arith.constant 0 : index
        %swap3A_92 = tpu.vector_load %arg11[%swap3A, %swap3A_91] {strides = array<i32>} : memref<128x128xf32, #tpu.memory_space<vmem>>, vector<1x16xf32>,
        %swap3A_93 = vector.shape_cast %swap3A_92 : vector<1x16xf32> to vector<16xf32>
        %swap3A_94 = vector.shape_cast %get3A_90 : vector<16xf32> to vector<1x16xf32>
        tpu.vector_store %arg11[%swap3A, %swap3A_91], %swap3A_94 {strides = array<i32>} : memref<128x128xf32, #tpu.memory_space<vmem>>, vector<1x16xf32>,
        %mul3A_95 = arith.constant 8 : i32
        %mul3A_96 = arith.muli %scan3A_82, %mul3A_95 : i32
        %add3A_97 = arith.constant 1 : i32
        %add3A_98 = arith.addi %mul3A_96, %add3A_97 : i32
        %mul3A_99 = arith.constant 16 : i32
        %mul3A_100 = arith.muli %add3A_98, %mul3A_99 : i32
        %get3A_101 = arith.index_cast %mul3A_100 : i32 to index
        %get3A_102 = tpu.vector_load %arg9[%get3A_101] {strides = array<i32>} : memref<2048xf32, #tpu.memory_space<vmem>>, vector<16xf32>,
        %get3A_103 = vector.shape_cast %get3A_102 : vector<16xf32> to vector<16xf32>
        %swap3A_104 = arith.index_cast %add3A_98 : i32 to index
        %swap3A_105 = arith.constant 0 : index
        %swap3A_106 = tpu.vector_load %arg11[%swap3A_104, %swap3A_105] {strides = array<i32>} : memref<128x128xf32, #tpu.memory_space<vmem>>, vector<1x16xf32>,
        %swap3A_107 = vector.shape_cast %swap3A_106 : vector<1x16xf32> to vector<16xf32>
        %swap3A_108 = vector.shape_cast %get3A_103 : vector<16xf32> to vector<1x16xf32>
        tpu.vector_store %arg11[%swap3A_104, %swap3A_105], %swap3A_108 {strides = array<i32>} : memref<128x128xf32, #tpu.memory_space<vmem>>, vector<1x16xf32>,
        %mul3A_109 = arith.constant 8 : i32
        %mul3A_110 = arith.muli %scan3A_82, %mul3A_109 : i32
        %add3A_111 = arith.constant 2 : i32
        %add3A_112 = arith.addi %mul3A_110, %add3A_111 : i32
        %mul3A_113 = arith.constant 16 : i32
        %mul3A_114 = arith.muli %add3A_112, %mul3A_113 : i32
        %get3A_115 = arith.index_cast %mul3A_114 : i32 to index
        %get3A_116 = tpu.vector_load %arg9[%get3A_115] {strides = array<i32>} : memref<2048xf32, #tpu.memory_space<vmem>>, vector<16xf32>,
        %get3A_117 = vector.shape_cast %get3A_116 : vector<16xf32> to vector<16xf32>
        %swap3A_118 = arith.index_cast %add3A_112 : i32 to index
        %swap3A_119 = arith.constant 0 : index
        %swap3A_120 = tpu.vector_load %arg11[%swap3A_118, %swap3A_119] {strides = array<i32>} : memref<128x128xf32, #tpu.memory_space<vmem>>, vector<1x16xf32>,
        %swap3A_121 = vector.shape_cast %swap3A_120 : vector<1x16xf32> to vector<16xf32>
        %swap3A_122 = vector.shape_cast %get3A_117 : vector<16xf32> to vector<1x16xf32>
        tpu.vector_store %arg11[%swap3A_118, %swap3A_119], %swap3A_122 {strides = array<i32>} : memref<128x128xf32, #tpu.memory_space<vmem>>, vector<1x16xf32>,
        %mul3A_123 = arith.constant 8 : i32
        %mul3A_124 = arith.muli %scan3A_82, %mul3A_123 : i32
        %add3A_125 = arith.constant 3 : i32
        %add3A_126 = arith.addi %mul3A_124, %add3A_125 : i32
        %mul3A_127 = arith.constant 16 : i32
        %mul3A_128 = arith.muli %add3A_126, %mul3A_127 : i32
        %get3A_129 = arith.index_cast %mul3A_128 : i32 to index
        %get3A_130 = tpu.vector_load %arg9[%get3A_129] {strides = array<i32>} : memref<2048xf32, #tpu.memory_space<vmem>>, vector<16xf32>,
        %get3A_131 = vector.shape_cast %get3A_130 : vector<16xf32> to vector<16xf32>
        %swap3A_132 = arith.index_cast %add3A_126 : i32 to index
        %swap3A_133 = arith.constant 0 : index
        %swap3A_134 = tpu.vector_load %arg11[%swap3A_132, %swap3A_133] {strides = array<i32>} : memref<128x128xf32, #tpu.memory_space<vmem>>, vector<1x16xf32>,
        %swap3A_135 = vector.shape_cast %swap3A_134 : vector<1x16xf32> to vector<16xf32>
        %swap3A_136 = vector.shape_cast %get3A_131 : vector<16xf32> to vector<1x16xf32>
        tpu.vector_store %arg11[%swap3A_132, %swap3A_133], %swap3A_136 {strides = array<i32>} : memref<128x128xf32, #tpu.memory_space<vmem>>, vector<1x16xf32>,
        %mul3A_137 = arith.constant 8 : i32
        %mul3A_138 = arith.muli %scan3A_82, %mul3A_137 : i32
        %add3A_139 = arith.constant 4 : i32
        %add3A_140 = arith.addi %mul3A_138, %add3A_139 : i32
        %mul3A_141 = arith.constant 16 : i32
        %mul3A_142 = arith.muli %add3A_140, %mul3A_141 : i32
        %get3A_143 = arith.index_cast %mul3A_142 : i32 to index
        %get3A_144 = tpu.vector_load %arg9[%get3A_143] {strides = array<i32>} : memref<2048xf32, #tpu.memory_space<vmem>>, vector<16xf32>,
        %get3A_145 = vector.shape_cast %get3A_144 : vector<16xf32> to vector<16xf32>
        %swap3A_146 = arith.index_cast %add3A_140 : i32 to index
        %swap3A_147 = arith.constant 0 : index
        %swap3A_148 = tpu.vector_load %arg11[%swap3A_146, %swap3A_147] {strides = array<i32>} : memref<128x128xf32, #tpu.memory_space<vmem>>, vector<1x16xf32>,
        %swap3A_149 = vector.shape_cast %swap3A_148 : vector<1x16xf32> to vector<16xf32>
        %swap3A_150 = vector.shape_cast %get3A_145 : vector<16xf32> to vector<1x16xf32>
        tpu.vector_store %arg11[%swap3A_146, %swap3A_147], %swap3A_150 {strides = array<i32>} : memref<128x128xf32, #tpu.memory_space<vmem>>, vector<1x16xf32>,
        %mul3A_151 = arith.constant 8 : i32
        %mul3A_152 = arith.muli %scan3A_82, %mul3A_151 : i32
        %add3A_153 = arith.constant 5 : i32
        %add3A_154 = arith.addi %mul3A_152, %add3A_153 : i32
        %mul3A_155 = arith.constant 16 : i32
        %mul3A_156 = arith.muli %add3A_154, %mul3A_155 : i32
        %get3A_157 = arith.index_cast %mul3A_156 : i32 to index
        %get3A_158 = tpu.vector_load %arg9[%get3A_157] {strides = array<i32>} : memref<2048xf32, #tpu.memory_space<vmem>>, vector<16xf32>,
        %get3A_159 = vector.shape_cast %get3A_158 : vector<16xf32> to vector<16xf32>
        %swap3A_160 = arith.index_cast %add3A_154 : i32 to index
        %swap3A_161 = arith.constant 0 : index
        %swap3A_162 = tpu.vector_load %arg11[%swap3A_160, %swap3A_161] {strides = array<i32>} : memref<128x128xf32, #tpu.memory_space<vmem>>, vector<1x16xf32>,
        %swap3A_163 = vector.shape_cast %swap3A_162 : vector<1x16xf32> to vector<16xf32>
        %swap3A_164 = vector.shape_cast %get3A_159 : vector<16xf32> to vector<1x16xf32>
        tpu.vector_store %arg11[%swap3A_160, %swap3A_161], %swap3A_164 {strides = array<i32>} : memref<128x128xf32, #tpu.memory_space<vmem>>, vector<1x16xf32>,
        %mul3A_165 = arith.constant 8 : i32
        %mul3A_166 = arith.muli %scan3A_82, %mul3A_165 : i32
        %add3A_167 = arith.constant 6 : i32
        %add3A_168 = arith.addi %mul3A_166, %add3A_167 : i32
        %mul3A_169 = arith.constant 16 : i32
        %mul3A_170 = arith.muli %add3A_168, %mul3A_169 : i32
        %get3A_171 = arith.index_cast %mul3A_170 : i32 to index
        %get3A_172 = tpu.vector_load %arg9[%get3A_171] {strides = array<i32>} : memref<2048xf32, #tpu.memory_space<vmem>>, vector<16xf32>,
        %get3A_173 = vector.shape_cast %get3A_172 : vector<16xf32> to vector<16xf32>
        %swap3A_174 = arith.index_cast %add3A_168 : i32 to index
        %swap3A_175 = arith.constant 0 : index
        %swap3A_176 = tpu.vector_load %arg11[%swap3A_174, %swap3A_175] {strides = array<i32>} : memref<128x128xf32, #tpu.memory_space<vmem>>, vector<1x16xf32>,
        %swap3A_177 = vector.shape_cast %swap3A_176 : vector<1x16xf32> to vector<16xf32>
        %swap3A_178 = vector.shape_cast %get3A_173 : vector<16xf32> to vector<1x16xf32>
        tpu.vector_store %arg11[%swap3A_174, %swap3A_175], %swap3A_178 {strides = array<i32>} : memref<128x128xf32, #tpu.memory_space<vmem>>, vector<1x16xf32>,
        %mul3A_179 = arith.constant 8 : i32
        %mul3A_180 = arith.muli %scan3A_82, %mul3A_179 : i32
        %add3A_181 = arith.constant 7 : i32
        %add3A_182 = arith.addi %mul3A_180, %add3A_181 : i32
        %mul3A_183 = arith.constant 16 : i32
        %mul3A_184 = arith.muli %add3A_182, %mul3A_183 : i32
        %get3A_185 = arith.index_cast %mul3A_184 : i32 to index
        %get3A_186 = tpu.vector_load %arg9[%get3A_185] {strides = array<i32>} : memref<2048xf32, #tpu.memory_space<vmem>>, vector<16xf32>,
        %get3A_187 = vector.shape_cast %get3A_186 : vector<16xf32> to vector<16xf32>
        %swap3A_188 = arith.index_cast %add3A_182 : i32 to index
        %swap3A_189 = arith.constant 0 : index
        %swap3A_190 = tpu.vector_load %arg11[%swap3A_188, %swap3A_189] {strides = array<i32>} : memref<128x128xf32, #tpu.memory_space<vmem>>, vector<1x16xf32>,
        %swap3A_191 = vector.shape_cast %swap3A_190 : vector<1x16xf32> to vector<16xf32>
        %swap3A_192 = vector.shape_cast %get3A_187 : vector<16xf32> to vector<1x16xf32>
        tpu.vector_store %arg11[%swap3A_188, %swap3A_189], %swap3A_192 {strides = array<i32>} : memref<128x128xf32, #tpu.memory_space<vmem>>, vector<1x16xf32>,
      }
      %scan3A_69 = arith.constant 16 : i32
      "tpu.region"() ({
        %run_scoped3A = tpu.sem_alloc : memref<!tpu.dma_semaphore, #tpu.memory_space<semaphore_mem>>
        %dma_start3A_82 = arith.constant 0 : i32
        %dma_start3A_83 = arith.constant 0 : i32
        %dma_start3A_84 = tpu.memref_slice %arg6[%dma_start3A_82, %dma_start3A_83] : memref<10000x128xf32, #tpu.memory_space<vmem_shared>> -> memref<10000x128xf32, #tpu.memory_space<vmem_shared>>
        tpu.enqueue_indirect_dma source(%arg11 : memref<128x128xf32, #tpu.memory_space<vmem>>) target(%dma_start3A_84 : memref<10000x128xf32, #tpu.memory_space<vmem_shared>>) offsets(%arg7 : memref<128xi32, #tpu.memory_space<vmem>>) semaphore(%run_scoped3A : memref<!tpu.dma_semaphore, #tpu.memory_space<semaphore_mem>>) {add = true}
        %dma_wait3A_85 = arith.constant 0 : i32
        %dma_wait3A_86 = arith.constant 0 : i32
        %dma_wait3A_87 = tpu.memref_slice %arg6[%dma_wait3A_85, %dma_wait3A_86] : memref<10000x128xf32, #tpu.memory_space<vmem_shared>> -> memref<10000x128xf32, #tpu.memory_space<vmem_shared>>
        tpu.wait_indirect_dma semaphore(%run_scoped3A : memref<!tpu.dma_semaphore, #tpu.memory_space<semaphore_mem>>) src(%arg11 : memref<128x128xf32, #tpu.memory_space<vmem>>) dst(%dma_wait3A_87 : memref<10000x128xf32, #tpu.memory_space<vmem_shared>>)
        tpu.yield
      }) : () -> ()
      %lt3A = arith.constant 38 : i32
      %lt3A_70 = arith.cmpi slt, %scan3A_40, %lt3A : i32
      %convert_element_type3A_71 = arith.extui %lt3A_70 : i1 to i32
      %cond3A_72 = arith.constant 0 : i32
      %cond3A_73 = arith.cmpi ne, %convert_element_type3A_71, %cond3A_72 : i32
      scf.if %cond3A_73 {
        %add3A_82 = arith.constant 320000 : i32
        %add3A_83 = arith.addi %add3A_82, %mul3A_6 : i32
        %add3A_84 = arith.constant 2 : i32
        %add3A_85 = arith.addi %mul3A_42, %add3A_84 : i32
        %mul3A_86 = arith.constant 128 : i32
        %mul3A_87 = arith.muli %add3A_85, %mul3A_86 : i32
        %add3A_88 = arith.addi %add3A_83, %mul3A_87 : i32
        "tpu.region"() ({
          %run_scoped3A = tpu.sem_alloc : memref<!tpu.dma_semaphore, #tpu.memory_space<semaphore_mem>>
          %dma_start3A_98 = tpu.memref_slice %arg2[%add3A_88] : memref<640000xi32, #tpu.memory_space<hbm>> -> memref<128xi32, #tpu.memory_space<hbm>>
          %dma_start3A_99 = tpu.memref_slice %arg2[%add3A_88] : memref<640000xi32, #tpu.memory_space<hbm>> -> memref<128xi32, #tpu.memory_space<hbm>>
          tpu.enqueue_dma source(%dma_start3A_99 : memref<128xi32, #tpu.memory_space<hbm>>) target(%arg7 : memref<128xi32, #tpu.memory_space<vmem>>) target_semaphore(%run_scoped3A : memref<!tpu.dma_semaphore, #tpu.memory_space<semaphore_mem>>)
          %dma_wait3A_100 = tpu.memref_slice %arg2[%add3A_88] : memref<640000xi32, #tpu.memory_space<hbm>> -> memref<128xi32, #tpu.memory_space<hbm>>
          %dma_wait3A_101 = tpu.memref_slice %arg2[%add3A_88] : memref<640000xi32, #tpu.memory_space<hbm>> -> memref<128xi32, #tpu.memory_space<hbm>>
          tpu.wait_dma2 semaphore(%run_scoped3A : memref<!tpu.dma_semaphore, #tpu.memory_space<semaphore_mem>>) src(%dma_wait3A_101 : memref<128xi32, #tpu.memory_space<hbm>>) dst(%arg7 : memref<128xi32, #tpu.memory_space<vmem>>)
          tpu.yield
        }) : () -> ()
        %add3A_89 = arith.constant 2 : i32
        %add3A_90 = arith.addi %mul3A_42, %add3A_89 : i32
        %mul3A_91 = arith.constant 128 : i32
        %mul3A_92 = arith.muli %add3A_90, %mul3A_91 : i32
        %add3A_93 = arith.addi %mul3A_6, %mul3A_92 : i32
        %mul3A_94 = arith.constant 16 : i32
        %mul3A_95 = arith.muli %add3A_93, %mul3A_94 : i32
        %dma_start3A_96 = tpu.memref_slice %arg3[%mul3A_95] : memref<5120000xf32, #tpu.memory_space<hbm>> -> memref<2048xf32, #tpu.memory_space<hbm>>
        %dma_start3A_97 = tpu.memref_slice %arg3[%mul3A_95] : memref<5120000xf32, #tpu.memory_space<hbm>> -> memref<2048xf32, #tpu.memory_space<hbm>>
        tpu.enqueue_dma source(%dma_start3A_97 : memref<2048xf32, #tpu.memory_space<hbm>>) target(%arg9 : memref<2048xf32, #tpu.memory_space<vmem>>) target_semaphore(%arg16 : memref<!tpu.dma_semaphore, #tpu.memory_space<semaphore_mem>>)
      } else {
      }
      %dma_wait3A_74 = tpu.memref_slice %arg3[%mul3A_54] : memref<5120000xf32, #tpu.memory_space<hbm>> -> memref<2048xf32, #tpu.memory_space<hbm>>
      %dma_wait3A_75 = tpu.memref_slice %arg3[%mul3A_54] : memref<5120000xf32, #tpu.memory_space<hbm>> -> memref<2048xf32, #tpu.memory_space<hbm>>
      tpu.wait_dma2 semaphore(%arg17 : memref<!tpu.dma_semaphore, #tpu.memory_space<semaphore_mem>>) src(%dma_wait3A_75 : memref<2048xf32, #tpu.memory_space<hbm>>) dst(%arg10 : memref<2048xf32, #tpu.memory_space<vmem>>)
      %scan3A_76 = arith.constant 0 : i32
      %scan3A_77 = arith.constant 0 : i32
      %scan3A_78 = arith.constant 16 : i32
      %scan3A_79 = arith.addi %scan3A_77, %scan3A_78 : i32
      %scan3A_80 = arith.constant 1 : i32
      scf.for %scan3A_82 = %scan3A_77 to %scan3A_79 step %scan3A_80  : i32 {
        %mul3A_83 = arith.constant 8 : i32
        %mul3A_84 = arith.muli %scan3A_82, %mul3A_83 : i32
        %add3A_85 = arith.constant 0 : i32
        %add3A_86 = arith.addi %mul3A_84, %add3A_85 : i32
        %mul3A_87 = arith.constant 16 : i32
        %mul3A_88 = arith.muli %add3A_86, %mul3A_87 : i32
        %get3A = arith.index_cast %mul3A_88 : i32 to index
        %get3A_89 = tpu.vector_load %arg10[%get3A] {strides = array<i32>} : memref<2048xf32, #tpu.memory_space<vmem>>, vector<16xf32>,
        %get3A_90 = vector.shape_cast %get3A_89 : vector<16xf32> to vector<16xf32>
        %swap3A = arith.index_cast %add3A_86 : i32 to index
        %swap3A_91 = arith.constant 0 : index
        %swap3A_92 = tpu.vector_load %arg12[%swap3A, %swap3A_91] {strides = array<i32>} : memref<128x128xf32, #tpu.memory_space<vmem>>, vector<1x16xf32>,
        %swap3A_93 = vector.shape_cast %swap3A_92 : vector<1x16xf32> to vector<16xf32>
        %swap3A_94 = vector.shape_cast %get3A_90 : vector<16xf32> to vector<1x16xf32>
        tpu.vector_store %arg12[%swap3A, %swap3A_91], %swap3A_94 {strides = array<i32>} : memref<128x128xf32, #tpu.memory_space<vmem>>, vector<1x16xf32>,
        %mul3A_95 = arith.constant 8 : i32
        %mul3A_96 = arith.muli %scan3A_82, %mul3A_95 : i32
        %add3A_97 = arith.constant 1 : i32
        %add3A_98 = arith.addi %mul3A_96, %add3A_97 : i32
        %mul3A_99 = arith.constant 16 : i32
        %mul3A_100 = arith.muli %add3A_98, %mul3A_99 : i32
        %get3A_101 = arith.index_cast %mul3A_100 : i32 to index
        %get3A_102 = tpu.vector_load %arg10[%get3A_101] {strides = array<i32>} : memref<2048xf32, #tpu.memory_space<vmem>>, vector<16xf32>,
        %get3A_103 = vector.shape_cast %get3A_102 : vector<16xf32> to vector<16xf32>
        %swap3A_104 = arith.index_cast %add3A_98 : i32 to index
        %swap3A_105 = arith.constant 0 : index
        %swap3A_106 = tpu.vector_load %arg12[%swap3A_104, %swap3A_105] {strides = array<i32>} : memref<128x128xf32, #tpu.memory_space<vmem>>, vector<1x16xf32>,
        %swap3A_107 = vector.shape_cast %swap3A_106 : vector<1x16xf32> to vector<16xf32>
        %swap3A_108 = vector.shape_cast %get3A_103 : vector<16xf32> to vector<1x16xf32>
        tpu.vector_store %arg12[%swap3A_104, %swap3A_105], %swap3A_108 {strides = array<i32>} : memref<128x128xf32, #tpu.memory_space<vmem>>, vector<1x16xf32>,
        %mul3A_109 = arith.constant 8 : i32
        %mul3A_110 = arith.muli %scan3A_82, %mul3A_109 : i32
        %add3A_111 = arith.constant 2 : i32
        %add3A_112 = arith.addi %mul3A_110, %add3A_111 : i32
        %mul3A_113 = arith.constant 16 : i32
        %mul3A_114 = arith.muli %add3A_112, %mul3A_113 : i32
        %get3A_115 = arith.index_cast %mul3A_114 : i32 to index
        %get3A_116 = tpu.vector_load %arg10[%get3A_115] {strides = array<i32>} : memref<2048xf32, #tpu.memory_space<vmem>>, vector<16xf32>,
        %get3A_117 = vector.shape_cast %get3A_116 : vector<16xf32> to vector<16xf32>
        %swap3A_118 = arith.index_cast %add3A_112 : i32 to index
        %swap3A_119 = arith.constant 0 : index
        %swap3A_120 = tpu.vector_load %arg12[%swap3A_118, %swap3A_119] {strides = array<i32>} : memref<128x128xf32, #tpu.memory_space<vmem>>, vector<1x16xf32>,
        %swap3A_121 = vector.shape_cast %swap3A_120 : vector<1x16xf32> to vector<16xf32>
        %swap3A_122 = vector.shape_cast %get3A_117 : vector<16xf32> to vector<1x16xf32>
        tpu.vector_store %arg12[%swap3A_118, %swap3A_119], %swap3A_122 {strides = array<i32>} : memref<128x128xf32, #tpu.memory_space<vmem>>, vector<1x16xf32>,
        %mul3A_123 = arith.constant 8 : i32
        %mul3A_124 = arith.muli %scan3A_82, %mul3A_123 : i32
        %add3A_125 = arith.constant 3 : i32
        %add3A_126 = arith.addi %mul3A_124, %add3A_125 : i32
        %mul3A_127 = arith.constant 16 : i32
        %mul3A_128 = arith.muli %add3A_126, %mul3A_127 : i32
        %get3A_129 = arith.index_cast %mul3A_128 : i32 to index
        %get3A_130 = tpu.vector_load %arg10[%get3A_129] {strides = array<i32>} : memref<2048xf32, #tpu.memory_space<vmem>>, vector<16xf32>,
        %get3A_131 = vector.shape_cast %get3A_130 : vector<16xf32> to vector<16xf32>
        %swap3A_132 = arith.index_cast %add3A_126 : i32 to index
        %swap3A_133 = arith.constant 0 : index
        %swap3A_134 = tpu.vector_load %arg12[%swap3A_132, %swap3A_133] {strides = array<i32>} : memref<128x128xf32, #tpu.memory_space<vmem>>, vector<1x16xf32>,
        %swap3A_135 = vector.shape_cast %swap3A_134 : vector<1x16xf32> to vector<16xf32>
        %swap3A_136 = vector.shape_cast %get3A_131 : vector<16xf32> to vector<1x16xf32>
        tpu.vector_store %arg12[%swap3A_132, %swap3A_133], %swap3A_136 {strides = array<i32>} : memref<128x128xf32, #tpu.memory_space<vmem>>, vector<1x16xf32>,
        %mul3A_137 = arith.constant 8 : i32
        %mul3A_138 = arith.muli %scan3A_82, %mul3A_137 : i32
        %add3A_139 = arith.constant 4 : i32
        %add3A_140 = arith.addi %mul3A_138, %add3A_139 : i32
        %mul3A_141 = arith.constant 16 : i32
        %mul3A_142 = arith.muli %add3A_140, %mul3A_141 : i32
        %get3A_143 = arith.index_cast %mul3A_142 : i32 to index
        %get3A_144 = tpu.vector_load %arg10[%get3A_143] {strides = array<i32>} : memref<2048xf32, #tpu.memory_space<vmem>>, vector<16xf32>,
        %get3A_145 = vector.shape_cast %get3A_144 : vector<16xf32> to vector<16xf32>
        %swap3A_146 = arith.index_cast %add3A_140 : i32 to index
        %swap3A_147 = arith.constant 0 : index
        %swap3A_148 = tpu.vector_load %arg12[%swap3A_146, %swap3A_147] {strides = array<i32>} : memref<128x128xf32, #tpu.memory_space<vmem>>, vector<1x16xf32>,
        %swap3A_149 = vector.shape_cast %swap3A_148 : vector<1x16xf32> to vector<16xf32>
        %swap3A_150 = vector.shape_cast %get3A_145 : vector<16xf32> to vector<1x16xf32>
        tpu.vector_store %arg12[%swap3A_146, %swap3A_147], %swap3A_150 {strides = array<i32>} : memref<128x128xf32, #tpu.memory_space<vmem>>, vector<1x16xf32>,
        %mul3A_151 = arith.constant 8 : i32
        %mul3A_152 = arith.muli %scan3A_82, %mul3A_151 : i32
        %add3A_153 = arith.constant 5 : i32
        %add3A_154 = arith.addi %mul3A_152, %add3A_153 : i32
        %mul3A_155 = arith.constant 16 : i32
        %mul3A_156 = arith.muli %add3A_154, %mul3A_155 : i32
        %get3A_157 = arith.index_cast %mul3A_156 : i32 to index
        %get3A_158 = tpu.vector_load %arg10[%get3A_157] {strides = array<i32>} : memref<2048xf32, #tpu.memory_space<vmem>>, vector<16xf32>,
        %get3A_159 = vector.shape_cast %get3A_158 : vector<16xf32> to vector<16xf32>
        %swap3A_160 = arith.index_cast %add3A_154 : i32 to index
        %swap3A_161 = arith.constant 0 : index
        %swap3A_162 = tpu.vector_load %arg12[%swap3A_160, %swap3A_161] {strides = array<i32>} : memref<128x128xf32, #tpu.memory_space<vmem>>, vector<1x16xf32>,
        %swap3A_163 = vector.shape_cast %swap3A_162 : vector<1x16xf32> to vector<16xf32>
        %swap3A_164 = vector.shape_cast %get3A_159 : vector<16xf32> to vector<1x16xf32>
        tpu.vector_store %arg12[%swap3A_160, %swap3A_161], %swap3A_164 {strides = array<i32>} : memref<128x128xf32, #tpu.memory_space<vmem>>, vector<1x16xf32>,
        %mul3A_165 = arith.constant 8 : i32
        %mul3A_166 = arith.muli %scan3A_82, %mul3A_165 : i32
        %add3A_167 = arith.constant 6 : i32
        %add3A_168 = arith.addi %mul3A_166, %add3A_167 : i32
        %mul3A_169 = arith.constant 16 : i32
        %mul3A_170 = arith.muli %add3A_168, %mul3A_169 : i32
        %get3A_171 = arith.index_cast %mul3A_170 : i32 to index
        %get3A_172 = tpu.vector_load %arg10[%get3A_171] {strides = array<i32>} : memref<2048xf32, #tpu.memory_space<vmem>>, vector<16xf32>,
        %get3A_173 = vector.shape_cast %get3A_172 : vector<16xf32> to vector<16xf32>
        %swap3A_174 = arith.index_cast %add3A_168 : i32 to index
        %swap3A_175 = arith.constant 0 : index
        %swap3A_176 = tpu.vector_load %arg12[%swap3A_174, %swap3A_175] {strides = array<i32>} : memref<128x128xf32, #tpu.memory_space<vmem>>, vector<1x16xf32>,
        %swap3A_177 = vector.shape_cast %swap3A_176 : vector<1x16xf32> to vector<16xf32>
        %swap3A_178 = vector.shape_cast %get3A_173 : vector<16xf32> to vector<1x16xf32>
        tpu.vector_store %arg12[%swap3A_174, %swap3A_175], %swap3A_178 {strides = array<i32>} : memref<128x128xf32, #tpu.memory_space<vmem>>, vector<1x16xf32>,
        %mul3A_179 = arith.constant 8 : i32
        %mul3A_180 = arith.muli %scan3A_82, %mul3A_179 : i32
        %add3A_181 = arith.constant 7 : i32
        %add3A_182 = arith.addi %mul3A_180, %add3A_181 : i32
        %mul3A_183 = arith.constant 16 : i32
        %mul3A_184 = arith.muli %add3A_182, %mul3A_183 : i32
        %get3A_185 = arith.index_cast %mul3A_184 : i32 to index
        %get3A_186 = tpu.vector_load %arg10[%get3A_185] {strides = array<i32>} : memref<2048xf32, #tpu.memory_space<vmem>>, vector<16xf32>,
        %get3A_187 = vector.shape_cast %get3A_186 : vector<16xf32> to vector<16xf32>
        %swap3A_188 = arith.index_cast %add3A_182 : i32 to index
        %swap3A_189 = arith.constant 0 : index
        %swap3A_190 = tpu.vector_load %arg12[%swap3A_188, %swap3A_189] {strides = array<i32>} : memref<128x128xf32, #tpu.memory_space<vmem>>, vector<1x16xf32>,
        %swap3A_191 = vector.shape_cast %swap3A_190 : vector<1x16xf32> to vector<16xf32>
        %swap3A_192 = vector.shape_cast %get3A_187 : vector<16xf32> to vector<1x16xf32>
        tpu.vector_store %arg12[%swap3A_188, %swap3A_189], %swap3A_192 {strides = array<i32>} : memref<128x128xf32, #tpu.memory_space<vmem>>, vector<1x16xf32>,
      }
      %scan3A_81 = arith.constant 16 : i32
      "tpu.region"() ({
        %run_scoped3A = tpu.sem_alloc : memref<!tpu.dma_semaphore, #tpu.memory_space<semaphore_mem>>
        %dma_start3A_82 = arith.constant 0 : i32
        %dma_start3A_83 = arith.constant 0 : i32
        %dma_start3A_84 = tpu.memref_slice %arg6[%dma_start3A_82, %dma_start3A_83] : memref<10000x128xf32, #tpu.memory_space<vmem_shared>> -> memref<10000x128xf32, #tpu.memory_space<vmem_shared>>
        tpu.enqueue_indirect_dma source(%arg12 : memref<128x128xf32, #tpu.memory_space<vmem>>) target(%dma_start3A_84 : memref<10000x128xf32, #tpu.memory_space<vmem_shared>>) offsets(%arg8 : memref<128xi32, #tpu.memory_space<vmem>>) semaphore(%run_scoped3A : memref<!tpu.dma_semaphore, #tpu.memory_space<semaphore_mem>>) {add = true}
        %dma_wait3A_85 = arith.constant 0 : i32
        %dma_wait3A_86 = arith.constant 0 : i32
        %dma_wait3A_87 = tpu.memref_slice %arg6[%dma_wait3A_85, %dma_wait3A_86] : memref<10000x128xf32, #tpu.memory_space<vmem_shared>> -> memref<10000x128xf32, #tpu.memory_space<vmem_shared>>
        tpu.wait_indirect_dma semaphore(%run_scoped3A : memref<!tpu.dma_semaphore, #tpu.memory_space<semaphore_mem>>) src(%arg12 : memref<128x128xf32, #tpu.memory_space<vmem>>) dst(%dma_wait3A_87 : memref<10000x128xf32, #tpu.memory_space<vmem_shared>>)
        tpu.yield
      }) : () -> ()
    }
    %scan3A_18 = arith.constant 39 : i32
    %add3A_19 = arith.constant 9984 : i32
    %add3A_20 = arith.addi %mul3A_6, %add3A_19 : i32
    %add3A_21 = arith.constant 320000 : i32
    %add3A_22 = arith.addi %add3A_21, %add3A_20 : i32
    "tpu.region"() ({
      %run_scoped3A = tpu.sem_alloc : memref<!tpu.dma_semaphore, #tpu.memory_space<semaphore_mem>>
      %dma_start3A_40 = tpu.memref_slice %arg2[%add3A_22] : memref<640000xi32, #tpu.memory_space<hbm>> -> memref<16xi32, #tpu.memory_space<hbm>>
      %dma_start3A_41 = tpu.memref_slice %arg2[%add3A_22] : memref<640000xi32, #tpu.memory_space<hbm>> -> memref<16xi32, #tpu.memory_space<hbm>>
      tpu.enqueue_dma source(%dma_start3A_41 : memref<16xi32, #tpu.memory_space<hbm>>) target(%arg13 : memref<16xi32, #tpu.memory_space<vmem>>) target_semaphore(%run_scoped3A : memref<!tpu.dma_semaphore, #tpu.memory_space<semaphore_mem>>)
      %dma_wait3A_42 = tpu.memref_slice %arg2[%add3A_22] : memref<640000xi32, #tpu.memory_space<hbm>> -> memref<16xi32, #tpu.memory_space<hbm>>
      %dma_wait3A_43 = tpu.memref_slice %arg2[%add3A_22] : memref<640000xi32, #tpu.memory_space<hbm>> -> memref<16xi32, #tpu.memory_space<hbm>>
      tpu.wait_dma2 semaphore(%run_scoped3A : memref<!tpu.dma_semaphore, #tpu.memory_space<semaphore_mem>>) src(%dma_wait3A_43 : memref<16xi32, #tpu.memory_space<hbm>>) dst(%arg13 : memref<16xi32, #tpu.memory_space<vmem>>)
      tpu.yield
    }) : () -> ()
    %mul3A_23 = arith.constant 16 : i32
    %mul3A_24 = arith.muli %add3A_20, %mul3A_23 : i32
    %dma_start3A_25 = tpu.memref_slice %arg3[%mul3A_24] : memref<5120000xf32, #tpu.memory_space<hbm>> -> memref<256xf32, #tpu.memory_space<hbm>>
    %dma_start3A_26 = tpu.memref_slice %arg3[%mul3A_24] : memref<5120000xf32, #tpu.memory_space<hbm>> -> memref<256xf32, #tpu.memory_space<hbm>>
    tpu.enqueue_dma source(%dma_start3A_26 : memref<256xf32, #tpu.memory_space<hbm>>) target(%arg14 : memref<256xf32, #tpu.memory_space<vmem>>) target_semaphore(%arg16 : memref<!tpu.dma_semaphore, #tpu.memory_space<semaphore_mem>>)
    %dma_wait3A = tpu.memref_slice %arg3[%mul3A_24] : memref<5120000xf32, #tpu.memory_space<hbm>> -> memref<256xf32, #tpu.memory_space<hbm>>
    %dma_wait3A_27 = tpu.memref_slice %arg3[%mul3A_24] : memref<5120000xf32, #tpu.memory_space<hbm>> -> memref<256xf32, #tpu.memory_space<hbm>>
    tpu.wait_dma2 semaphore(%arg16 : memref<!tpu.dma_semaphore, #tpu.memory_space<semaphore_mem>>) src(%dma_wait3A_27 : memref<256xf32, #tpu.memory_space<hbm>>) dst(%arg14 : memref<256xf32, #tpu.memory_space<vmem>>)
    %scan3A_28 = arith.constant 0 : i32
    %scan3A_29 = arith.constant 0 : i32
    %scan3A_30 = arith.constant 2 : i32
    %scan3A_31 = arith.addi %scan3A_29, %scan3A_30 : i32
    %scan3A_32 = arith.constant 1 : i32
    scf.for %scan3A_40 = %scan3A_29 to %scan3A_31 step %scan3A_32  : i32 {
      %mul3A_41 = arith.constant 8 : i32
      %mul3A_42 = arith.muli %scan3A_40, %mul3A_41 : i32
      %add3A_43 = arith.constant 0 : i32
      %add3A_44 = arith.addi %mul3A_42, %add3A_43 : i32
      %mul3A_45 = arith.constant 16 : i32
      %mul3A_46 = arith.muli %add3A_44, %mul3A_45 : i32
      %get3A = arith.index_cast %mul3A_46 : i32 to index
      %get3A_47 = tpu.vector_load %arg14[%get3A] {strides = array<i32>} : memref<256xf32, #tpu.memory_space<vmem>>, vector<16xf32>,
      %get3A_48 = vector.shape_cast %get3A_47 : vector<16xf32> to vector<16xf32>
      %swap3A = arith.index_cast %add3A_44 : i32 to index
      %swap3A_49 = arith.constant 0 : index
      %swap3A_50 = tpu.vector_load %arg15[%swap3A, %swap3A_49] {strides = array<i32>} : memref<16x128xf32, #tpu.memory_space<vmem>>, vector<1x16xf32>,
      %swap3A_51 = vector.shape_cast %swap3A_50 : vector<1x16xf32> to vector<16xf32>
      %swap3A_52 = vector.shape_cast %get3A_48 : vector<16xf32> to vector<1x16xf32>
      tpu.vector_store %arg15[%swap3A, %swap3A_49], %swap3A_52 {strides = array<i32>} : memref<16x128xf32, #tpu.memory_space<vmem>>, vector<1x16xf32>,
      %mul3A_53 = arith.constant 8 : i32
      %mul3A_54 = arith.muli %scan3A_40, %mul3A_53 : i32
      %add3A_55 = arith.constant 1 : i32
      %add3A_56 = arith.addi %mul3A_54, %add3A_55 : i32
      %mul3A_57 = arith.constant 16 : i32
      %mul3A_58 = arith.muli %add3A_56, %mul3A_57 : i32
      %get3A_59 = arith.index_cast %mul3A_58 : i32 to index
      %get3A_60 = tpu.vector_load %arg14[%get3A_59] {strides = array<i32>} : memref<256xf32, #tpu.memory_space<vmem>>, vector<16xf32>,
      %get3A_61 = vector.shape_cast %get3A_60 : vector<16xf32> to vector<16xf32>
      %swap3A_62 = arith.index_cast %add3A_56 : i32 to index
      %swap3A_63 = arith.constant 0 : index
      %swap3A_64 = tpu.vector_load %arg15[%swap3A_62, %swap3A_63] {strides = array<i32>} : memref<16x128xf32, #tpu.memory_space<vmem>>, vector<1x16xf32>,
      %swap3A_65 = vector.shape_cast %swap3A_64 : vector<1x16xf32> to vector<16xf32>
      %swap3A_66 = vector.shape_cast %get3A_61 : vector<16xf32> to vector<1x16xf32>
      tpu.vector_store %arg15[%swap3A_62, %swap3A_63], %swap3A_66 {strides = array<i32>} : memref<16x128xf32, #tpu.memory_space<vmem>>, vector<1x16xf32>,
      %mul3A_67 = arith.constant 8 : i32
      %mul3A_68 = arith.muli %scan3A_40, %mul3A_67 : i32
      %add3A_69 = arith.constant 2 : i32
      %add3A_70 = arith.addi %mul3A_68, %add3A_69 : i32
      %mul3A_71 = arith.constant 16 : i32
      %mul3A_72 = arith.muli %add3A_70, %mul3A_71 : i32
      %get3A_73 = arith.index_cast %mul3A_72 : i32 to index
      %get3A_74 = tpu.vector_load %arg14[%get3A_73] {strides = array<i32>} : memref<256xf32, #tpu.memory_space<vmem>>, vector<16xf32>,
      %get3A_75 = vector.shape_cast %get3A_74 : vector<16xf32> to vector<16xf32>
      %swap3A_76 = arith.index_cast %add3A_70 : i32 to index
      %swap3A_77 = arith.constant 0 : index
      %swap3A_78 = tpu.vector_load %arg15[%swap3A_76, %swap3A_77] {strides = array<i32>} : memref<16x128xf32, #tpu.memory_space<vmem>>, vector<1x16xf32>,
      %swap3A_79 = vector.shape_cast %swap3A_78 : vector<1x16xf32> to vector<16xf32>
      %swap3A_80 = vector.shape_cast %get3A_75 : vector<16xf32> to vector<1x16xf32>
      tpu.vector_store %arg15[%swap3A_76, %swap3A_77], %swap3A_80 {strides = array<i32>} : memref<16x128xf32, #tpu.memory_space<vmem>>, vector<1x16xf32>,
      %mul3A_81 = arith.constant 8 : i32
      %mul3A_82 = arith.muli %scan3A_40, %mul3A_81 : i32
      %add3A_83 = arith.constant 3 : i32
      %add3A_84 = arith.addi %mul3A_82, %add3A_83 : i32
      %mul3A_85 = arith.constant 16 : i32
      %mul3A_86 = arith.muli %add3A_84, %mul3A_85 : i32
      %get3A_87 = arith.index_cast %mul3A_86 : i32 to index
      %get3A_88 = tpu.vector_load %arg14[%get3A_87] {strides = array<i32>} : memref<256xf32, #tpu.memory_space<vmem>>, vector<16xf32>,
      %get3A_89 = vector.shape_cast %get3A_88 : vector<16xf32> to vector<16xf32>
      %swap3A_90 = arith.index_cast %add3A_84 : i32 to index
      %swap3A_91 = arith.constant 0 : index
      %swap3A_92 = tpu.vector_load %arg15[%swap3A_90, %swap3A_91] {strides = array<i32>} : memref<16x128xf32, #tpu.memory_space<vmem>>, vector<1x16xf32>,
      %swap3A_93 = vector.shape_cast %swap3A_92 : vector<1x16xf32> to vector<16xf32>
      %swap3A_94 = vector.shape_cast %get3A_89 : vector<16xf32> to vector<1x16xf32>
      tpu.vector_store %arg15[%swap3A_90, %swap3A_91], %swap3A_94 {strides = array<i32>} : memref<16x128xf32, #tpu.memory_space<vmem>>, vector<1x16xf32>,
      %mul3A_95 = arith.constant 8 : i32
      %mul3A_96 = arith.muli %scan3A_40, %mul3A_95 : i32
      %add3A_97 = arith.constant 4 : i32
      %add3A_98 = arith.addi %mul3A_96, %add3A_97 : i32
      %mul3A_99 = arith.constant 16 : i32
      %mul3A_100 = arith.muli %add3A_98, %mul3A_99 : i32
      %get3A_101 = arith.index_cast %mul3A_100 : i32 to index
      %get3A_102 = tpu.vector_load %arg14[%get3A_101] {strides = array<i32>} : memref<256xf32, #tpu.memory_space<vmem>>, vector<16xf32>,
      %get3A_103 = vector.shape_cast %get3A_102 : vector<16xf32> to vector<16xf32>
      %swap3A_104 = arith.index_cast %add3A_98 : i32 to index
      %swap3A_105 = arith.constant 0 : index
      %swap3A_106 = tpu.vector_load %arg15[%swap3A_104, %swap3A_105] {strides = array<i32>} : memref<16x128xf32, #tpu.memory_space<vmem>>, vector<1x16xf32>,
      %swap3A_107 = vector.shape_cast %swap3A_106 : vector<1x16xf32> to vector<16xf32>
      %swap3A_108 = vector.shape_cast %get3A_103 : vector<16xf32> to vector<1x16xf32>
      tpu.vector_store %arg15[%swap3A_104, %swap3A_105], %swap3A_108 {strides = array<i32>} : memref<16x128xf32, #tpu.memory_space<vmem>>, vector<1x16xf32>,
      %mul3A_109 = arith.constant 8 : i32
      %mul3A_110 = arith.muli %scan3A_40, %mul3A_109 : i32
      %add3A_111 = arith.constant 5 : i32
      %add3A_112 = arith.addi %mul3A_110, %add3A_111 : i32
      %mul3A_113 = arith.constant 16 : i32
      %mul3A_114 = arith.muli %add3A_112, %mul3A_113 : i32
      %get3A_115 = arith.index_cast %mul3A_114 : i32 to index
      %get3A_116 = tpu.vector_load %arg14[%get3A_115] {strides = array<i32>} : memref<256xf32, #tpu.memory_space<vmem>>, vector<16xf32>,
      %get3A_117 = vector.shape_cast %get3A_116 : vector<16xf32> to vector<16xf32>
      %swap3A_118 = arith.index_cast %add3A_112 : i32 to index
      %swap3A_119 = arith.constant 0 : index
      %swap3A_120 = tpu.vector_load %arg15[%swap3A_118, %swap3A_119] {strides = array<i32>} : memref<16x128xf32, #tpu.memory_space<vmem>>, vector<1x16xf32>,
      %swap3A_121 = vector.shape_cast %swap3A_120 : vector<1x16xf32> to vector<16xf32>
      %swap3A_122 = vector.shape_cast %get3A_117 : vector<16xf32> to vector<1x16xf32>
      tpu.vector_store %arg15[%swap3A_118, %swap3A_119], %swap3A_122 {strides = array<i32>} : memref<16x128xf32, #tpu.memory_space<vmem>>, vector<1x16xf32>,
      %mul3A_123 = arith.constant 8 : i32
      %mul3A_124 = arith.muli %scan3A_40, %mul3A_123 : i32
      %add3A_125 = arith.constant 6 : i32
      %add3A_126 = arith.addi %mul3A_124, %add3A_125 : i32
      %mul3A_127 = arith.constant 16 : i32
      %mul3A_128 = arith.muli %add3A_126, %mul3A_127 : i32
      %get3A_129 = arith.index_cast %mul3A_128 : i32 to index
      %get3A_130 = tpu.vector_load %arg14[%get3A_129] {strides = array<i32>} : memref<256xf32, #tpu.memory_space<vmem>>, vector<16xf32>,
      %get3A_131 = vector.shape_cast %get3A_130 : vector<16xf32> to vector<16xf32>
      %swap3A_132 = arith.index_cast %add3A_126 : i32 to index
      %swap3A_133 = arith.constant 0 : index
      %swap3A_134 = tpu.vector_load %arg15[%swap3A_132, %swap3A_133] {strides = array<i32>} : memref<16x128xf32, #tpu.memory_space<vmem>>, vector<1x16xf32>,
      %swap3A_135 = vector.shape_cast %swap3A_134 : vector<1x16xf32> to vector<16xf32>
      %swap3A_136 = vector.shape_cast %get3A_131 : vector<16xf32> to vector<1x16xf32>
      tpu.vector_store %arg15[%swap3A_132, %swap3A_133], %swap3A_136 {strides = array<i32>} : memref<16x128xf32, #tpu.memory_space<vmem>>, vector<1x16xf32>,
      %mul3A_137 = arith.constant 8 : i32
      %mul3A_138 = arith.muli %scan3A_40, %mul3A_137 : i32
      %add3A_139 = arith.constant 7 : i32
      %add3A_140 = arith.addi %mul3A_138, %add3A_139 : i32
      %mul3A_141 = arith.constant 16 : i32
      %mul3A_142 = arith.muli %add3A_140, %mul3A_141 : i32
      %get3A_143 = arith.index_cast %mul3A_142 : i32 to index
      %get3A_144 = tpu.vector_load %arg14[%get3A_143] {strides = array<i32>} : memref<256xf32, #tpu.memory_space<vmem>>, vector<16xf32>,
      %get3A_145 = vector.shape_cast %get3A_144 : vector<16xf32> to vector<16xf32>
      %swap3A_146 = arith.index_cast %add3A_140 : i32 to index
      %swap3A_147 = arith.constant 0 : index
      %swap3A_148 = tpu.vector_load %arg15[%swap3A_146, %swap3A_147] {strides = array<i32>} : memref<16x128xf32, #tpu.memory_space<vmem>>, vector<1x16xf32>,
      %swap3A_149 = vector.shape_cast %swap3A_148 : vector<1x16xf32> to vector<16xf32>
      %swap3A_150 = vector.shape_cast %get3A_145 : vector<16xf32> to vector<1x16xf32>
      tpu.vector_store %arg15[%swap3A_146, %swap3A_147], %swap3A_150 {strides = array<i32>} : memref<16x128xf32, #tpu.memory_space<vmem>>, vector<1x16xf32>,
    }
    %scan3A_33 = arith.constant 2 : i32
    "tpu.region"() ({
      %run_scoped3A = tpu.sem_alloc : memref<!tpu.dma_semaphore, #tpu.memory_space<semaphore_mem>>
      %dma_start3A_40 = arith.constant 0 : i32
      %dma_start3A_41 = arith.constant 0 : i32
      %dma_start3A_42 = tpu.memref_slice %arg6[%dma_start3A_40, %dma_start3A_41] : memref<10000x128xf32, #tpu.memory_space<vmem_shared>> -> memref<10000x128xf32, #tpu.memory_space<vmem_shared>>
      tpu.enqueue_indirect_dma source(%arg15 : memref<16x128xf32, #tpu.memory_space<vmem>>) target(%dma_start3A_42 : memref<10000x128xf32, #tpu.memory_space<vmem_shared>>) offsets(%arg13 : memref<16xi32, #tpu.memory_space<vmem>>) semaphore(%run_scoped3A : memref<!tpu.dma_semaphore, #tpu.memory_space<semaphore_mem>>) {add = true}
      %dma_wait3A_43 = arith.constant 0 : i32
      %dma_wait3A_44 = arith.constant 0 : i32
      %dma_wait3A_45 = tpu.memref_slice %arg6[%dma_wait3A_43, %dma_wait3A_44] : memref<10000x128xf32, #tpu.memory_space<vmem_shared>> -> memref<10000x128xf32, #tpu.memory_space<vmem_shared>>
      tpu.wait_indirect_dma semaphore(%run_scoped3A : memref<!tpu.dma_semaphore, #tpu.memory_space<semaphore_mem>>) src(%arg15 : memref<16x128xf32, #tpu.memory_space<vmem>>) dst(%dma_wait3A_45 : memref<10000x128xf32, #tpu.memory_space<vmem_shared>>)
      tpu.yield
    }) : () -> ()
    %barrier3A_34 = arith.constant 0 : index
    tpu.barrier barrier_id(%barrier3A_34)
    "tpu.region"() ({
      %run_scoped3A = tpu.sem_alloc : memref<!tpu.dma_semaphore, #tpu.memory_space<semaphore_mem>>
      %dma_start3A_40 = arith.constant 0 : i32
      %dma_start3A_41 = tpu.memref_slice %arg5[%arg0, %multiple_of3A, %dma_start3A_40] : memref<2x10000x128xf32, #tpu.memory_space<hbm>> -> memref<1x624x128xf32, #tpu.memory_space<hbm>>
      %dma_start3A_42 = tpu.memref_squeeze %dma_start3A_41 : memref<1x624x128xf32, #tpu.memory_space<hbm>> -> memref<624x128xf32, #tpu.memory_space<hbm>>
      %dma_start3A_43 = arith.constant 0 : i32
      %dma_start3A_44 = tpu.memref_slice %arg6[%multiple_of3A, %dma_start3A_43] : memref<10000x128xf32, #tpu.memory_space<vmem_shared>> -> memref<624x128xf32, #tpu.memory_space<vmem_shared>>
      tpu.enqueue_dma source(%dma_start3A_44 : memref<624x128xf32, #tpu.memory_space<vmem_shared>>) target(%dma_start3A_42 : memref<624x128xf32, #tpu.memory_space<hbm>>) target_semaphore(%run_scoped3A : memref<!tpu.dma_semaphore, #tpu.memory_space<semaphore_mem>>)
      %dma_wait3A_45 = arith.constant 0 : i32
      %dma_wait3A_46 = tpu.memref_slice %arg5[%arg0, %multiple_of3A, %dma_wait3A_45] : memref<2x10000x128xf32, #tpu.memory_space<hbm>> -> memref<1x624x128xf32, #tpu.memory_space<hbm>>
      %dma_wait3A_47 = tpu.memref_squeeze %dma_wait3A_46 : memref<1x624x128xf32, #tpu.memory_space<hbm>> -> memref<624x128xf32, #tpu.memory_space<hbm>>
      %dma_wait3A_48 = arith.constant 0 : i32
      %dma_wait3A_49 = tpu.memref_slice %arg6[%multiple_of3A, %dma_wait3A_48] : memref<10000x128xf32, #tpu.memory_space<vmem_shared>> -> memref<624x128xf32, #tpu.memory_space<vmem_shared>>
      tpu.wait_dma2 semaphore(%run_scoped3A : memref<!tpu.dma_semaphore, #tpu.memory_space<semaphore_mem>>) src(%dma_wait3A_49 : memref<624x128xf32, #tpu.memory_space<vmem_shared>>) dst(%dma_wait3A_47 : memref<624x128xf32, #tpu.memory_space<hbm>>)
      tpu.yield
    }) : () -> ()
    %eq3A_35 = arith.constant 15 : i32
    %eq3A_36 = arith.cmpi eq, %arg1, %eq3A_35 : i32
    %convert_element_type3A_37 = arith.extui %eq3A_36 : i1 to i32
    %cond3A_38 = arith.constant 0 : i32
    %cond3A_39 = arith.cmpi ne, %convert_element_type3A_37, %cond3A_38 : i32
    scf.if %cond3A_39 {
      "tpu.region"() ({
        %run_scoped3A = tpu.sem_alloc : memref<!tpu.dma_semaphore, #tpu.memory_space<semaphore_mem>>
        %dma_start3A_40 = arith.constant 9984 : i32
        %dma_start3A_41 = arith.constant 0 : i32
        %dma_start3A_42 = tpu.memref_slice %arg5[%arg0, %dma_start3A_40, %dma_start3A_41] : memref<2x10000x128xf32, #tpu.memory_space<hbm>> -> memref<1x16x128xf32, #tpu.memory_space<hbm>>
        %dma_start3A_43 = tpu.memref_squeeze %dma_start3A_42 : memref<1x16x128xf32, #tpu.memory_space<hbm>> -> memref<16x128xf32, #tpu.memory_space<hbm>>
        %dma_start3A_44 = arith.constant 9984 : i32
        %dma_start3A_45 = arith.constant 0 : i32
        %dma_start3A_46 = tpu.memref_slice %arg6[%dma_start3A_44, %dma_start3A_45] : memref<10000x128xf32, #tpu.memory_space<vmem_shared>> -> memref<16x128xf32, #tpu.memory_space<vmem_shared>>
        tpu.enqueue_dma source(%dma_start3A_46 : memref<16x128xf32, #tpu.memory_space<vmem_shared>>) target(%dma_start3A_43 : memref<16x128xf32, #tpu.memory_space<hbm>>) target_semaphore(%run_scoped3A : memref<!tpu.dma_semaphore, #tpu.memory_space<semaphore_mem>>)
        %dma_wait3A_47 = arith.constant 9984 : i32
        %dma_wait3A_48 = arith.constant 0 : i32
        %dma_wait3A_49 = tpu.memref_slice %arg5[%arg0, %dma_wait3A_47, %dma_wait3A_48] : memref<2x10000x128xf32, #tpu.memory_space<hbm>> -> memref<1x16x128xf32, #tpu.memory_space<hbm>>
        %dma_wait3A_50 = tpu.memref_squeeze %dma_wait3A_49 : memref<1x16x128xf32, #tpu.memory_space<hbm>> -> memref<16x128xf32, #tpu.memory_space<hbm>>
        %dma_wait3A_51 = arith.constant 9984 : i32
        %dma_wait3A_52 = arith.constant 0 : i32
        %dma_wait3A_53 = tpu.memref_slice %arg6[%dma_wait3A_51, %dma_wait3A_52] : memref<10000x128xf32, #tpu.memory_space<vmem_shared>> -> memref<16x128xf32, #tpu.memory_space<vmem_shared>>
        tpu.wait_dma2 semaphore(%run_scoped3A : memref<!tpu.dma_semaphore, #tpu.memory_space<semaphore_mem>>) src(%dma_wait3A_53 : memref<16x128xf32, #tpu.memory_space<vmem_shared>>) dst(%dma_wait3A_50 : memref<16x128xf32, #tpu.memory_space<hbm>>)
        tpu.yield
      }) : () -> ()
    } else {
    }
    return
  }
}

#map = affine_map<(d0, d1) -> (0)>
#map1 = affine_map<(d0, d1) -> (0, 0)>
#map2 = affine_map<(d0, d1) -> (0, 0, 0)>
module attributes {stable_mosaic.version = 14 : i64} {
  func.func @_agg_body(%arg0: i32, %arg1: i32, %arg2: memref<640000xi32, #tpu.memory_space<hbm>>, %arg3: memref<10000x128xf32, #tpu.memory_space<hbm>>, %arg4: memref<624x128xf32, #tpu.memory_space<hbm>>, %arg5: memref<2x10000x128xf32, #tpu.memory_space<hbm>>, %arg6: memref<10000x128xf32, #tpu.memory_space<vmem_shared>>, %arg7: memref<10000xi32, #tpu.memory_space<vmem>>, %arg8: memref<128xi32, #tpu.memory_space<vmem>>, %arg9: memref<128xi32, #tpu.memory_space<vmem>>, %arg10: memref<128x128xf32, #tpu.memory_space<vmem>>, %arg11: memref<128x128xf32, #tpu.memory_space<vmem>>, %arg12: memref<16xi32, #tpu.memory_space<vmem>>, %arg13: memref<16x128xf32, #tpu.memory_space<vmem>>, %arg14: memref<!tpu.dma_semaphore, #tpu.memory_space<semaphore_mem>>, %arg15: memref<!tpu.dma_semaphore, #tpu.memory_space<semaphore_mem>>) attributes {dimension_semantics = [#tpu.dimension_semantics<core_parallel>, #tpu.dimension_semantics<subcore_parallel>], iteration_bounds = array<i64: 2, 16>, scalar_prefetch = 0 : i64, scratch_operands = 10 : i64, tpu.core_type = #tpu.core_type<sc_vector_subcore>, window_params = [{transform_indices = #map}, {transform_indices = #map1}, {transform_indices = #map1}, {transform_indices = #map2}]} {
    %mul3A = arith.constant 16 : i32
    %mul3A_0 = arith.muli %arg0, %mul3A : i32
    %add3A = arith.addi %mul3A_0, %arg1 : i32
    %mul3A_1 = arith.constant 624 : i32
    %mul3A_2 = arith.muli %arg1, %mul3A_1 : i32
    %multiple_of3A = tpu.assume_multiple %mul3A_2, 8 : i32
    "tpu.region"() ({
      %run_scoped3A = tpu.sem_alloc : memref<!tpu.dma_semaphore, #tpu.memory_space<semaphore_mem>>
      %dma_start3A_37 = arith.constant 0 : i32
      %dma_start3A_38 = tpu.memref_slice %arg6[%multiple_of3A, %dma_start3A_37] : memref<10000x128xf32, #tpu.memory_space<vmem_shared>> -> memref<624x128xf32, #tpu.memory_space<vmem_shared>>
      %dma_start3A_39 = arith.constant 0 : i32
      %dma_start3A_40 = arith.constant 0 : i32
      %dma_start3A_41 = tpu.memref_slice %arg4[%dma_start3A_39, %dma_start3A_40] : memref<624x128xf32, #tpu.memory_space<hbm>> -> memref<624x128xf32, #tpu.memory_space<hbm>>
      tpu.enqueue_dma source(%dma_start3A_41 : memref<624x128xf32, #tpu.memory_space<hbm>>) target(%dma_start3A_38 : memref<624x128xf32, #tpu.memory_space<vmem_shared>>) target_semaphore(%run_scoped3A : memref<!tpu.dma_semaphore, #tpu.memory_space<semaphore_mem>>)
      %dma_wait3A_42 = arith.constant 0 : i32
      %dma_wait3A_43 = tpu.memref_slice %arg6[%multiple_of3A, %dma_wait3A_42] : memref<10000x128xf32, #tpu.memory_space<vmem_shared>> -> memref<624x128xf32, #tpu.memory_space<vmem_shared>>
      %dma_wait3A_44 = arith.constant 0 : i32
      %dma_wait3A_45 = arith.constant 0 : i32
      %dma_wait3A_46 = tpu.memref_slice %arg4[%dma_wait3A_44, %dma_wait3A_45] : memref<624x128xf32, #tpu.memory_space<hbm>> -> memref<624x128xf32, #tpu.memory_space<hbm>>
      tpu.wait_dma2 semaphore(%run_scoped3A : memref<!tpu.dma_semaphore, #tpu.memory_space<semaphore_mem>>) src(%dma_wait3A_46 : memref<624x128xf32, #tpu.memory_space<hbm>>) dst(%dma_wait3A_43 : memref<624x128xf32, #tpu.memory_space<vmem_shared>>)
      tpu.yield
    }) : () -> ()
    %eq3A = arith.constant 15 : i32
    %eq3A_3 = arith.cmpi eq, %arg1, %eq3A : i32
    %convert_element_type3A = arith.extui %eq3A_3 : i1 to i32
    %cond3A = arith.constant 0 : i32
    %cond3A_4 = arith.cmpi ne, %convert_element_type3A, %cond3A : i32
    scf.if %cond3A_4 {
      "tpu.region"() ({
        %run_scoped3A = tpu.sem_alloc : memref<!tpu.dma_semaphore, #tpu.memory_space<semaphore_mem>>
        %dma_start3A_37 = arith.constant 9984 : i32
        %dma_start3A_38 = arith.constant 0 : i32
        %dma_start3A_39 = tpu.memref_slice %arg6[%dma_start3A_37, %dma_start3A_38] : memref<10000x128xf32, #tpu.memory_space<vmem_shared>> -> memref<16x128xf32, #tpu.memory_space<vmem_shared>>
        %dma_start3A_40 = arith.constant 0 : i32
        %dma_start3A_41 = arith.constant 0 : i32
        %dma_start3A_42 = tpu.memref_slice %arg4[%dma_start3A_40, %dma_start3A_41] : memref<624x128xf32, #tpu.memory_space<hbm>> -> memref<16x128xf32, #tpu.memory_space<hbm>>
        tpu.enqueue_dma source(%dma_start3A_42 : memref<16x128xf32, #tpu.memory_space<hbm>>) target(%dma_start3A_39 : memref<16x128xf32, #tpu.memory_space<vmem_shared>>) target_semaphore(%run_scoped3A : memref<!tpu.dma_semaphore, #tpu.memory_space<semaphore_mem>>)
        %dma_wait3A_43 = arith.constant 9984 : i32
        %dma_wait3A_44 = arith.constant 0 : i32
        %dma_wait3A_45 = tpu.memref_slice %arg6[%dma_wait3A_43, %dma_wait3A_44] : memref<10000x128xf32, #tpu.memory_space<vmem_shared>> -> memref<16x128xf32, #tpu.memory_space<vmem_shared>>
        %dma_wait3A_46 = arith.constant 0 : i32
        %dma_wait3A_47 = arith.constant 0 : i32
        %dma_wait3A_48 = tpu.memref_slice %arg4[%dma_wait3A_46, %dma_wait3A_47] : memref<624x128xf32, #tpu.memory_space<hbm>> -> memref<16x128xf32, #tpu.memory_space<hbm>>
        tpu.wait_dma2 semaphore(%run_scoped3A : memref<!tpu.dma_semaphore, #tpu.memory_space<semaphore_mem>>) src(%dma_wait3A_48 : memref<16x128xf32, #tpu.memory_space<hbm>>) dst(%dma_wait3A_45 : memref<16x128xf32, #tpu.memory_space<vmem_shared>>)
        tpu.yield
      }) : () -> ()
    } else {
    }
    %mul3A_5 = arith.constant 10000 : i32
    %mul3A_6 = arith.muli %add3A, %mul3A_5 : i32
    "tpu.region"() ({
      %run_scoped3A = tpu.sem_alloc : memref<!tpu.dma_semaphore, #tpu.memory_space<semaphore_mem>>
      %dma_start3A_37 = tpu.memref_slice %arg2[%mul3A_6] : memref<640000xi32, #tpu.memory_space<hbm>> -> memref<10000xi32, #tpu.memory_space<hbm>>
      %dma_start3A_38 = tpu.memref_slice %arg2[%mul3A_6] : memref<640000xi32, #tpu.memory_space<hbm>> -> memref<10000xi32, #tpu.memory_space<hbm>>
      tpu.enqueue_dma source(%dma_start3A_38 : memref<10000xi32, #tpu.memory_space<hbm>>) target(%arg7 : memref<10000xi32, #tpu.memory_space<vmem>>) target_semaphore(%run_scoped3A : memref<!tpu.dma_semaphore, #tpu.memory_space<semaphore_mem>>)
      %dma_wait3A_39 = tpu.memref_slice %arg2[%mul3A_6] : memref<640000xi32, #tpu.memory_space<hbm>> -> memref<10000xi32, #tpu.memory_space<hbm>>
      %dma_wait3A_40 = tpu.memref_slice %arg2[%mul3A_6] : memref<640000xi32, #tpu.memory_space<hbm>> -> memref<10000xi32, #tpu.memory_space<hbm>>
      tpu.wait_dma2 semaphore(%run_scoped3A : memref<!tpu.dma_semaphore, #tpu.memory_space<semaphore_mem>>) src(%dma_wait3A_40 : memref<10000xi32, #tpu.memory_space<hbm>>) dst(%arg7 : memref<10000xi32, #tpu.memory_space<vmem>>)
      tpu.yield
    }) : () -> ()
    %barrier3A = arith.constant 0 : index
    tpu.barrier barrier_id(%barrier3A)
    %add3A_7 = arith.constant 320000 : i32
    %add3A_8 = arith.addi %add3A_7, %mul3A_6 : i32
    "tpu.region"() ({
      %run_scoped3A = tpu.sem_alloc : memref<!tpu.dma_semaphore, #tpu.memory_space<semaphore_mem>>
      %dma_start3A_37 = tpu.memref_slice %arg2[%add3A_8] : memref<640000xi32, #tpu.memory_space<hbm>> -> memref<128xi32, #tpu.memory_space<hbm>>
      %dma_start3A_38 = tpu.memref_slice %arg2[%add3A_8] : memref<640000xi32, #tpu.memory_space<hbm>> -> memref<128xi32, #tpu.memory_space<hbm>>
      tpu.enqueue_dma source(%dma_start3A_38 : memref<128xi32, #tpu.memory_space<hbm>>) target(%arg8 : memref<128xi32, #tpu.memory_space<vmem>>) target_semaphore(%run_scoped3A : memref<!tpu.dma_semaphore, #tpu.memory_space<semaphore_mem>>)
      %dma_wait3A_39 = tpu.memref_slice %arg2[%add3A_8] : memref<640000xi32, #tpu.memory_space<hbm>> -> memref<128xi32, #tpu.memory_space<hbm>>
      %dma_wait3A_40 = tpu.memref_slice %arg2[%add3A_8] : memref<640000xi32, #tpu.memory_space<hbm>> -> memref<128xi32, #tpu.memory_space<hbm>>
      tpu.wait_dma2 semaphore(%run_scoped3A : memref<!tpu.dma_semaphore, #tpu.memory_space<semaphore_mem>>) src(%dma_wait3A_40 : memref<128xi32, #tpu.memory_space<hbm>>) dst(%arg8 : memref<128xi32, #tpu.memory_space<vmem>>)
      tpu.yield
    }) : () -> ()
    %dma_start3A = arith.constant 0 : i32
    %dma_start3A_9 = tpu.memref_slice %arg7[%dma_start3A] : memref<10000xi32, #tpu.memory_space<vmem>> -> memref<128xi32, #tpu.memory_space<vmem>>
    %dma_start3A_10 = arith.constant 0 : i32
    %dma_start3A_11 = arith.constant 0 : i32
    %dma_start3A_12 = tpu.memref_slice %arg3[%dma_start3A_10, %dma_start3A_11] : memref<10000x128xf32, #tpu.memory_space<hbm>> -> memref<10000x128xf32, #tpu.memory_space<hbm>>
    tpu.enqueue_indirect_dma source(%dma_start3A_12 : memref<10000x128xf32, #tpu.memory_space<hbm>>) target(%arg10 : memref<128x128xf32, #tpu.memory_space<vmem>>) offsets(%dma_start3A_9 : memref<128xi32, #tpu.memory_space<vmem>>) semaphore(%arg14 : memref<!tpu.dma_semaphore, #tpu.memory_space<semaphore_mem>>)
    %scan3A = arith.constant 0 : i32
    %scan3A_13 = arith.constant 0 : i32
    %scan3A_14 = arith.constant 39 : i32
    %scan3A_15 = arith.addi %scan3A_13, %scan3A_14 : i32
    %scan3A_16 = arith.constant 1 : i32
    scf.for %scan3A_37 = %scan3A_13 to %scan3A_15 step %scan3A_16  : i32 {
      %mul3A_38 = arith.constant 2 : i32
      %mul3A_39 = arith.muli %scan3A_37, %mul3A_38 : i32
      %add3A_40 = arith.constant 1 : i32
      %add3A_41 = arith.addi %mul3A_39, %add3A_40 : i32
      %add3A_42 = arith.constant 320000 : i32
      %add3A_43 = arith.addi %add3A_42, %mul3A_6 : i32
      %mul3A_44 = arith.constant 128 : i32
      %mul3A_45 = arith.muli %add3A_41, %mul3A_44 : i32
      %add3A_46 = arith.addi %add3A_43, %mul3A_45 : i32
      "tpu.region"() ({
        %run_scoped3A = tpu.sem_alloc : memref<!tpu.dma_semaphore, #tpu.memory_space<semaphore_mem>>
        %dma_start3A_67 = tpu.memref_slice %arg2[%add3A_46] : memref<640000xi32, #tpu.memory_space<hbm>> -> memref<128xi32, #tpu.memory_space<hbm>>
        %dma_start3A_68 = tpu.memref_slice %arg2[%add3A_46] : memref<640000xi32, #tpu.memory_space<hbm>> -> memref<128xi32, #tpu.memory_space<hbm>>
        tpu.enqueue_dma source(%dma_start3A_68 : memref<128xi32, #tpu.memory_space<hbm>>) target(%arg9 : memref<128xi32, #tpu.memory_space<vmem>>) target_semaphore(%run_scoped3A : memref<!tpu.dma_semaphore, #tpu.memory_space<semaphore_mem>>)
        %dma_wait3A_69 = tpu.memref_slice %arg2[%add3A_46] : memref<640000xi32, #tpu.memory_space<hbm>> -> memref<128xi32, #tpu.memory_space<hbm>>
        %dma_wait3A_70 = tpu.memref_slice %arg2[%add3A_46] : memref<640000xi32, #tpu.memory_space<hbm>> -> memref<128xi32, #tpu.memory_space<hbm>>
        tpu.wait_dma2 semaphore(%run_scoped3A : memref<!tpu.dma_semaphore, #tpu.memory_space<semaphore_mem>>) src(%dma_wait3A_70 : memref<128xi32, #tpu.memory_space<hbm>>) dst(%arg9 : memref<128xi32, #tpu.memory_space<vmem>>)
        tpu.yield
      }) : () -> ()
      %mul3A_47 = arith.constant 128 : i32
      %mul3A_48 = arith.muli %add3A_41, %mul3A_47 : i32
      %dma_start3A_49 = tpu.memref_slice %arg7[%mul3A_48] : memref<10000xi32, #tpu.memory_space<vmem>> -> memref<128xi32, #tpu.memory_space<vmem>>
      %dma_start3A_50 = arith.constant 0 : i32
      %dma_start3A_51 = arith.constant 0 : i32
      %dma_start3A_52 = tpu.memref_slice %arg3[%dma_start3A_50, %dma_start3A_51] : memref<10000x128xf32, #tpu.memory_space<hbm>> -> memref<10000x128xf32, #tpu.memory_space<hbm>>
      tpu.enqueue_indirect_dma source(%dma_start3A_52 : memref<10000x128xf32, #tpu.memory_space<hbm>>) target(%arg11 : memref<128x128xf32, #tpu.memory_space<vmem>>) offsets(%dma_start3A_49 : memref<128xi32, #tpu.memory_space<vmem>>) semaphore(%arg15 : memref<!tpu.dma_semaphore, #tpu.memory_space<semaphore_mem>>)
      %mul3A_53 = arith.constant 128 : i32
      %mul3A_54 = arith.muli %mul3A_39, %mul3A_53 : i32
      %dma_wait3A_55 = tpu.memref_slice %arg7[%mul3A_54] : memref<10000xi32, #tpu.memory_space<vmem>> -> memref<128xi32, #tpu.memory_space<vmem>>
      %dma_wait3A_56 = arith.constant 0 : i32
      %dma_wait3A_57 = arith.constant 0 : i32
      %dma_wait3A_58 = tpu.memref_slice %arg3[%dma_wait3A_56, %dma_wait3A_57] : memref<10000x128xf32, #tpu.memory_space<hbm>> -> memref<10000x128xf32, #tpu.memory_space<hbm>>
      tpu.wait_indirect_dma semaphore(%arg14 : memref<!tpu.dma_semaphore, #tpu.memory_space<semaphore_mem>>) src(%dma_wait3A_58 : memref<10000x128xf32, #tpu.memory_space<hbm>>) dst(%arg10 : memref<128x128xf32, #tpu.memory_space<vmem>>)
      "tpu.region"() ({
        %run_scoped3A = tpu.sem_alloc : memref<!tpu.dma_semaphore, #tpu.memory_space<semaphore_mem>>
        %dma_start3A_67 = arith.constant 0 : i32
        %dma_start3A_68 = arith.constant 0 : i32
        %dma_start3A_69 = tpu.memref_slice %arg6[%dma_start3A_67, %dma_start3A_68] : memref<10000x128xf32, #tpu.memory_space<vmem_shared>> -> memref<10000x128xf32, #tpu.memory_space<vmem_shared>>
        tpu.enqueue_indirect_dma source(%arg10 : memref<128x128xf32, #tpu.memory_space<vmem>>) target(%dma_start3A_69 : memref<10000x128xf32, #tpu.memory_space<vmem_shared>>) offsets(%arg8 : memref<128xi32, #tpu.memory_space<vmem>>) semaphore(%run_scoped3A : memref<!tpu.dma_semaphore, #tpu.memory_space<semaphore_mem>>) {add = true}
        %dma_wait3A_70 = arith.constant 0 : i32
        %dma_wait3A_71 = arith.constant 0 : i32
        %dma_wait3A_72 = tpu.memref_slice %arg6[%dma_wait3A_70, %dma_wait3A_71] : memref<10000x128xf32, #tpu.memory_space<vmem_shared>> -> memref<10000x128xf32, #tpu.memory_space<vmem_shared>>
        tpu.wait_indirect_dma semaphore(%run_scoped3A : memref<!tpu.dma_semaphore, #tpu.memory_space<semaphore_mem>>) src(%arg10 : memref<128x128xf32, #tpu.memory_space<vmem>>) dst(%dma_wait3A_72 : memref<10000x128xf32, #tpu.memory_space<vmem_shared>>)
        tpu.yield
      }) : () -> ()
      %lt3A = arith.constant 38 : i32
      %lt3A_59 = arith.cmpi slt, %scan3A_37, %lt3A : i32
      %convert_element_type3A_60 = arith.extui %lt3A_59 : i1 to i32
      %cond3A_61 = arith.constant 0 : i32
      %cond3A_62 = arith.cmpi ne, %convert_element_type3A_60, %cond3A_61 : i32
      scf.if %cond3A_62 {
        %add3A_67 = arith.constant 320000 : i32
        %add3A_68 = arith.addi %add3A_67, %mul3A_6 : i32
        %add3A_69 = arith.constant 2 : i32
        %add3A_70 = arith.addi %mul3A_39, %add3A_69 : i32
        %mul3A_71 = arith.constant 128 : i32
        %mul3A_72 = arith.muli %add3A_70, %mul3A_71 : i32
        %add3A_73 = arith.addi %add3A_68, %mul3A_72 : i32
        "tpu.region"() ({
          %run_scoped3A = tpu.sem_alloc : memref<!tpu.dma_semaphore, #tpu.memory_space<semaphore_mem>>
          %dma_start3A_82 = tpu.memref_slice %arg2[%add3A_73] : memref<640000xi32, #tpu.memory_space<hbm>> -> memref<128xi32, #tpu.memory_space<hbm>>
          %dma_start3A_83 = tpu.memref_slice %arg2[%add3A_73] : memref<640000xi32, #tpu.memory_space<hbm>> -> memref<128xi32, #tpu.memory_space<hbm>>
          tpu.enqueue_dma source(%dma_start3A_83 : memref<128xi32, #tpu.memory_space<hbm>>) target(%arg8 : memref<128xi32, #tpu.memory_space<vmem>>) target_semaphore(%run_scoped3A : memref<!tpu.dma_semaphore, #tpu.memory_space<semaphore_mem>>)
          %dma_wait3A_84 = tpu.memref_slice %arg2[%add3A_73] : memref<640000xi32, #tpu.memory_space<hbm>> -> memref<128xi32, #tpu.memory_space<hbm>>
          %dma_wait3A_85 = tpu.memref_slice %arg2[%add3A_73] : memref<640000xi32, #tpu.memory_space<hbm>> -> memref<128xi32, #tpu.memory_space<hbm>>
          tpu.wait_dma2 semaphore(%run_scoped3A : memref<!tpu.dma_semaphore, #tpu.memory_space<semaphore_mem>>) src(%dma_wait3A_85 : memref<128xi32, #tpu.memory_space<hbm>>) dst(%arg8 : memref<128xi32, #tpu.memory_space<vmem>>)
          tpu.yield
        }) : () -> ()
        %add3A_74 = arith.constant 2 : i32
        %add3A_75 = arith.addi %mul3A_39, %add3A_74 : i32
        %mul3A_76 = arith.constant 128 : i32
        %mul3A_77 = arith.muli %add3A_75, %mul3A_76 : i32
        %dma_start3A_78 = tpu.memref_slice %arg7[%mul3A_77] : memref<10000xi32, #tpu.memory_space<vmem>> -> memref<128xi32, #tpu.memory_space<vmem>>
        %dma_start3A_79 = arith.constant 0 : i32
        %dma_start3A_80 = arith.constant 0 : i32
        %dma_start3A_81 = tpu.memref_slice %arg3[%dma_start3A_79, %dma_start3A_80] : memref<10000x128xf32, #tpu.memory_space<hbm>> -> memref<10000x128xf32, #tpu.memory_space<hbm>>
        tpu.enqueue_indirect_dma source(%dma_start3A_81 : memref<10000x128xf32, #tpu.memory_space<hbm>>) target(%arg10 : memref<128x128xf32, #tpu.memory_space<vmem>>) offsets(%dma_start3A_78 : memref<128xi32, #tpu.memory_space<vmem>>) semaphore(%arg14 : memref<!tpu.dma_semaphore, #tpu.memory_space<semaphore_mem>>)
      } else {
      }
      %dma_wait3A_63 = tpu.memref_slice %arg7[%mul3A_48] : memref<10000xi32, #tpu.memory_space<vmem>> -> memref<128xi32, #tpu.memory_space<vmem>>
      %dma_wait3A_64 = arith.constant 0 : i32
      %dma_wait3A_65 = arith.constant 0 : i32
      %dma_wait3A_66 = tpu.memref_slice %arg3[%dma_wait3A_64, %dma_wait3A_65] : memref<10000x128xf32, #tpu.memory_space<hbm>> -> memref<10000x128xf32, #tpu.memory_space<hbm>>
      tpu.wait_indirect_dma semaphore(%arg15 : memref<!tpu.dma_semaphore, #tpu.memory_space<semaphore_mem>>) src(%dma_wait3A_66 : memref<10000x128xf32, #tpu.memory_space<hbm>>) dst(%arg11 : memref<128x128xf32, #tpu.memory_space<vmem>>)
      "tpu.region"() ({
        %run_scoped3A = tpu.sem_alloc : memref<!tpu.dma_semaphore, #tpu.memory_space<semaphore_mem>>
        %dma_start3A_67 = arith.constant 0 : i32
        %dma_start3A_68 = arith.constant 0 : i32
        %dma_start3A_69 = tpu.memref_slice %arg6[%dma_start3A_67, %dma_start3A_68] : memref<10000x128xf32, #tpu.memory_space<vmem_shared>> -> memref<10000x128xf32, #tpu.memory_space<vmem_shared>>
        tpu.enqueue_indirect_dma source(%arg11 : memref<128x128xf32, #tpu.memory_space<vmem>>) target(%dma_start3A_69 : memref<10000x128xf32, #tpu.memory_space<vmem_shared>>) offsets(%arg9 : memref<128xi32, #tpu.memory_space<vmem>>) semaphore(%run_scoped3A : memref<!tpu.dma_semaphore, #tpu.memory_space<semaphore_mem>>) {add = true}
        %dma_wait3A_70 = arith.constant 0 : i32
        %dma_wait3A_71 = arith.constant 0 : i32
        %dma_wait3A_72 = tpu.memref_slice %arg6[%dma_wait3A_70, %dma_wait3A_71] : memref<10000x128xf32, #tpu.memory_space<vmem_shared>> -> memref<10000x128xf32, #tpu.memory_space<vmem_shared>>
        tpu.wait_indirect_dma semaphore(%run_scoped3A : memref<!tpu.dma_semaphore, #tpu.memory_space<semaphore_mem>>) src(%arg11 : memref<128x128xf32, #tpu.memory_space<vmem>>) dst(%dma_wait3A_72 : memref<10000x128xf32, #tpu.memory_space<vmem_shared>>)
        tpu.yield
      }) : () -> ()
    }
    %scan3A_17 = arith.constant 39 : i32
    %add3A_18 = arith.constant 9984 : i32
    %add3A_19 = arith.addi %mul3A_6, %add3A_18 : i32
    %add3A_20 = arith.constant 320000 : i32
    %add3A_21 = arith.addi %add3A_20, %add3A_19 : i32
    "tpu.region"() ({
      %run_scoped3A = tpu.sem_alloc : memref<!tpu.dma_semaphore, #tpu.memory_space<semaphore_mem>>
      %dma_start3A_37 = tpu.memref_slice %arg2[%add3A_21] : memref<640000xi32, #tpu.memory_space<hbm>> -> memref<16xi32, #tpu.memory_space<hbm>>
      %dma_start3A_38 = tpu.memref_slice %arg2[%add3A_21] : memref<640000xi32, #tpu.memory_space<hbm>> -> memref<16xi32, #tpu.memory_space<hbm>>
      tpu.enqueue_dma source(%dma_start3A_38 : memref<16xi32, #tpu.memory_space<hbm>>) target(%arg12 : memref<16xi32, #tpu.memory_space<vmem>>) target_semaphore(%run_scoped3A : memref<!tpu.dma_semaphore, #tpu.memory_space<semaphore_mem>>)
      %dma_wait3A_39 = tpu.memref_slice %arg2[%add3A_21] : memref<640000xi32, #tpu.memory_space<hbm>> -> memref<16xi32, #tpu.memory_space<hbm>>
      %dma_wait3A_40 = tpu.memref_slice %arg2[%add3A_21] : memref<640000xi32, #tpu.memory_space<hbm>> -> memref<16xi32, #tpu.memory_space<hbm>>
      tpu.wait_dma2 semaphore(%run_scoped3A : memref<!tpu.dma_semaphore, #tpu.memory_space<semaphore_mem>>) src(%dma_wait3A_40 : memref<16xi32, #tpu.memory_space<hbm>>) dst(%arg12 : memref<16xi32, #tpu.memory_space<vmem>>)
      tpu.yield
    }) : () -> ()
    %dma_start3A_22 = arith.constant 9984 : i32
    %dma_start3A_23 = tpu.memref_slice %arg7[%dma_start3A_22] : memref<10000xi32, #tpu.memory_space<vmem>> -> memref<16xi32, #tpu.memory_space<vmem>>
    %dma_start3A_24 = arith.constant 0 : i32
    %dma_start3A_25 = arith.constant 0 : i32
    %dma_start3A_26 = tpu.memref_slice %arg3[%dma_start3A_24, %dma_start3A_25] : memref<10000x128xf32, #tpu.memory_space<hbm>> -> memref<10000x128xf32, #tpu.memory_space<hbm>>
    tpu.enqueue_indirect_dma source(%dma_start3A_26 : memref<10000x128xf32, #tpu.memory_space<hbm>>) target(%arg13 : memref<16x128xf32, #tpu.memory_space<vmem>>) offsets(%dma_start3A_23 : memref<16xi32, #tpu.memory_space<vmem>>) semaphore(%arg14 : memref<!tpu.dma_semaphore, #tpu.memory_space<semaphore_mem>>)
    %dma_wait3A = arith.constant 9984 : i32
    %dma_wait3A_27 = tpu.memref_slice %arg7[%dma_wait3A] : memref<10000xi32, #tpu.memory_space<vmem>> -> memref<16xi32, #tpu.memory_space<vmem>>
    %dma_wait3A_28 = arith.constant 0 : i32
    %dma_wait3A_29 = arith.constant 0 : i32
    %dma_wait3A_30 = tpu.memref_slice %arg3[%dma_wait3A_28, %dma_wait3A_29] : memref<10000x128xf32, #tpu.memory_space<hbm>> -> memref<10000x128xf32, #tpu.memory_space<hbm>>
    tpu.wait_indirect_dma semaphore(%arg14 : memref<!tpu.dma_semaphore, #tpu.memory_space<semaphore_mem>>) src(%dma_wait3A_30 : memref<10000x128xf32, #tpu.memory_space<hbm>>) dst(%arg13 : memref<16x128xf32, #tpu.memory_space<vmem>>)
    "tpu.region"() ({
      %run_scoped3A = tpu.sem_alloc : memref<!tpu.dma_semaphore, #tpu.memory_space<semaphore_mem>>
      %dma_start3A_37 = arith.constant 0 : i32
      %dma_start3A_38 = arith.constant 0 : i32
      %dma_start3A_39 = tpu.memref_slice %arg6[%dma_start3A_37, %dma_start3A_38] : memref<10000x128xf32, #tpu.memory_space<vmem_shared>> -> memref<10000x128xf32, #tpu.memory_space<vmem_shared>>
      tpu.enqueue_indirect_dma source(%arg13 : memref<16x128xf32, #tpu.memory_space<vmem>>) target(%dma_start3A_39 : memref<10000x128xf32, #tpu.memory_space<vmem_shared>>) offsets(%arg12 : memref<16xi32, #tpu.memory_space<vmem>>) semaphore(%run_scoped3A : memref<!tpu.dma_semaphore, #tpu.memory_space<semaphore_mem>>) {add = true}
      %dma_wait3A_40 = arith.constant 0 : i32
      %dma_wait3A_41 = arith.constant 0 : i32
      %dma_wait3A_42 = tpu.memref_slice %arg6[%dma_wait3A_40, %dma_wait3A_41] : memref<10000x128xf32, #tpu.memory_space<vmem_shared>> -> memref<10000x128xf32, #tpu.memory_space<vmem_shared>>
      tpu.wait_indirect_dma semaphore(%run_scoped3A : memref<!tpu.dma_semaphore, #tpu.memory_space<semaphore_mem>>) src(%arg13 : memref<16x128xf32, #tpu.memory_space<vmem>>) dst(%dma_wait3A_42 : memref<10000x128xf32, #tpu.memory_space<vmem_shared>>)
      tpu.yield
    }) : () -> ()
    %barrier3A_31 = arith.constant 0 : index
    tpu.barrier barrier_id(%barrier3A_31)
    "tpu.region"() ({
      %run_scoped3A = tpu.sem_alloc : memref<!tpu.dma_semaphore, #tpu.memory_space<semaphore_mem>>
      %dma_start3A_37 = arith.constant 0 : i32
      %dma_start3A_38 = tpu.memref_slice %arg5[%arg0, %multiple_of3A, %dma_start3A_37] : memref<2x10000x128xf32, #tpu.memory_space<hbm>> -> memref<1x624x128xf32, #tpu.memory_space<hbm>>
      %dma_start3A_39 = tpu.memref_squeeze %dma_start3A_38 : memref<1x624x128xf32, #tpu.memory_space<hbm>> -> memref<624x128xf32, #tpu.memory_space<hbm>>
      %dma_start3A_40 = arith.constant 0 : i32
      %dma_start3A_41 = tpu.memref_slice %arg6[%multiple_of3A, %dma_start3A_40] : memref<10000x128xf32, #tpu.memory_space<vmem_shared>> -> memref<624x128xf32, #tpu.memory_space<vmem_shared>>
      tpu.enqueue_dma source(%dma_start3A_41 : memref<624x128xf32, #tpu.memory_space<vmem_shared>>) target(%dma_start3A_39 : memref<624x128xf32, #tpu.memory_space<hbm>>) target_semaphore(%run_scoped3A : memref<!tpu.dma_semaphore, #tpu.memory_space<semaphore_mem>>)
      %dma_wait3A_42 = arith.constant 0 : i32
      %dma_wait3A_43 = tpu.memref_slice %arg5[%arg0, %multiple_of3A, %dma_wait3A_42] : memref<2x10000x128xf32, #tpu.memory_space<hbm>> -> memref<1x624x128xf32, #tpu.memory_space<hbm>>
      %dma_wait3A_44 = tpu.memref_squeeze %dma_wait3A_43 : memref<1x624x128xf32, #tpu.memory_space<hbm>> -> memref<624x128xf32, #tpu.memory_space<hbm>>
      %dma_wait3A_45 = arith.constant 0 : i32
      %dma_wait3A_46 = tpu.memref_slice %arg6[%multiple_of3A, %dma_wait3A_45] : memref<10000x128xf32, #tpu.memory_space<vmem_shared>> -> memref<624x128xf32, #tpu.memory_space<vmem_shared>>
      tpu.wait_dma2 semaphore(%run_scoped3A : memref<!tpu.dma_semaphore, #tpu.memory_space<semaphore_mem>>) src(%dma_wait3A_46 : memref<624x128xf32, #tpu.memory_space<vmem_shared>>) dst(%dma_wait3A_44 : memref<624x128xf32, #tpu.memory_space<hbm>>)
      tpu.yield
    }) : () -> ()
    %eq3A_32 = arith.constant 15 : i32
    %eq3A_33 = arith.cmpi eq, %arg1, %eq3A_32 : i32
    %convert_element_type3A_34 = arith.extui %eq3A_33 : i1 to i32
    %cond3A_35 = arith.constant 0 : i32
    %cond3A_36 = arith.cmpi ne, %convert_element_type3A_34, %cond3A_35 : i32
    scf.if %cond3A_36 {
      "tpu.region"() ({
        %run_scoped3A = tpu.sem_alloc : memref<!tpu.dma_semaphore, #tpu.memory_space<semaphore_mem>>
        %dma_start3A_37 = arith.constant 9984 : i32
        %dma_start3A_38 = arith.constant 0 : i32
        %dma_start3A_39 = tpu.memref_slice %arg5[%arg0, %dma_start3A_37, %dma_start3A_38] : memref<2x10000x128xf32, #tpu.memory_space<hbm>> -> memref<1x16x128xf32, #tpu.memory_space<hbm>>
        %dma_start3A_40 = tpu.memref_squeeze %dma_start3A_39 : memref<1x16x128xf32, #tpu.memory_space<hbm>> -> memref<16x128xf32, #tpu.memory_space<hbm>>
        %dma_start3A_41 = arith.constant 9984 : i32
        %dma_start3A_42 = arith.constant 0 : i32
        %dma_start3A_43 = tpu.memref_slice %arg6[%dma_start3A_41, %dma_start3A_42] : memref<10000x128xf32, #tpu.memory_space<vmem_shared>> -> memref<16x128xf32, #tpu.memory_space<vmem_shared>>
        tpu.enqueue_dma source(%dma_start3A_43 : memref<16x128xf32, #tpu.memory_space<vmem_shared>>) target(%dma_start3A_40 : memref<16x128xf32, #tpu.memory_space<hbm>>) target_semaphore(%run_scoped3A : memref<!tpu.dma_semaphore, #tpu.memory_space<semaphore_mem>>)
        %dma_wait3A_44 = arith.constant 9984 : i32
        %dma_wait3A_45 = arith.constant 0 : i32
        %dma_wait3A_46 = tpu.memref_slice %arg5[%arg0, %dma_wait3A_44, %dma_wait3A_45] : memref<2x10000x128xf32, #tpu.memory_space<hbm>> -> memref<1x16x128xf32, #tpu.memory_space<hbm>>
        %dma_wait3A_47 = tpu.memref_squeeze %dma_wait3A_46 : memref<1x16x128xf32, #tpu.memory_space<hbm>> -> memref<16x128xf32, #tpu.memory_space<hbm>>
        %dma_wait3A_48 = arith.constant 9984 : i32
        %dma_wait3A_49 = arith.constant 0 : i32
        %dma_wait3A_50 = tpu.memref_slice %arg6[%dma_wait3A_48, %dma_wait3A_49] : memref<10000x128xf32, #tpu.memory_space<vmem_shared>> -> memref<16x128xf32, #tpu.memory_space<vmem_shared>>
        tpu.wait_dma2 semaphore(%run_scoped3A : memref<!tpu.dma_semaphore, #tpu.memory_space<semaphore_mem>>) src(%dma_wait3A_50 : memref<16x128xf32, #tpu.memory_space<vmem_shared>>) dst(%dma_wait3A_47 : memref<16x128xf32, #tpu.memory_space<hbm>>)
        tpu.yield
      }) : () -> ()
    } else {
    }
    return
  }
}

#map = affine_map<(d0, d1) -> (0, 0)>
#map1 = affine_map<(d0, d1) -> (0)>
#map2 = affine_map<(d0, d1) -> (0, 0, 0)>
module attributes {stable_mosaic.version = 14 : i64} {
  func.func @_pool_body(%arg0: i32, %arg1: i32, %arg2: memref<10000x128xf32, #tpu.memory_space<hbm>>, %arg3: memref<10000xi32, #tpu.memory_space<hbm>>, %arg4: memref<624x128xf32, #tpu.memory_space<hbm>>, %arg5: memref<128x128xf32, #tpu.memory_space<hbm>>, %arg6: memref<2x512x128xf32, #tpu.memory_space<hbm>>, %arg7: memref<2x512x128xf32, #tpu.memory_space<hbm>>, %arg8: memref<512x128xf32, #tpu.memory_space<vmem_shared>>, %arg9: memref<512x128xf32, #tpu.memory_space<vmem_shared>>, %arg10: memref<128x128xf32, #tpu.memory_space<vmem>>, %arg11: memref<128xi32, #tpu.memory_space<vmem>>, %arg12: memref<16x128xf32, #tpu.memory_space<vmem>>, %arg13: memref<16xi32, #tpu.memory_space<vmem>>, %arg14: memref<128x128xf32, #tpu.memory_space<vmem>>) attributes {dimension_semantics = [#tpu.dimension_semantics<core_parallel>, #tpu.dimension_semantics<subcore_parallel>], iteration_bounds = array<i64: 2, 16>, scalar_prefetch = 0 : i64, scratch_operands = 7 : i64, tpu.core_type = #tpu.core_type<sc_vector_subcore>, window_params = [{transform_indices = #map}, {transform_indices = #map1}, {transform_indices = #map}, {transform_indices = #map}, {transform_indices = #map2}, {transform_indices = #map2}]} {
    %mul3A = arith.constant 16 : i32
    %mul3A_0 = arith.muli %arg0, %mul3A : i32
    %add3A = arith.addi %mul3A_0, %arg1 : i32
    %mul3A_1 = arith.constant 32 : i32
    %mul3A_2 = arith.muli %arg1, %mul3A_1 : i32
    %multiple_of3A = tpu.assume_multiple %mul3A_2, 8 : i32
    "tpu.region"() ({
      %run_scoped3A = tpu.sem_alloc : memref<!tpu.dma_semaphore, #tpu.memory_space<semaphore_mem>>
      %dma_start3A = arith.constant 0 : i32
      %dma_start3A_26 = tpu.memref_slice %arg8[%multiple_of3A, %dma_start3A] : memref<512x128xf32, #tpu.memory_space<vmem_shared>> -> memref<32x128xf32, #tpu.memory_space<vmem_shared>>
      %dma_start3A_27 = arith.constant 0 : i32
      %dma_start3A_28 = arith.constant 0 : i32
      %dma_start3A_29 = tpu.memref_slice %arg4[%dma_start3A_27, %dma_start3A_28] : memref<624x128xf32, #tpu.memory_space<hbm>> -> memref<32x128xf32, #tpu.memory_space<hbm>>
      tpu.enqueue_dma source(%dma_start3A_29 : memref<32x128xf32, #tpu.memory_space<hbm>>) target(%dma_start3A_26 : memref<32x128xf32, #tpu.memory_space<vmem_shared>>) target_semaphore(%run_scoped3A : memref<!tpu.dma_semaphore, #tpu.memory_space<semaphore_mem>>)
      %dma_wait3A = arith.constant 0 : i32
      %dma_wait3A_30 = tpu.memref_slice %arg8[%multiple_of3A, %dma_wait3A] : memref<512x128xf32, #tpu.memory_space<vmem_shared>> -> memref<32x128xf32, #tpu.memory_space<vmem_shared>>
      %dma_wait3A_31 = arith.constant 0 : i32
      %dma_wait3A_32 = arith.constant 0 : i32
      %dma_wait3A_33 = tpu.memref_slice %arg4[%dma_wait3A_31, %dma_wait3A_32] : memref<624x128xf32, #tpu.memory_space<hbm>> -> memref<32x128xf32, #tpu.memory_space<hbm>>
      tpu.wait_dma2 semaphore(%run_scoped3A : memref<!tpu.dma_semaphore, #tpu.memory_space<semaphore_mem>>) src(%dma_wait3A_33 : memref<32x128xf32, #tpu.memory_space<hbm>>) dst(%dma_wait3A_30 : memref<32x128xf32, #tpu.memory_space<vmem_shared>>)
      tpu.yield
    }) : () -> ()
    "tpu.region"() ({
      %run_scoped3A = tpu.sem_alloc : memref<!tpu.dma_semaphore, #tpu.memory_space<semaphore_mem>>
      %dma_start3A = arith.constant 0 : i32
      %dma_start3A_26 = tpu.memref_slice %arg9[%multiple_of3A, %dma_start3A] : memref<512x128xf32, #tpu.memory_space<vmem_shared>> -> memref<32x128xf32, #tpu.memory_space<vmem_shared>>
      %dma_start3A_27 = arith.constant 0 : i32
      %dma_start3A_28 = arith.constant 0 : i32
      %dma_start3A_29 = tpu.memref_slice %arg4[%dma_start3A_27, %dma_start3A_28] : memref<624x128xf32, #tpu.memory_space<hbm>> -> memref<32x128xf32, #tpu.memory_space<hbm>>
      tpu.enqueue_dma source(%dma_start3A_29 : memref<32x128xf32, #tpu.memory_space<hbm>>) target(%dma_start3A_26 : memref<32x128xf32, #tpu.memory_space<vmem_shared>>) target_semaphore(%run_scoped3A : memref<!tpu.dma_semaphore, #tpu.memory_space<semaphore_mem>>)
      %dma_wait3A = arith.constant 0 : i32
      %dma_wait3A_30 = tpu.memref_slice %arg9[%multiple_of3A, %dma_wait3A] : memref<512x128xf32, #tpu.memory_space<vmem_shared>> -> memref<32x128xf32, #tpu.memory_space<vmem_shared>>
      %dma_wait3A_31 = arith.constant 0 : i32
      %dma_wait3A_32 = arith.constant 0 : i32
      %dma_wait3A_33 = tpu.memref_slice %arg4[%dma_wait3A_31, %dma_wait3A_32] : memref<624x128xf32, #tpu.memory_space<hbm>> -> memref<32x128xf32, #tpu.memory_space<hbm>>
      tpu.wait_dma2 semaphore(%run_scoped3A : memref<!tpu.dma_semaphore, #tpu.memory_space<semaphore_mem>>) src(%dma_wait3A_33 : memref<32x128xf32, #tpu.memory_space<hbm>>) dst(%dma_wait3A_30 : memref<32x128xf32, #tpu.memory_space<vmem_shared>>)
      tpu.yield
    }) : () -> ()
    "tpu.region"() ({
      %run_scoped3A = tpu.sem_alloc : memref<!tpu.dma_semaphore, #tpu.memory_space<semaphore_mem>>
      tpu.enqueue_dma source(%arg5 : memref<128x128xf32, #tpu.memory_space<hbm>>) target(%arg14 : memref<128x128xf32, #tpu.memory_space<vmem>>) target_semaphore(%run_scoped3A : memref<!tpu.dma_semaphore, #tpu.memory_space<semaphore_mem>>)
      tpu.wait_dma2 semaphore(%run_scoped3A : memref<!tpu.dma_semaphore, #tpu.memory_space<semaphore_mem>>) src(%arg5 : memref<128x128xf32, #tpu.memory_space<hbm>>) dst(%arg14 : memref<128x128xf32, #tpu.memory_space<vmem>>)
      tpu.yield
    }) : () -> ()
    %barrier3A = arith.constant 0 : index
    tpu.barrier barrier_id(%barrier3A)
    %add3A_3 = arith.constant 0 : i32
    %add3A_4 = arith.addi %add3A, %add3A_3 : i32
    %lt3A = arith.constant 78 : i32
    %lt3A_5 = arith.cmpi slt, %add3A_4, %lt3A : i32
    %convert_element_type3A = arith.extui %lt3A_5 : i1 to i32
    %cond3A = arith.constant 0 : i32
    %cond3A_6 = arith.cmpi ne, %convert_element_type3A, %cond3A : i32
    scf.if %cond3A_6 {
      %mul3A_26 = arith.constant 128 : i32
      %mul3A_27 = arith.muli %add3A_4, %mul3A_26 : i32
      %multiple_of3A_28 = tpu.assume_multiple %mul3A_27, 8 : i32
      "tpu.region"() ({
        %run_scoped3A = tpu.sem_alloc : memref<!tpu.dma_semaphore, #tpu.memory_space<semaphore_mem>>
        %dma_start3A = arith.constant 0 : i32
        %dma_start3A_29 = tpu.memref_slice %arg2[%multiple_of3A_28, %dma_start3A] : memref<10000x128xf32, #tpu.memory_space<hbm>> -> memref<128x128xf32, #tpu.memory_space<hbm>>
        %dma_start3A_30 = arith.constant 0 : i32
        %dma_start3A_31 = tpu.memref_slice %arg2[%multiple_of3A_28, %dma_start3A_30] : memref<10000x128xf32, #tpu.memory_space<hbm>> -> memref<128x128xf32, #tpu.memory_space<hbm>>
        tpu.enqueue_dma source(%dma_start3A_31 : memref<128x128xf32, #tpu.memory_space<hbm>>) target(%arg10 : memref<128x128xf32, #tpu.memory_space<vmem>>) target_semaphore(%run_scoped3A : memref<!tpu.dma_semaphore, #tpu.memory_space<semaphore_mem>>)
        %dma_wait3A = arith.constant 0 : i32
        %dma_wait3A_32 = tpu.memref_slice %arg2[%multiple_of3A_28, %dma_wait3A] : memref<10000x128xf32, #tpu.memory_space<hbm>> -> memref<128x128xf32, #tpu.memory_space<hbm>>
        %dma_wait3A_33 = arith.constant 0 : i32
        %dma_wait3A_34 = tpu.memref_slice %arg2[%multiple_of3A_28, %dma_wait3A_33] : memref<10000x128xf32, #tpu.memory_space<hbm>> -> memref<128x128xf32, #tpu.memory_space<hbm>>
        tpu.wait_dma2 semaphore(%run_scoped3A : memref<!tpu.dma_semaphore, #tpu.memory_space<semaphore_mem>>) src(%dma_wait3A_34 : memref<128x128xf32, #tpu.memory_space<hbm>>) dst(%arg10 : memref<128x128xf32, #tpu.memory_space<vmem>>)
        tpu.yield
      }) : () -> ()
      "tpu.region"() ({
        %run_scoped3A = tpu.sem_alloc : memref<!tpu.dma_semaphore, #tpu.memory_space<semaphore_mem>>
        %dma_start3A = tpu.memref_slice %arg3[%multiple_of3A_28] : memref<10000xi32, #tpu.memory_space<hbm>> -> memref<128xi32, #tpu.memory_space<hbm>>
        %dma_start3A_29 = tpu.memref_slice %arg3[%multiple_of3A_28] : memref<10000xi32, #tpu.memory_space<hbm>> -> memref<128xi32, #tpu.memory_space<hbm>>
        tpu.enqueue_dma source(%dma_start3A_29 : memref<128xi32, #tpu.memory_space<hbm>>) target(%arg11 : memref<128xi32, #tpu.memory_space<vmem>>) target_semaphore(%run_scoped3A : memref<!tpu.dma_semaphore, #tpu.memory_space<semaphore_mem>>)
        %dma_wait3A = tpu.memref_slice %arg3[%multiple_of3A_28] : memref<10000xi32, #tpu.memory_space<hbm>> -> memref<128xi32, #tpu.memory_space<hbm>>
        %dma_wait3A_30 = tpu.memref_slice %arg3[%multiple_of3A_28] : memref<10000xi32, #tpu.memory_space<hbm>> -> memref<128xi32, #tpu.memory_space<hbm>>
        tpu.wait_dma2 semaphore(%run_scoped3A : memref<!tpu.dma_semaphore, #tpu.memory_space<semaphore_mem>>) src(%dma_wait3A_30 : memref<128xi32, #tpu.memory_space<hbm>>) dst(%arg11 : memref<128xi32, #tpu.memory_space<vmem>>)
        tpu.yield
      }) : () -> ()
      "tpu.region"() ({
        %run_scoped3A = tpu.sem_alloc : memref<!tpu.dma_semaphore, #tpu.memory_space<semaphore_mem>>
        %dma_start3A = arith.constant 0 : i32
        %dma_start3A_29 = arith.constant 0 : i32
        %dma_start3A_30 = tpu.memref_slice %arg8[%dma_start3A, %dma_start3A_29] : memref<512x128xf32, #tpu.memory_space<vmem_shared>> -> memref<512x128xf32, #tpu.memory_space<vmem_shared>>
        tpu.enqueue_indirect_dma source(%arg10 : memref<128x128xf32, #tpu.memory_space<vmem>>) target(%dma_start3A_30 : memref<512x128xf32, #tpu.memory_space<vmem_shared>>) offsets(%arg11 : memref<128xi32, #tpu.memory_space<vmem>>) semaphore(%run_scoped3A : memref<!tpu.dma_semaphore, #tpu.memory_space<semaphore_mem>>) {add = true}
        %dma_wait3A = arith.constant 0 : i32
        %dma_wait3A_31 = arith.constant 0 : i32
        %dma_wait3A_32 = tpu.memref_slice %arg8[%dma_wait3A, %dma_wait3A_31] : memref<512x128xf32, #tpu.memory_space<vmem_shared>> -> memref<512x128xf32, #tpu.memory_space<vmem_shared>>
        tpu.wait_indirect_dma semaphore(%run_scoped3A : memref<!tpu.dma_semaphore, #tpu.memory_space<semaphore_mem>>) src(%arg10 : memref<128x128xf32, #tpu.memory_space<vmem>>) dst(%dma_wait3A_32 : memref<512x128xf32, #tpu.memory_space<vmem_shared>>)
        tpu.yield
      }) : () -> ()
      "tpu.region"() ({
        %run_scoped3A = tpu.sem_alloc : memref<!tpu.dma_semaphore, #tpu.memory_space<semaphore_mem>>
        %dma_start3A = arith.constant 0 : i32
        %dma_start3A_29 = arith.constant 0 : i32
        %dma_start3A_30 = tpu.memref_slice %arg9[%dma_start3A, %dma_start3A_29] : memref<512x128xf32, #tpu.memory_space<vmem_shared>> -> memref<512x128xf32, #tpu.memory_space<vmem_shared>>
        tpu.enqueue_indirect_dma source(%arg14 : memref<128x128xf32, #tpu.memory_space<vmem>>) target(%dma_start3A_30 : memref<512x128xf32, #tpu.memory_space<vmem_shared>>) offsets(%arg11 : memref<128xi32, #tpu.memory_space<vmem>>) semaphore(%run_scoped3A : memref<!tpu.dma_semaphore, #tpu.memory_space<semaphore_mem>>) {add = true}
        %dma_wait3A = arith.constant 0 : i32
        %dma_wait3A_31 = arith.constant 0 : i32
        %dma_wait3A_32 = tpu.memref_slice %arg9[%dma_wait3A, %dma_wait3A_31] : memref<512x128xf32, #tpu.memory_space<vmem_shared>> -> memref<512x128xf32, #tpu.memory_space<vmem_shared>>
        tpu.wait_indirect_dma semaphore(%run_scoped3A : memref<!tpu.dma_semaphore, #tpu.memory_space<semaphore_mem>>) src(%arg14 : memref<128x128xf32, #tpu.memory_space<vmem>>) dst(%dma_wait3A_32 : memref<512x128xf32, #tpu.memory_space<vmem_shared>>)
        tpu.yield
      }) : () -> ()
    } else {
    }
    %add3A_7 = arith.constant 32 : i32
    %add3A_8 = arith.addi %add3A, %add3A_7 : i32
    %lt3A_9 = arith.constant 78 : i32
    %lt3A_10 = arith.cmpi slt, %add3A_8, %lt3A_9 : i32
    %convert_element_type3A_11 = arith.extui %lt3A_10 : i1 to i32
    %cond3A_12 = arith.constant 0 : i32
    %cond3A_13 = arith.cmpi ne, %convert_element_type3A_11, %cond3A_12 : i32
    scf.if %cond3A_13 {
      %mul3A_26 = arith.constant 128 : i32
      %mul3A_27 = arith.muli %add3A_8, %mul3A_26 : i32
      %multiple_of3A_28 = tpu.assume_multiple %mul3A_27, 8 : i32
      "tpu.region"() ({
        %run_scoped3A = tpu.sem_alloc : memref<!tpu.dma_semaphore, #tpu.memory_space<semaphore_mem>>
        %dma_start3A = arith.constant 0 : i32
        %dma_start3A_29 = tpu.memref_slice %arg2[%multiple_of3A_28, %dma_start3A] : memref<10000x128xf32, #tpu.memory_space<hbm>> -> memref<128x128xf32, #tpu.memory_space<hbm>>
        %dma_start3A_30 = arith.constant 0 : i32
        %dma_start3A_31 = tpu.memref_slice %arg2[%multiple_of3A_28, %dma_start3A_30] : memref<10000x128xf32, #tpu.memory_space<hbm>> -> memref<128x128xf32, #tpu.memory_space<hbm>>
        tpu.enqueue_dma source(%dma_start3A_31 : memref<128x128xf32, #tpu.memory_space<hbm>>) target(%arg10 : memref<128x128xf32, #tpu.memory_space<vmem>>) target_semaphore(%run_scoped3A : memref<!tpu.dma_semaphore, #tpu.memory_space<semaphore_mem>>)
        %dma_wait3A = arith.constant 0 : i32
        %dma_wait3A_32 = tpu.memref_slice %arg2[%multiple_of3A_28, %dma_wait3A] : memref<10000x128xf32, #tpu.memory_space<hbm>> -> memref<128x128xf32, #tpu.memory_space<hbm>>
        %dma_wait3A_33 = arith.constant 0 : i32
        %dma_wait3A_34 = tpu.memref_slice %arg2[%multiple_of3A_28, %dma_wait3A_33] : memref<10000x128xf32, #tpu.memory_space<hbm>> -> memref<128x128xf32, #tpu.memory_space<hbm>>
        tpu.wait_dma2 semaphore(%run_scoped3A : memref<!tpu.dma_semaphore, #tpu.memory_space<semaphore_mem>>) src(%dma_wait3A_34 : memref<128x128xf32, #tpu.memory_space<hbm>>) dst(%arg10 : memref<128x128xf32, #tpu.memory_space<vmem>>)
        tpu.yield
      }) : () -> ()
      "tpu.region"() ({
        %run_scoped3A = tpu.sem_alloc : memref<!tpu.dma_semaphore, #tpu.memory_space<semaphore_mem>>
        %dma_start3A = tpu.memref_slice %arg3[%multiple_of3A_28] : memref<10000xi32, #tpu.memory_space<hbm>> -> memref<128xi32, #tpu.memory_space<hbm>>
        %dma_start3A_29 = tpu.memref_slice %arg3[%multiple_of3A_28] : memref<10000xi32, #tpu.memory_space<hbm>> -> memref<128xi32, #tpu.memory_space<hbm>>
        tpu.enqueue_dma source(%dma_start3A_29 : memref<128xi32, #tpu.memory_space<hbm>>) target(%arg11 : memref<128xi32, #tpu.memory_space<vmem>>) target_semaphore(%run_scoped3A : memref<!tpu.dma_semaphore, #tpu.memory_space<semaphore_mem>>)
        %dma_wait3A = tpu.memref_slice %arg3[%multiple_of3A_28] : memref<10000xi32, #tpu.memory_space<hbm>> -> memref<128xi32, #tpu.memory_space<hbm>>
        %dma_wait3A_30 = tpu.memref_slice %arg3[%multiple_of3A_28] : memref<10000xi32, #tpu.memory_space<hbm>> -> memref<128xi32, #tpu.memory_space<hbm>>
        tpu.wait_dma2 semaphore(%run_scoped3A : memref<!tpu.dma_semaphore, #tpu.memory_space<semaphore_mem>>) src(%dma_wait3A_30 : memref<128xi32, #tpu.memory_space<hbm>>) dst(%arg11 : memref<128xi32, #tpu.memory_space<vmem>>)
        tpu.yield
      }) : () -> ()
      "tpu.region"() ({
        %run_scoped3A = tpu.sem_alloc : memref<!tpu.dma_semaphore, #tpu.memory_space<semaphore_mem>>
        %dma_start3A = arith.constant 0 : i32
        %dma_start3A_29 = arith.constant 0 : i32
        %dma_start3A_30 = tpu.memref_slice %arg8[%dma_start3A, %dma_start3A_29] : memref<512x128xf32, #tpu.memory_space<vmem_shared>> -> memref<512x128xf32, #tpu.memory_space<vmem_shared>>
        tpu.enqueue_indirect_dma source(%arg10 : memref<128x128xf32, #tpu.memory_space<vmem>>) target(%dma_start3A_30 : memref<512x128xf32, #tpu.memory_space<vmem_shared>>) offsets(%arg11 : memref<128xi32, #tpu.memory_space<vmem>>) semaphore(%run_scoped3A : memref<!tpu.dma_semaphore, #tpu.memory_space<semaphore_mem>>) {add = true}
        %dma_wait3A = arith.constant 0 : i32
        %dma_wait3A_31 = arith.constant 0 : i32
        %dma_wait3A_32 = tpu.memref_slice %arg8[%dma_wait3A, %dma_wait3A_31] : memref<512x128xf32, #tpu.memory_space<vmem_shared>> -> memref<512x128xf32, #tpu.memory_space<vmem_shared>>
        tpu.wait_indirect_dma semaphore(%run_scoped3A : memref<!tpu.dma_semaphore, #tpu.memory_space<semaphore_mem>>) src(%arg10 : memref<128x128xf32, #tpu.memory_space<vmem>>) dst(%dma_wait3A_32 : memref<512x128xf32, #tpu.memory_space<vmem_shared>>)
        tpu.yield
      }) : () -> ()
      "tpu.region"() ({
        %run_scoped3A = tpu.sem_alloc : memref<!tpu.dma_semaphore, #tpu.memory_space<semaphore_mem>>
        %dma_start3A = arith.constant 0 : i32
        %dma_start3A_29 = arith.constant 0 : i32
        %dma_start3A_30 = tpu.memref_slice %arg9[%dma_start3A, %dma_start3A_29] : memref<512x128xf32, #tpu.memory_space<vmem_shared>> -> memref<512x128xf32, #tpu.memory_space<vmem_shared>>
        tpu.enqueue_indirect_dma source(%arg14 : memref<128x128xf32, #tpu.memory_space<vmem>>) target(%dma_start3A_30 : memref<512x128xf32, #tpu.memory_space<vmem_shared>>) offsets(%arg11 : memref<128xi32, #tpu.memory_space<vmem>>) semaphore(%run_scoped3A : memref<!tpu.dma_semaphore, #tpu.memory_space<semaphore_mem>>) {add = true}
        %dma_wait3A = arith.constant 0 : i32
        %dma_wait3A_31 = arith.constant 0 : i32
        %dma_wait3A_32 = tpu.memref_slice %arg9[%dma_wait3A, %dma_wait3A_31] : memref<512x128xf32, #tpu.memory_space<vmem_shared>> -> memref<512x128xf32, #tpu.memory_space<vmem_shared>>
        tpu.wait_indirect_dma semaphore(%run_scoped3A : memref<!tpu.dma_semaphore, #tpu.memory_space<semaphore_mem>>) src(%arg14 : memref<128x128xf32, #tpu.memory_space<vmem>>) dst(%dma_wait3A_32 : memref<512x128xf32, #tpu.memory_space<vmem_shared>>)
        tpu.yield
      }) : () -> ()
    } else {
    }
    %add3A_14 = arith.constant 64 : i32
    %add3A_15 = arith.addi %add3A, %add3A_14 : i32
    %lt3A_16 = arith.constant 78 : i32
    %lt3A_17 = arith.cmpi slt, %add3A_15, %lt3A_16 : i32
    %convert_element_type3A_18 = arith.extui %lt3A_17 : i1 to i32
    %cond3A_19 = arith.constant 0 : i32
    %cond3A_20 = arith.cmpi ne, %convert_element_type3A_18, %cond3A_19 : i32
    scf.if %cond3A_20 {
      %mul3A_26 = arith.constant 128 : i32
      %mul3A_27 = arith.muli %add3A_15, %mul3A_26 : i32
      %multiple_of3A_28 = tpu.assume_multiple %mul3A_27, 8 : i32
      "tpu.region"() ({
        %run_scoped3A = tpu.sem_alloc : memref<!tpu.dma_semaphore, #tpu.memory_space<semaphore_mem>>
        %dma_start3A = arith.constant 0 : i32
        %dma_start3A_29 = tpu.memref_slice %arg2[%multiple_of3A_28, %dma_start3A] : memref<10000x128xf32, #tpu.memory_space<hbm>> -> memref<128x128xf32, #tpu.memory_space<hbm>>
        %dma_start3A_30 = arith.constant 0 : i32
        %dma_start3A_31 = tpu.memref_slice %arg2[%multiple_of3A_28, %dma_start3A_30] : memref<10000x128xf32, #tpu.memory_space<hbm>> -> memref<128x128xf32, #tpu.memory_space<hbm>>
        tpu.enqueue_dma source(%dma_start3A_31 : memref<128x128xf32, #tpu.memory_space<hbm>>) target(%arg10 : memref<128x128xf32, #tpu.memory_space<vmem>>) target_semaphore(%run_scoped3A : memref<!tpu.dma_semaphore, #tpu.memory_space<semaphore_mem>>)
        %dma_wait3A = arith.constant 0 : i32
        %dma_wait3A_32 = tpu.memref_slice %arg2[%multiple_of3A_28, %dma_wait3A] : memref<10000x128xf32, #tpu.memory_space<hbm>> -> memref<128x128xf32, #tpu.memory_space<hbm>>
        %dma_wait3A_33 = arith.constant 0 : i32
        %dma_wait3A_34 = tpu.memref_slice %arg2[%multiple_of3A_28, %dma_wait3A_33] : memref<10000x128xf32, #tpu.memory_space<hbm>> -> memref<128x128xf32, #tpu.memory_space<hbm>>
        tpu.wait_dma2 semaphore(%run_scoped3A : memref<!tpu.dma_semaphore, #tpu.memory_space<semaphore_mem>>) src(%dma_wait3A_34 : memref<128x128xf32, #tpu.memory_space<hbm>>) dst(%arg10 : memref<128x128xf32, #tpu.memory_space<vmem>>)
        tpu.yield
      }) : () -> ()
      "tpu.region"() ({
        %run_scoped3A = tpu.sem_alloc : memref<!tpu.dma_semaphore, #tpu.memory_space<semaphore_mem>>
        %dma_start3A = tpu.memref_slice %arg3[%multiple_of3A_28] : memref<10000xi32, #tpu.memory_space<hbm>> -> memref<128xi32, #tpu.memory_space<hbm>>
        %dma_start3A_29 = tpu.memref_slice %arg3[%multiple_of3A_28] : memref<10000xi32, #tpu.memory_space<hbm>> -> memref<128xi32, #tpu.memory_space<hbm>>
        tpu.enqueue_dma source(%dma_start3A_29 : memref<128xi32, #tpu.memory_space<hbm>>) target(%arg11 : memref<128xi32, #tpu.memory_space<vmem>>) target_semaphore(%run_scoped3A : memref<!tpu.dma_semaphore, #tpu.memory_space<semaphore_mem>>)
        %dma_wait3A = tpu.memref_slice %arg3[%multiple_of3A_28] : memref<10000xi32, #tpu.memory_space<hbm>> -> memref<128xi32, #tpu.memory_space<hbm>>
        %dma_wait3A_30 = tpu.memref_slice %arg3[%multiple_of3A_28] : memref<10000xi32, #tpu.memory_space<hbm>> -> memref<128xi32, #tpu.memory_space<hbm>>
        tpu.wait_dma2 semaphore(%run_scoped3A : memref<!tpu.dma_semaphore, #tpu.memory_space<semaphore_mem>>) src(%dma_wait3A_30 : memref<128xi32, #tpu.memory_space<hbm>>) dst(%arg11 : memref<128xi32, #tpu.memory_space<vmem>>)
        tpu.yield
      }) : () -> ()
      "tpu.region"() ({
        %run_scoped3A = tpu.sem_alloc : memref<!tpu.dma_semaphore, #tpu.memory_space<semaphore_mem>>
        %dma_start3A = arith.constant 0 : i32
        %dma_start3A_29 = arith.constant 0 : i32
        %dma_start3A_30 = tpu.memref_slice %arg8[%dma_start3A, %dma_start3A_29] : memref<512x128xf32, #tpu.memory_space<vmem_shared>> -> memref<512x128xf32, #tpu.memory_space<vmem_shared>>
        tpu.enqueue_indirect_dma source(%arg10 : memref<128x128xf32, #tpu.memory_space<vmem>>) target(%dma_start3A_30 : memref<512x128xf32, #tpu.memory_space<vmem_shared>>) offsets(%arg11 : memref<128xi32, #tpu.memory_space<vmem>>) semaphore(%run_scoped3A : memref<!tpu.dma_semaphore, #tpu.memory_space<semaphore_mem>>) {add = true}
        %dma_wait3A = arith.constant 0 : i32
        %dma_wait3A_31 = arith.constant 0 : i32
        %dma_wait3A_32 = tpu.memref_slice %arg8[%dma_wait3A, %dma_wait3A_31] : memref<512x128xf32, #tpu.memory_space<vmem_shared>> -> memref<512x128xf32, #tpu.memory_space<vmem_shared>>
        tpu.wait_indirect_dma semaphore(%run_scoped3A : memref<!tpu.dma_semaphore, #tpu.memory_space<semaphore_mem>>) src(%arg10 : memref<128x128xf32, #tpu.memory_space<vmem>>) dst(%dma_wait3A_32 : memref<512x128xf32, #tpu.memory_space<vmem_shared>>)
        tpu.yield
      }) : () -> ()
      "tpu.region"() ({
        %run_scoped3A = tpu.sem_alloc : memref<!tpu.dma_semaphore, #tpu.memory_space<semaphore_mem>>
        %dma_start3A = arith.constant 0 : i32
        %dma_start3A_29 = arith.constant 0 : i32
        %dma_start3A_30 = tpu.memref_slice %arg9[%dma_start3A, %dma_start3A_29] : memref<512x128xf32, #tpu.memory_space<vmem_shared>> -> memref<512x128xf32, #tpu.memory_space<vmem_shared>>
        tpu.enqueue_indirect_dma source(%arg14 : memref<128x128xf32, #tpu.memory_space<vmem>>) target(%dma_start3A_30 : memref<512x128xf32, #tpu.memory_space<vmem_shared>>) offsets(%arg11 : memref<128xi32, #tpu.memory_space<vmem>>) semaphore(%run_scoped3A : memref<!tpu.dma_semaphore, #tpu.memory_space<semaphore_mem>>) {add = true}
        %dma_wait3A = arith.constant 0 : i32
        %dma_wait3A_31 = arith.constant 0 : i32
        %dma_wait3A_32 = tpu.memref_slice %arg9[%dma_wait3A, %dma_wait3A_31] : memref<512x128xf32, #tpu.memory_space<vmem_shared>> -> memref<512x128xf32, #tpu.memory_space<vmem_shared>>
        tpu.wait_indirect_dma semaphore(%run_scoped3A : memref<!tpu.dma_semaphore, #tpu.memory_space<semaphore_mem>>) src(%arg14 : memref<128x128xf32, #tpu.memory_space<vmem>>) dst(%dma_wait3A_32 : memref<512x128xf32, #tpu.memory_space<vmem_shared>>)
        tpu.yield
      }) : () -> ()
    } else {
    }
    %eq3A = arith.constant 31 : i32
    %eq3A_21 = arith.cmpi eq, %add3A, %eq3A : i32
    %convert_element_type3A_22 = arith.extui %eq3A_21 : i1 to i32
    %cond3A_23 = arith.constant 0 : i32
    %cond3A_24 = arith.cmpi ne, %convert_element_type3A_22, %cond3A_23 : i32
    scf.if %cond3A_24 {
      "tpu.region"() ({
        %run_scoped3A = tpu.sem_alloc : memref<!tpu.dma_semaphore, #tpu.memory_space<semaphore_mem>>
        %dma_start3A = arith.constant 9984 : i32
        %dma_start3A_26 = arith.constant 0 : i32
        %dma_start3A_27 = tpu.memref_slice %arg2[%dma_start3A, %dma_start3A_26] : memref<10000x128xf32, #tpu.memory_space<hbm>> -> memref<16x128xf32, #tpu.memory_space<hbm>>
        %dma_start3A_28 = arith.constant 9984 : i32
        %dma_start3A_29 = arith.constant 0 : i32
        %dma_start3A_30 = tpu.memref_slice %arg2[%dma_start3A_28, %dma_start3A_29] : memref<10000x128xf32, #tpu.memory_space<hbm>> -> memref<16x128xf32, #tpu.memory_space<hbm>>
        tpu.enqueue_dma source(%dma_start3A_30 : memref<16x128xf32, #tpu.memory_space<hbm>>) target(%arg12 : memref<16x128xf32, #tpu.memory_space<vmem>>) target_semaphore(%run_scoped3A : memref<!tpu.dma_semaphore, #tpu.memory_space<semaphore_mem>>)
        %dma_wait3A = arith.constant 9984 : i32
        %dma_wait3A_31 = arith.constant 0 : i32
        %dma_wait3A_32 = tpu.memref_slice %arg2[%dma_wait3A, %dma_wait3A_31] : memref<10000x128xf32, #tpu.memory_space<hbm>> -> memref<16x128xf32, #tpu.memory_space<hbm>>
        %dma_wait3A_33 = arith.constant 9984 : i32
        %dma_wait3A_34 = arith.constant 0 : i32
        %dma_wait3A_35 = tpu.memref_slice %arg2[%dma_wait3A_33, %dma_wait3A_34] : memref<10000x128xf32, #tpu.memory_space<hbm>> -> memref<16x128xf32, #tpu.memory_space<hbm>>
        tpu.wait_dma2 semaphore(%run_scoped3A : memref<!tpu.dma_semaphore, #tpu.memory_space<semaphore_mem>>) src(%dma_wait3A_35 : memref<16x128xf32, #tpu.memory_space<hbm>>) dst(%arg12 : memref<16x128xf32, #tpu.memory_space<vmem>>)
        tpu.yield
      }) : () -> ()
      "tpu.region"() ({
        %run_scoped3A = tpu.sem_alloc : memref<!tpu.dma_semaphore, #tpu.memory_space<semaphore_mem>>
        %dma_start3A = arith.constant 9984 : i32
        %dma_start3A_26 = tpu.memref_slice %arg3[%dma_start3A] : memref<10000xi32, #tpu.memory_space<hbm>> -> memref<16xi32, #tpu.memory_space<hbm>>
        %dma_start3A_27 = arith.constant 9984 : i32
        %dma_start3A_28 = tpu.memref_slice %arg3[%dma_start3A_27] : memref<10000xi32, #tpu.memory_space<hbm>> -> memref<16xi32, #tpu.memory_space<hbm>>
        tpu.enqueue_dma source(%dma_start3A_28 : memref<16xi32, #tpu.memory_space<hbm>>) target(%arg13 : memref<16xi32, #tpu.memory_space<vmem>>) target_semaphore(%run_scoped3A : memref<!tpu.dma_semaphore, #tpu.memory_space<semaphore_mem>>)
        %dma_wait3A = arith.constant 9984 : i32
        %dma_wait3A_29 = tpu.memref_slice %arg3[%dma_wait3A] : memref<10000xi32, #tpu.memory_space<hbm>> -> memref<16xi32, #tpu.memory_space<hbm>>
        %dma_wait3A_30 = arith.constant 9984 : i32
        %dma_wait3A_31 = tpu.memref_slice %arg3[%dma_wait3A_30] : memref<10000xi32, #tpu.memory_space<hbm>> -> memref<16xi32, #tpu.memory_space<hbm>>
        tpu.wait_dma2 semaphore(%run_scoped3A : memref<!tpu.dma_semaphore, #tpu.memory_space<semaphore_mem>>) src(%dma_wait3A_31 : memref<16xi32, #tpu.memory_space<hbm>>) dst(%arg13 : memref<16xi32, #tpu.memory_space<vmem>>)
        tpu.yield
      }) : () -> ()
      "tpu.region"() ({
        %run_scoped3A = tpu.sem_alloc : memref<!tpu.dma_semaphore, #tpu.memory_space<semaphore_mem>>
        %dma_start3A = arith.constant 0 : i32
        %dma_start3A_26 = arith.constant 0 : i32
        %dma_start3A_27 = tpu.memref_slice %arg8[%dma_start3A, %dma_start3A_26] : memref<512x128xf32, #tpu.memory_space<vmem_shared>> -> memref<512x128xf32, #tpu.memory_space<vmem_shared>>
        tpu.enqueue_indirect_dma source(%arg12 : memref<16x128xf32, #tpu.memory_space<vmem>>) target(%dma_start3A_27 : memref<512x128xf32, #tpu.memory_space<vmem_shared>>) offsets(%arg13 : memref<16xi32, #tpu.memory_space<vmem>>) semaphore(%run_scoped3A : memref<!tpu.dma_semaphore, #tpu.memory_space<semaphore_mem>>) {add = true}
        %dma_wait3A = arith.constant 0 : i32
        %dma_wait3A_28 = arith.constant 0 : i32
        %dma_wait3A_29 = tpu.memref_slice %arg8[%dma_wait3A, %dma_wait3A_28] : memref<512x128xf32, #tpu.memory_space<vmem_shared>> -> memref<512x128xf32, #tpu.memory_space<vmem_shared>>
        tpu.wait_indirect_dma semaphore(%run_scoped3A : memref<!tpu.dma_semaphore, #tpu.memory_space<semaphore_mem>>) src(%arg12 : memref<16x128xf32, #tpu.memory_space<vmem>>) dst(%dma_wait3A_29 : memref<512x128xf32, #tpu.memory_space<vmem_shared>>)
        tpu.yield
      }) : () -> ()
      "tpu.region"() ({
        %run_scoped3A = tpu.sem_alloc : memref<!tpu.dma_semaphore, #tpu.memory_space<semaphore_mem>>
        %dma_start3A = arith.constant 0 : i32
        %dma_start3A_26 = arith.constant 0 : i32
        %dma_start3A_27 = tpu.memref_slice %arg14[%dma_start3A, %dma_start3A_26] : memref<128x128xf32, #tpu.memory_space<vmem>> -> memref<16x128xf32, #tpu.memory_space<vmem>>
        %dma_start3A_28 = arith.constant 0 : i32
        %dma_start3A_29 = arith.constant 0 : i32
        %dma_start3A_30 = tpu.memref_slice %arg9[%dma_start3A_28, %dma_start3A_29] : memref<512x128xf32, #tpu.memory_space<vmem_shared>> -> memref<512x128xf32, #tpu.memory_space<vmem_shared>>
        tpu.enqueue_indirect_dma source(%dma_start3A_27 : memref<16x128xf32, #tpu.memory_space<vmem>>) target(%dma_start3A_30 : memref<512x128xf32, #tpu.memory_space<vmem_shared>>) offsets(%arg13 : memref<16xi32, #tpu.memory_space<vmem>>) semaphore(%run_scoped3A : memref<!tpu.dma_semaphore, #tpu.memory_space<semaphore_mem>>) {add = true}
        %dma_wait3A = arith.constant 0 : i32
        %dma_wait3A_31 = arith.constant 0 : i32
        %dma_wait3A_32 = tpu.memref_slice %arg14[%dma_wait3A, %dma_wait3A_31] : memref<128x128xf32, #tpu.memory_space<vmem>> -> memref<16x128xf32, #tpu.memory_space<vmem>>
        %dma_wait3A_33 = arith.constant 0 : i32
        %dma_wait3A_34 = arith.constant 0 : i32
        %dma_wait3A_35 = tpu.memref_slice %arg9[%dma_wait3A_33, %dma_wait3A_34] : memref<512x128xf32, #tpu.memory_space<vmem_shared>> -> memref<512x128xf32, #tpu.memory_space<vmem_shared>>
        tpu.wait_indirect_dma semaphore(%run_scoped3A : memref<!tpu.dma_semaphore, #tpu.memory_space<semaphore_mem>>) src(%dma_wait3A_32 : memref<16x128xf32, #tpu.memory_space<vmem>>) dst(%dma_wait3A_35 : memref<512x128xf32, #tpu.memory_space<vmem_shared>>)
        tpu.yield
      }) : () -> ()
    } else {
    }
    %barrier3A_25 = arith.constant 0 : index
    tpu.barrier barrier_id(%barrier3A_25)
    "tpu.region"() ({
      %run_scoped3A = tpu.sem_alloc : memref<!tpu.dma_semaphore, #tpu.memory_space<semaphore_mem>>
      %dma_start3A = arith.constant 0 : i32
      %dma_start3A_26 = tpu.memref_slice %arg6[%arg0, %multiple_of3A, %dma_start3A] : memref<2x512x128xf32, #tpu.memory_space<hbm>> -> memref<1x32x128xf32, #tpu.memory_space<hbm>>
      %dma_start3A_27 = tpu.memref_squeeze %dma_start3A_26 : memref<1x32x128xf32, #tpu.memory_space<hbm>> -> memref<32x128xf32, #tpu.memory_space<hbm>>
      %dma_start3A_28 = arith.constant 0 : i32
      %dma_start3A_29 = tpu.memref_slice %arg8[%multiple_of3A, %dma_start3A_28] : memref<512x128xf32, #tpu.memory_space<vmem_shared>> -> memref<32x128xf32, #tpu.memory_space<vmem_shared>>
      tpu.enqueue_dma source(%dma_start3A_29 : memref<32x128xf32, #tpu.memory_space<vmem_shared>>) target(%dma_start3A_27 : memref<32x128xf32, #tpu.memory_space<hbm>>) target_semaphore(%run_scoped3A : memref<!tpu.dma_semaphore, #tpu.memory_space<semaphore_mem>>)
      %dma_wait3A = arith.constant 0 : i32
      %dma_wait3A_30 = tpu.memref_slice %arg6[%arg0, %multiple_of3A, %dma_wait3A] : memref<2x512x128xf32, #tpu.memory_space<hbm>> -> memref<1x32x128xf32, #tpu.memory_space<hbm>>
      %dma_wait3A_31 = tpu.memref_squeeze %dma_wait3A_30 : memref<1x32x128xf32, #tpu.memory_space<hbm>> -> memref<32x128xf32, #tpu.memory_space<hbm>>
      %dma_wait3A_32 = arith.constant 0 : i32
      %dma_wait3A_33 = tpu.memref_slice %arg8[%multiple_of3A, %dma_wait3A_32] : memref<512x128xf32, #tpu.memory_space<vmem_shared>> -> memref<32x128xf32, #tpu.memory_space<vmem_shared>>
      tpu.wait_dma2 semaphore(%run_scoped3A : memref<!tpu.dma_semaphore, #tpu.memory_space<semaphore_mem>>) src(%dma_wait3A_33 : memref<32x128xf32, #tpu.memory_space<vmem_shared>>) dst(%dma_wait3A_31 : memref<32x128xf32, #tpu.memory_space<hbm>>)
      tpu.yield
    }) : () -> ()
    "tpu.region"() ({
      %run_scoped3A = tpu.sem_alloc : memref<!tpu.dma_semaphore, #tpu.memory_space<semaphore_mem>>
      %dma_start3A = arith.constant 0 : i32
      %dma_start3A_26 = tpu.memref_slice %arg7[%arg0, %multiple_of3A, %dma_start3A] : memref<2x512x128xf32, #tpu.memory_space<hbm>> -> memref<1x32x128xf32, #tpu.memory_space<hbm>>
      %dma_start3A_27 = tpu.memref_squeeze %dma_start3A_26 : memref<1x32x128xf32, #tpu.memory_space<hbm>> -> memref<32x128xf32, #tpu.memory_space<hbm>>
      %dma_start3A_28 = arith.constant 0 : i32
      %dma_start3A_29 = tpu.memref_slice %arg9[%multiple_of3A, %dma_start3A_28] : memref<512x128xf32, #tpu.memory_space<vmem_shared>> -> memref<32x128xf32, #tpu.memory_space<vmem_shared>>
      tpu.enqueue_dma source(%dma_start3A_29 : memref<32x128xf32, #tpu.memory_space<vmem_shared>>) target(%dma_start3A_27 : memref<32x128xf32, #tpu.memory_space<hbm>>) target_semaphore(%run_scoped3A : memref<!tpu.dma_semaphore, #tpu.memory_space<semaphore_mem>>)
      %dma_wait3A = arith.constant 0 : i32
      %dma_wait3A_30 = tpu.memref_slice %arg7[%arg0, %multiple_of3A, %dma_wait3A] : memref<2x512x128xf32, #tpu.memory_space<hbm>> -> memref<1x32x128xf32, #tpu.memory_space<hbm>>
      %dma_wait3A_31 = tpu.memref_squeeze %dma_wait3A_30 : memref<1x32x128xf32, #tpu.memory_space<hbm>> -> memref<32x128xf32, #tpu.memory_space<hbm>>
      %dma_wait3A_32 = arith.constant 0 : i32
      %dma_wait3A_33 = tpu.memref_slice %arg9[%multiple_of3A, %dma_wait3A_32] : memref<512x128xf32, #tpu.memory_space<vmem_shared>> -> memref<32x128xf32, #tpu.memory_space<vmem_shared>>
      tpu.wait_dma2 semaphore(%run_scoped3A : memref<!tpu.dma_semaphore, #tpu.memory_space<semaphore_mem>>) src(%dma_wait3A_33 : memref<32x128xf32, #tpu.memory_space<vmem_shared>>) dst(%dma_wait3A_31 : memref<32x128xf32, #tpu.memory_space<hbm>>)
      tpu.yield
    }) : () -> ()
    return
  }
}

module attributes {stable_mosaic.version = 14 : i64} {
  func.func @_dense_body(%arg0: memref<10000x128xf32, #tpu.memory_space<vmem>>, %arg1: memref<2x10000x128xf32, #tpu.memory_space<vmem>>, %arg2: memref<2x10000x128xf32, #tpu.memory_space<vmem>>, %arg3: memref<128x128xf32, #tpu.memory_space<vmem>>, %arg4: memref<128x128xf32, #tpu.memory_space<vmem>>, %arg5: memref<128x128xf32, #tpu.memory_space<vmem>>, %arg6: memref<1x128xf32, #tpu.memory_space<vmem>>, %arg7: memref<1x128xf32, #tpu.memory_space<vmem>>, %arg8: memref<1x128xf32, #tpu.memory_space<vmem>>, %arg9: memref<10000x128xf32, #tpu.memory_space<vmem>>) attributes {dimension_semantics = [], scalar_prefetch = 0 : i64, scratch_operands = 0 : i64, tpu.core_type = #tpu.core_type<tc>} {
    %get3A = arith.constant 0 : index
    %get3A_0 = arith.constant 0 : index
    %get3A_1 = vector.load %arg0[%get3A, %get3A_0] : memref<10000x128xf32, #tpu.memory_space<vmem>>, vector<10000x128xf32>
    %get3A_2 = arith.constant 0 : index
    %get3A_3 = arith.constant 0 : index
    %get3A_4 = arith.constant 0 : index
    %get3A_5 = vector.load %arg1[%get3A_2, %get3A_3, %get3A_4] : memref<2x10000x128xf32, #tpu.memory_space<vmem>>, vector<1x10000x128xf32>
    %get3A_6 = vector.shape_cast %get3A_5 : vector<1x10000x128xf32> to vector<10000x128xf32>
    %get3A_7 = arith.constant 1 : index
    %get3A_8 = arith.constant 0 : index
    %get3A_9 = arith.constant 0 : index
    %get3A_10 = vector.load %arg1[%get3A_7, %get3A_8, %get3A_9] : memref<2x10000x128xf32, #tpu.memory_space<vmem>>, vector<1x10000x128xf32>
    %get3A_11 = vector.shape_cast %get3A_10 : vector<1x10000x128xf32> to vector<10000x128xf32>
    %add3A = arith.addf %get3A_6, %get3A_11 : vector<10000x128xf32>
    %get3A_12 = arith.constant 0 : index
    %get3A_13 = arith.constant 0 : index
    %get3A_14 = arith.constant 0 : index
    %get3A_15 = vector.load %arg2[%get3A_12, %get3A_13, %get3A_14] : memref<2x10000x128xf32, #tpu.memory_space<vmem>>, vector<1x10000x128xf32>
    %get3A_16 = vector.shape_cast %get3A_15 : vector<1x10000x128xf32> to vector<10000x128xf32>
    %get3A_17 = arith.constant 1 : index
    %get3A_18 = arith.constant 0 : index
    %get3A_19 = arith.constant 0 : index
    %get3A_20 = vector.load %arg2[%get3A_17, %get3A_18, %get3A_19] : memref<2x10000x128xf32, #tpu.memory_space<vmem>>, vector<1x10000x128xf32>
    %get3A_21 = vector.shape_cast %get3A_20 : vector<1x10000x128xf32> to vector<10000x128xf32>
    %add3A_22 = arith.addf %get3A_16, %get3A_21 : vector<10000x128xf32>
    %get3A_23 = arith.constant 0 : index
    %get3A_24 = arith.constant 0 : index
    %get3A_25 = vector.load %arg5[%get3A_23, %get3A_24] : memref<128x128xf32, #tpu.memory_space<vmem>>, vector<128x128xf32>
    %dot_general3A = arith.constant dense<0.000000e+00> : vector<10000x128xf32>
    %dot_general3A_26 = tpu.matmul %add3A_22, %get3A_25, %dot_general3A {dimension_numbers = #tpu.dot_dimension_numbers<[1], [0], [0], [1], [0, 0, 1, 1], [], []>, transpose_lhs_hint = false} : vector<10000x128xf32>, vector<128x128xf32>, vector<10000x128xf32> -> vector<10000x128xf32>
    %add3A_27 = arith.addf %add3A, %dot_general3A_26 : vector<10000x128xf32>
    %get3A_28 = arith.constant 0 : index
    %get3A_29 = arith.constant 0 : index
    %get3A_30 = vector.load %arg3[%get3A_28, %get3A_29] : memref<128x128xf32, #tpu.memory_space<vmem>>, vector<128x128xf32>
    %dot_general3A_31 = arith.constant dense<0.000000e+00> : vector<10000x128xf32>
    %dot_general3A_32 = tpu.matmul %get3A_1, %get3A_30, %dot_general3A_31 {dimension_numbers = #tpu.dot_dimension_numbers<[1], [0], [0], [1], [0, 0, 1, 1], [], []>, transpose_lhs_hint = false} : vector<10000x128xf32>, vector<128x128xf32>, vector<10000x128xf32> -> vector<10000x128xf32>
    %get3A_33 = arith.constant 0 : index
    %get3A_34 = arith.constant 0 : index
    %get3A_35 = vector.load %arg4[%get3A_33, %get3A_34] : memref<128x128xf32, #tpu.memory_space<vmem>>, vector<128x128xf32>
    %dot_general3A_36 = arith.constant dense<0.000000e+00> : vector<10000x128xf32>
    %dot_general3A_37 = tpu.matmul %add3A_27, %get3A_35, %dot_general3A_36 {dimension_numbers = #tpu.dot_dimension_numbers<[1], [0], [0], [1], [0, 0, 1, 1], [], []>, transpose_lhs_hint = false} : vector<10000x128xf32>, vector<128x128xf32>, vector<10000x128xf32> -> vector<10000x128xf32>
    %add3A_38 = arith.addf %dot_general3A_32, %dot_general3A_37 : vector<10000x128xf32>
    %get3A_39 = arith.constant 0 : index
    %get3A_40 = arith.constant 0 : index
    %get3A_41 = vector.load %arg6[%get3A_39, %get3A_40] : memref<1x128xf32, #tpu.memory_space<vmem>>, vector<1x128xf32>
    %add3A_42 = vector.broadcast %get3A_41 : vector<1x128xf32> to vector<10000x128xf32>
    %add3A_43 = arith.addf %add3A_38, %add3A_42 : vector<10000x128xf32>
    %reduce_sum3A = arith.constant dense<0.000000e+00> : vector<128xf32>
    %reduce_sum3A_44 = vector.multi_reduction <add>, %add3A_43, %reduce_sum3A [0] : vector<10000x128xf32> to vector<128xf32>
    %broadcast_in_dim3A = vector.shape_cast %reduce_sum3A_44 : vector<128xf32> to vector<1x128xf32>
    %div3A = arith.constant 1.000000e+04 : f32
    %div3A_45 = vector.broadcast %div3A : f32 to vector<1x128xf32>
    %div3A_46 = arith.divf %broadcast_in_dim3A, %div3A_45 : vector<1x128xf32>
    %sub3A = vector.broadcast %div3A_46 : vector<1x128xf32> to vector<10000x128xf32>
    %sub3A_47 = arith.subf %add3A_43, %sub3A : vector<10000x128xf32>
    %mul3A = arith.mulf %sub3A_47, %sub3A_47 : vector<10000x128xf32>
    %reduce_sum3A_48 = arith.constant dense<0.000000e+00> : vector<128xf32>
    %reduce_sum3A_49 = vector.multi_reduction <add>, %mul3A, %reduce_sum3A_48 [0] : vector<10000x128xf32> to vector<128xf32>
    %broadcast_in_dim3A_50 = vector.shape_cast %reduce_sum3A_49 : vector<128xf32> to vector<1x128xf32>
    %div3A_51 = arith.constant 1.000000e+04 : f32
    %div3A_52 = vector.broadcast %div3A_51 : f32 to vector<1x128xf32>
    %div3A_53 = arith.divf %broadcast_in_dim3A_50, %div3A_52 : vector<1x128xf32>
    %add3A_54 = arith.constant 9.99999974E-6 : f32
    %add3A_55 = vector.broadcast %add3A_54 : f32 to vector<1x128xf32>
    %add3A_56 = arith.addf %div3A_53, %add3A_55 : vector<1x128xf32>
    %rsqrt3A = math.rsqrt %add3A_56 : vector<1x128xf32>
    %mul3A_57 = vector.broadcast %rsqrt3A : vector<1x128xf32> to vector<10000x128xf32>
    %mul3A_58 = arith.mulf %sub3A_47, %mul3A_57 : vector<10000x128xf32>
    %get3A_59 = arith.constant 0 : index
    %get3A_60 = arith.constant 0 : index
    %get3A_61 = vector.load %arg7[%get3A_59, %get3A_60] : memref<1x128xf32, #tpu.memory_space<vmem>>, vector<1x128xf32>
    %mul3A_62 = vector.broadcast %get3A_61 : vector<1x128xf32> to vector<10000x128xf32>
    %mul3A_63 = arith.mulf %mul3A_58, %mul3A_62 : vector<10000x128xf32>
    %get3A_64 = arith.constant 0 : index
    %get3A_65 = arith.constant 0 : index
    %get3A_66 = vector.load %arg8[%get3A_64, %get3A_65] : memref<1x128xf32, #tpu.memory_space<vmem>>, vector<1x128xf32>
    %add3A_67 = vector.broadcast %get3A_66 : vector<1x128xf32> to vector<10000x128xf32>
    %add3A_68 = arith.addf %mul3A_63, %add3A_67 : vector<10000x128xf32>
    %max3A = arith.constant 0.000000e+00 : f32
    %max3A_69 = vector.broadcast %max3A : f32 to vector<10000x128xf32>
    %max3A_70 = arith.maximumf %add3A_68, %max3A_69 : vector<10000x128xf32>
    %swap3A = arith.constant 0 : index
    %swap3A_71 = arith.constant 0 : index
    %swap3A_72 = vector.load %arg9[%swap3A, %swap3A_71] : memref<10000x128xf32, #tpu.memory_space<vmem>>, vector<10000x128xf32>
    tpu.vector_store %arg9[%swap3A, %swap3A_71], %max3A_70 {strides = array<i32>} : memref<10000x128xf32, #tpu.memory_space<vmem>>, vector<10000x128xf32>,
    return
  }
}

module attributes {stable_mosaic.version = 14 : i64} {
  func.func @_head_body(%arg0: memref<2x512x128xf32, #tpu.memory_space<vmem>>, %arg1: memref<2x512x128xf32, #tpu.memory_space<vmem>>, %arg2: memref<128x256xf32, #tpu.memory_space<vmem>>, %arg3: memref<1x256xf32, #tpu.memory_space<vmem>>, %arg4: memref<256x10xf32, #tpu.memory_space<vmem>>, %arg5: memref<1x10xf32, #tpu.memory_space<vmem>>, %arg6: memref<64x10xf32, #tpu.memory_space<vmem>>) attributes {dimension_semantics = [], scalar_prefetch = 0 : i64, scratch_operands = 0 : i64, tpu.core_type = #tpu.core_type<tc>} {
    %get3A = arith.constant 0 : index
    %get3A_0 = arith.constant 0 : index
    %get3A_1 = arith.constant 0 : index
    %get3A_2 = vector.load %arg0[%get3A, %get3A_0, %get3A_1] : memref<2x512x128xf32, #tpu.memory_space<vmem>>, vector<1x512x128xf32>
    %get3A_3 = vector.shape_cast %get3A_2 : vector<1x512x128xf32> to vector<512x128xf32>
    %get3A_4 = arith.constant 1 : index
    %get3A_5 = arith.constant 0 : index
    %get3A_6 = arith.constant 0 : index
    %get3A_7 = vector.load %arg0[%get3A_4, %get3A_5, %get3A_6] : memref<2x512x128xf32, #tpu.memory_space<vmem>>, vector<1x512x128xf32>
    %get3A_8 = vector.shape_cast %get3A_7 : vector<1x512x128xf32> to vector<512x128xf32>
    %add3A = arith.addf %get3A_3, %get3A_8 : vector<512x128xf32>
    %get3A_9 = arith.constant 0 : index
    %get3A_10 = arith.constant 0 : index
    %get3A_11 = arith.constant 0 : index
    %get3A_12 = vector.load %arg1[%get3A_9, %get3A_10, %get3A_11] : memref<2x512x128xf32, #tpu.memory_space<vmem>>, vector<1x512x128xf32>
    %get3A_13 = vector.shape_cast %get3A_12 : vector<1x512x128xf32> to vector<512x128xf32>
    %get3A_14 = arith.constant 1 : index
    %get3A_15 = arith.constant 0 : index
    %get3A_16 = arith.constant 0 : index
    %get3A_17 = vector.load %arg1[%get3A_14, %get3A_15, %get3A_16] : memref<2x512x128xf32, #tpu.memory_space<vmem>>, vector<1x512x128xf32>
    %get3A_18 = vector.shape_cast %get3A_17 : vector<1x512x128xf32> to vector<512x128xf32>
    %add3A_19 = arith.addf %get3A_13, %get3A_18 : vector<512x128xf32>
    %slice3A = vector.extract_strided_slice %add3A_19 {offsets = [0, 0], sizes = [512, 1], strides = [1, 1]} : vector<512x128xf32> to vector<512x1xf32>
    %max3A = arith.constant 1.000000e+00 : f32
    %max3A_20 = vector.broadcast %max3A : f32 to vector<512x1xf32>
    %max3A_21 = arith.maximumf %slice3A, %max3A_20 : vector<512x1xf32>
    %div3A = vector.broadcast %max3A_21 : vector<512x1xf32> to vector<512x128xf32>
    %div3A_22 = arith.divf %add3A, %div3A : vector<512x128xf32>
    %iota3A = tpu.iota {dimensions = array<i32: 0>} : vector<64x512xi32>
    %iota3A_23 = tpu.iota {dimensions = array<i32: 1>} : vector<64x512xi32>
    %jit3A = arith.constant 8 : i32
    %div3A_24 = vector.broadcast %jit3A : i32 to vector<64x512xi32>
    %div3A_25 = arith.divsi %iota3A_23, %div3A_24 : vector<64x512xi32>
    %sign3A = arith.constant 0 : i32
    %sign3A_26 = vector.broadcast %sign3A : i32 to vector<64x512xi32>
    %sign3A_27 = arith.cmpi sgt, %iota3A_23, %sign3A_26 : vector<64x512xi32>
    %sign3A_28 = arith.extui %sign3A_27 : vector<64x512xi1> to vector<64x512xi32>
    %sign3A_29 = arith.constant 0 : i32
    %sign3A_30 = vector.broadcast %sign3A_29 : i32 to vector<64x512xi32>
    %sign3A_31 = arith.cmpi slt, %iota3A_23, %sign3A_30 : vector<64x512xi32>
    %sign3A_32 = arith.extui %sign3A_31 : vector<64x512xi1> to vector<64x512xi32>
    %sign3A_33 = arith.subi %sign3A_28, %sign3A_32 : vector<64x512xi32>
    %sign3A_34 = arith.constant 0 : i32
    %sign3A_35 = arith.cmpi sgt, %jit3A, %sign3A_34 : i32
    %sign3A_36 = arith.extui %sign3A_35 : i1 to i32
    %sign3A_37 = arith.constant 0 : i32
    %sign3A_38 = arith.cmpi slt, %jit3A, %sign3A_37 : i32
    %sign3A_39 = arith.extui %sign3A_38 : i1 to i32
    %sign3A_40 = arith.subi %sign3A_36, %sign3A_39 : i32
    %ne3A = vector.broadcast %sign3A_40 : i32 to vector<64x512xi32>
    %ne3A_41 = arith.cmpi ne, %sign3A_33, %ne3A : vector<64x512xi32>
    %rem3A = vector.broadcast %jit3A : i32 to vector<64x512xi32>
    %rem3A_42 = arith.remsi %iota3A_23, %rem3A : vector<64x512xi32>
    %ne3A_43 = arith.constant 0 : i32
    %ne3A_44 = vector.broadcast %ne3A_43 : i32 to vector<64x512xi32>
    %ne3A_45 = arith.cmpi ne, %rem3A_42, %ne3A_44 : vector<64x512xi32>
    %and3A = arith.andi %ne3A_41, %ne3A_45 : vector<64x512xi1>
    %sub3A = arith.constant 1 : i32
    %sub3A_46 = vector.broadcast %sub3A : i32 to vector<64x512xi32>
    %sub3A_47 = arith.subi %div3A_25, %sub3A_46 : vector<64x512xi32>
    %select_n3A = arith.select %and3A, %sub3A_47, %div3A_25 : vector<64x512xi1>, vector<64x512xi32>
    %eq3A = arith.cmpi eq, %select_n3A, %iota3A : vector<64x512xi32>
    %jit3A_48 = arith.constant 1.250000e-01 : f32
    %jit3A_49 = arith.constant 0.000000e+00 : f32
    %broadcast_in_dim3A = vector.broadcast %jit3A_48 : f32 to vector<64x512xf32>
    %broadcast_in_dim3A_50 = vector.broadcast %jit3A_49 : f32 to vector<64x512xf32>
    %select_n3A_51 = arith.select %eq3A, %broadcast_in_dim3A, %broadcast_in_dim3A_50 : vector<64x512xi1>, vector<64x512xf32>
    %dot_general3A = arith.constant dense<0.000000e+00> : vector<64x128xf32>
    %dot_general3A_52 = tpu.matmul %select_n3A_51, %div3A_22, %dot_general3A {dimension_numbers = #tpu.dot_dimension_numbers<[1], [0], [0], [1], [0, 0, 1, 1], [], []>, transpose_lhs_hint = false} : vector<64x512xf32>, vector<512x128xf32>, vector<64x128xf32> -> vector<64x128xf32>
    %get3A_53 = arith.constant 0 : index
    %get3A_54 = arith.constant 0 : index
    %get3A_55 = vector.load %arg2[%get3A_53, %get3A_54] : memref<128x256xf32, #tpu.memory_space<vmem>>, vector<128x256xf32>
    %dot_general3A_56 = arith.constant dense<0.000000e+00> : vector<64x256xf32>
    %dot_general3A_57 = tpu.matmul %dot_general3A_52, %get3A_55, %dot_general3A_56 {dimension_numbers = #tpu.dot_dimension_numbers<[1], [0], [0], [1], [0, 0, 1, 1], [], []>, transpose_lhs_hint = false} : vector<64x128xf32>, vector<128x256xf32>, vector<64x256xf32> -> vector<64x256xf32>
    %get3A_58 = arith.constant 0 : index
    %get3A_59 = arith.constant 0 : index
    %get3A_60 = vector.load %arg3[%get3A_58, %get3A_59] : memref<1x256xf32, #tpu.memory_space<vmem>>, vector<1x256xf32>
    %add3A_61 = vector.broadcast %get3A_60 : vector<1x256xf32> to vector<64x256xf32>
    %add3A_62 = arith.addf %dot_general3A_57, %add3A_61 : vector<64x256xf32>
    %max3A_63 = arith.constant 0.000000e+00 : f32
    %max3A_64 = vector.broadcast %max3A_63 : f32 to vector<64x256xf32>
    %max3A_65 = arith.maximumf %add3A_62, %max3A_64 : vector<64x256xf32>
    %get3A_66 = arith.constant 0 : index
    %get3A_67 = arith.constant 0 : index
    %get3A_68 = vector.load %arg4[%get3A_66, %get3A_67] : memref<256x10xf32, #tpu.memory_space<vmem>>, vector<256x10xf32>
    %dot_general3A_69 = arith.constant dense<0.000000e+00> : vector<64x10xf32>
    %dot_general3A_70 = tpu.matmul %max3A_65, %get3A_68, %dot_general3A_69 {dimension_numbers = #tpu.dot_dimension_numbers<[1], [0], [0], [1], [0, 0, 1, 1], [], []>, transpose_lhs_hint = false} : vector<64x256xf32>, vector<256x10xf32>, vector<64x10xf32> -> vector<64x10xf32>
    %get3A_71 = arith.constant 0 : index
    %get3A_72 = arith.constant 0 : index
    %get3A_73 = vector.load %arg5[%get3A_71, %get3A_72] : memref<1x10xf32, #tpu.memory_space<vmem>>, vector<1x10xf32>
    %add3A_74 = vector.broadcast %get3A_73 : vector<1x10xf32> to vector<64x10xf32>
    %add3A_75 = arith.addf %dot_general3A_70, %add3A_74 : vector<64x10xf32>
    %swap3A = arith.constant 0 : index
    %swap3A_76 = arith.constant 0 : index
    %swap3A_77 = vector.load %arg6[%swap3A, %swap3A_76] : memref<64x10xf32, #tpu.memory_space<vmem>>, vector<64x10xf32>
    tpu.vector_store %arg6[%swap3A, %swap3A_76], %add3A_75 {strides = array<i32>} : memref<64x10xf32, #tpu.memory_space<vmem>>, vector<64x10xf32>,
    return
  }
}

</mosaic_0001>

<sc_bundles>
// kernel: kernel.12.cloned.1.call-start
scs
__scs_entry_jumppad:
0x0: {  	(pc) =	sbr.rel $0x88, $3  }
0x1: {  	(tag) =	ssettag $0x0;
	lr =	simm.s32 $0x1  }
0x2: {  	[smem:$0x3F8B] =	sst lr;
	_ =	strace $0xD0000000  }
0x3: {  	_ = 	snop  }
0x4: {  	_ = 	snop  }
0x5: {  	_ = 	snop  }
0x6: {  	_ = 	snop  }
0x7: {  	_ = 	snop  }
__scs_overlays_trampoline_lowered:
0x8: {  	[smem:$0x3F9A] =	sst s0  }
0x9: {  	[smem:$0x3F9B] =	sst s1  }
0xa: {  	[smem:$0x3F9C] =	sst s2  }
0xb: {  	[smem:$0x3F9D] =	sst s3  }
0xc: {  	[smem:$0x3F9E] =	sst s4  }
0xd: {  	[smem:$0x3F9F] =	sst s5  }
0xe: {  	[smem:$0x3FA0] =	sst s6  }
0xf: {  	[smem:$0x3FA1] =	sst s7  }
0x10: {  	[smem:$0x3FA2] =	sst s8  }
0x11: {  	[smem:$0x3FA3] =	sst s9;
	s0 =	simm.s32 @!p0 $0x0  }
0x12: {  	s1 =	sld [smem:$0x3F89];
	s0 =	simm.s32 @p0 $0x1  }
0x13: {  	[smem:$0x3FA4] =	sst s0;
	s0 =	simm.s32 @!p1 $0x0  }
0x14: {  	s2 =	sld [smem:$0x3F88];
	s0 =	simm.s32 @p1 $0x1  }
0x15: {  	[smem:$0x3FA5] =	sst s0;
	s0 =	simm.s32 @!p2 $0x0  }
0x16: {  	s3 =	sld [smem:$0x3FDB];
	s0 =	simm.s32 @p2 $0x1  }
0x17: {  	s4 =	simm.s32 $0x1BF5;
	[smem:$0x3FA7] =	sst s0  }
0x18: {  	s0 =	sld [smem:$0x3F8A];
	_ =	swait.ge [sflag:s4], $0x0  }
0x19: {  	s7 =	sld [smem:$0x3F8B]  }
0x1a: {  	s8 =	sadd.s32 $0xFFFFE003, lr  }
0x1b: {  	s9 =	sadd.s32 $0xFFFFFEF7, lr;
	s5 =	simm.s32 $0xFFFFFFFF;
	p2 =	slt.u32 s8, $0xFFFFF086  }
0x1c: {  	p1 =	slt.u32 s9, $0xF7A;
	s5 =	simm.s32 @!p2 $0x0  }
0x1d: {  	s5 =	simm.s32 @p1 $0x1;
	p0 =	seq.s32 s7, s2  }
0x1e: {  	s7 =	smul.u32 @!p0 $0xF7A, s2;
	p2 =	seq.s32 @!p0 s5, $0x0  }
0x1f: {  	s9 =	smul.u32 $0xF7A, s1;
	s8 =	simm.s32 @!p0 $0x1BF5;
	p2 =	por !p2, p0  }
0x20: {  	[sflag:s8] =	ssyncset.s32 @!p0 $0xFFFFF086;
	s6 =	sadd.s32 @!p0 s3, s7;
	s7 =	simm.s32 @!p0 $0x108  }
0x21: {  	s3 =	sadd.s32 s3, s9;
	s6 =	sadd.s32 @!p0 $0x88, s6;
	s7 =	simm.s32 @p2 $0x1082  }
0x22: {  	[simem:s7], [sflag:s8] =	dma.local @!p0 [hbm:s6], $0xF7A  }
0x23: {  	s9 =	sor.u32 $0xD0000000, s2;
	s6 =	simm.s32 $0x108;
	_ =	swait.ge @!p0 [sflag:s8], $0x0  }
0x24: {  	s3 =	sadd.s32 $0x88, s3;
	s6 =	simm.s32 @!p1 $0x1082;
	[sflag:s4] =	ssyncset.s32 $0xFFFFF086  }
0x25: {  	[simem:s6], [sflag:s4] =	dma.local [hbm:s3], $0xF7A  }
0x26: {  	[smem:$0x3F8B] =	sst s1;
	(tag) =	ssettag s2;
	_ =	strace s9  }
0x27: {  	s1 =	sld [smem:$0x3F9B]  }
0x28: {  	s2 =	sld [smem:$0x3F9C]  }
0x29: {  	s4 =	sld [smem:$0x3F9E]  }
0x2a: {  	p0 =	seq.s32 s5, $0x0;
	s5 =	sld [smem:$0x3F9F]  }
0x2b: {  	s6 =	sld [smem:$0x3FA0]  }
0x2c: {  	s7 =	sld [smem:$0x3FA1]  }
0x2d: {  	s3 =	simm.s32 $0x108;
	s8 =	sld [smem:$0x3FA2]  }
0x2e: {  	s3 =	simm.s32 @!p0 $0x1082;
	s9 =	sld [smem:$0x3FA3]  }
0x2f: {  	lr =	sadd.s32 s0, s3;
	s0 =	sld [smem:$0x3F9A]  }
0x30: {  	s3 =	sld [smem:$0x3F9D]  }
0x31: {  	[smem:$0x3FA6] =	sst s10  }
0x32: {  	s10 =	sld [smem:$0x3FA4];
	_ =	sdelay $0x3  }
0x33: {  	p0 =	seq.s32 s10, $0x1;
	s10 =	sld [smem:$0x3FA6];
	_ =	sdelay $0x3  }
0x34: {  	[smem:$0x3FA6] =	sst s10  }
0x35: {  	s10 =	sld [smem:$0x3FA5];
	_ =	sdelay $0x3  }
0x36: {  	p1 =	seq.s32 s10, $0x1;
	s10 =	sld [smem:$0x3FA6];
	_ =	sdelay $0x3  }
0x37: {  	[smem:$0x3FA6] =	sst s10  }
0x38: {  	s10 =	sld [smem:$0x3FA7]  }
0x39: {  	_ = 	snop;
	(pc) =	sbr.ind lr, $3  }
0x3a: {  	_ = 	snop  }
0x3b: {  	_ = 	snop  }
0x3c: {  	p2 =	seq.s32 s10, $0x1;
	s10 =	sld [smem:$0x3FA6]  }
0x3d: {  	_ =	shalt  }
0x3e: {  	_ =	shalt  }
0x3f: {  	_ =	shalt  }
0x40: {  	_ =	shalt  }
0x41: {  	_ =	shalt  }
0x42: {  	_ =	shalt  }
0x43: {  	_ =	shalt  }
0x44: {  	_ =	shalt  }
0x45: {  	_ =	shalt  }
0x46: {  	_ =	shalt  }
0x47: {  	_ =	shalt  }
0x48: {  	_ =	shalt  }
0x49: {  	_ =	shalt  }
0x4a: {  	_ =	shalt  }
0x4b: {  	_ =	shalt  }
0x4c: {  	_ =	shalt  }
0x4d: {  	_ =	shalt  }
0x4e: {  	_ =	shalt  }
0x4f: {  	_ =	shalt  }
0x50: {  	_ =	shalt  }
0x51: {  	_ =	shalt  }
0x52: {  	_ =	shalt  }
0x53: {  	_ =	shalt  }
0x54: {  	_ =	shalt  }
0x55: {  	_ =	shalt  }
0x56: {  	_ =	shalt  }
0x57: {  	_ =	shalt  }
0x58: {  	_ =	shalt  }
0x59: {  	_ =	shalt  }
0x5a: {  	_ =	shalt  }
0x5b: {  	_ =	shalt  }
0x5c: {  	_ =	shalt  }
0x5d: {  	_ =	shalt  }
0x5e: {  	_ =	shalt  }
0x5f: {  	_ =	shalt  }
0x60: {  	_ =	shalt  }
0x61: {  	_ =	shalt  }
0x62: {  	_ =	shalt  }
0x63: {  	_ =	shalt  }
0x64: {  	_ =	shalt  }
0x65: {  	_ =	shalt  }
0x66: {  	_ =	shalt  }
0x67: {  	_ =	shalt  }
0x68: {  	_ =	shalt  }
0x69: {  	_ =	shalt  }
0x6a: {  	_ =	shalt  }
0x6b: {  	_ =	shalt  }
0x6c: {  	_ =	shalt  }
0x6d: {  	_ =	shalt  }
0x6e: {  	_ =	shalt  }
0x6f: {  	_ =	shalt  }
0x70: {  	_ =	shalt  }
0x71: {  	_ =	shalt  }
0x72: {  	_ =	shalt  }
0x73: {  	_ =	shalt  }
0x74: {  	_ =	shalt  }
0x75: {  	_ =	shalt  }
0x76: {  	_ =	shalt  }
0x77: {  	_ =	shalt  }
0x78: {  	_ =	shalt  }
0x79: {  	_ =	shalt  }
0x7a: {  	_ =	shalt  }
0x7b: {  	_ =	shalt  }
0x7c: {  	_ =	shalt  }
0x7d: {  	_ =	shalt  }
0x7e: {  	_ =	shalt  }
0x7f: {  	_ =	shalt  }
0x80: {  	_ =	shalt  }
0x81: {  	_ =	shalt  }
0x82: {  	_ =	shalt  }
0x83: {  	_ =	shalt  }
0x84: {  	_ =	shalt  }
0x85: {  	_ =	shalt  }
0x86: {  	_ =	shalt  }
0x87: {  	_ =	shalt  }
.Lfunc_end0:
.L_simem_size_0:
called_computation.1_lowered:
.L_overlay_start_0:
0x88: {  	s2 =	sld [smem:$0x3FD9]  }
0x89: {  	s3 =	sld [smem:$0x3FFE];
	_ =	sdelay $0x1  }
0x8a: {  	s1 =	srdreg.scid  }
0x8b: {  	s0 =	sand.u32 $0x1, s1  }
0x8c: {  	s16 =	sshll.u32 s0, $0xA;
	s2 =	sadd.s32 s3, s2  }
0x8d: {  	s2 =	sadd.s32 s2, s16  }
0x8e: {  	[smem:$0x3FB2] =	sst s2  }
0x8f: {  	_ = 	snop  }
0x90: {  	(tm) =	ssettm $0x1  }
0x91: {  	s17 =	sld [smem:$0x3FFB];
	_ =	sdelay $0x3  }
0x92: {  	_ =	strace s17  }
0x93: {  	s2 =	sld [smem:$0x3FFC];
	_ =	sdelay $0x3  }
0x94: {  	_ =	strace s2  }
0x95: {  	s2 =	sld [smem:$0x3FFD];
	_ =	sdelay $0x3  }
0x96: {  	_ =	strace s2  }
0x97: {  	_ =	strace $0x8FFFFFFF  }
0x98: {  	s18 =	sld [smem:$0x3FDB];
	_ =	sdelay $0x1  }
0x99: {  	s19 =	simm.s32 $_scs_section_size  }
0x9a: {  	s4 =	simm.s32 $_size__tile_overlayer_lowered;
	s5 =	simm.s32 $_tile_overlayer_lowered  }
0x9b: {  	s22 =	simm.s32 $0x1BFF;
	s21 =	sshll.u32 s5, $0x1;
	s2 =	sadd.s32 s19, s18  }
0x9c: {  	s6 =	simm.s32 $0x0;
	s20 =	sshll.u32 s4, $0x1;
	s4 =	sadd.s32 s21, s2  }
0x9d: {  	[timem:s6], [sflag:s22] =	dma.local [hbm:s4], s20  }
0x9e: {  	_ =	swait.ge [sflag:s22], s20  }
0x9f: {  	s3 =	ssub.s32 $0x0, s20;
	[sflag:s22] =	ssyncset.done $0x0  }
0xa0: {  	[sflag:s22] =	ssyncadd.s32 s3;
	_ =	sdelay $0x1  }
0xa1: {  	s23 =	simm.s32 $0x1B8B  }
0xa2: {  	_ =	swait.ge [sflag:s23], $0x1  }
0xa3: {  	[sflag:s23] =	ssyncset.done $0x0  }
0xa4: {  	s25 =	simm.s32 $0x1B8E;
	s24 =	sld [smem:$0x3FFE];
	[sflag:s23] =	ssyncadd.s32 $0xFFFFFFFF  }
0xa5: {  	s26 =	simm.s32 $execute0_lowered;
	[smem:$0x3FD2] =	sst s25  }
0xa6: {  	s4 =	sshll.u32 s26, $0x1;
	_ =	strace $0x80000046;
	[dreg:$0x1] =	wrdreg $0xFFFFFFFF  }
0xa7: {  	s28 =	simm.s32 $_size_execute0_lowered;
	s2 =	sadd.s32 s2, s4;
	[dreg:$0x0] =	wrdreg $0x0  }
0xa8: {  	s4 =	sshll.u32 s28, $0x1;
	[dreg:$0x2] =	wrdreg s2  }
0xa9: {  	[dreg:$0x3] =	wrdreg s4  }
0xaa: {  	[dreg:$0x4] =	wrdreg $0xC0  }
0xab: {  	_ =	task [dreg:s6], $0x5FFFF  }
0xac: {  	[dreg:$0x1] =	wrdreg $0xFFFFFFFF  }
0xad: {  	[dreg:$0x0] =	wrdreg $0x60  }
0xae: {  	[dreg:$0x2] =	wrdreg s24  }
0xaf: {  	[dreg:$0x3] =	wrdreg $0x0  }
0xb0: {  	[dreg:$0x4] =	wrdreg $0xA  }
0xb1: {  	_ =	task.clear_ibuf [dreg:s6], $0x5FFFF;
	_ =	strace $0x90000046  }
0xb2: {  	s29 =	simm.s32 $0xA;
	_ =	strace $0x80000048  }
0xb3: {  	_ =	swait.ge [sflag:s29], $0x1  }
0xb4: {  	[sflag:s29] =	ssyncadd.s32 $0xFFFFFFFF  }
0xb5: {  	_ =	strace $0x90000048  }
0xb6: {  	_ =	sfence  }
0xb7: {  	s30 =	sld [smem:$0x0];
	_ =	sdelay $0x2  }
0xb8: {  	s31 =	sshll.u32 s1, $0xD;
	s1 =	sshrl.u32 s1, $0x2  }
0xb9: {  	s3 =	sand.u32 $0x4000, s31;
	s1 =	sadd.s32 s1, s30  }
0xba: {  	s0 =	sor.u32 s3, s0;
	s1 =	sshll.u32 s1, $0x11  }
0xbb: {  	s0 =	sor.u32 s1, s0  }
0xbc: {  	s0 =	sadd.s32 $0x8F2B, s0  }
0xbd: {  	[sflag:s0] =	ssyncadd.remote.s32 $0x1  }
0xbe: {  	_ =	sfence.sel $0xFFFF  }
0xbf: {  	[dreg:$0x0] =	wrdreg $0xFFFFFFFF;
	(pc) =	sbr.abs _section_cstart, $3  }
0xc0: {  	[dreg:$0x1] =	wrdreg $0xFFFFFFFF  }
0xc1: {  	_ =	task.clear_ibuf [dreg:s6], $0x2FFFF;
	_ =	strace $0x9FFFFFFF  }
0xc2: {  	(tm) =	ssettm $0x7FFFFFFF  }
0xc3: {  	_ =	shalt  }
tec
execute0_lowered:
.L_overlay_start_1:
0x0: {  	(tag) =	ssettag $0x1  }
0x1: {  	s0 =	rddreg [dreg:$0x0]  }
0x2: {  	s1 =	rddreg [dreg:$0x1];
	s2 =	simm.s32 $0x0;
	s3 =	srdreg.scid  }
0x3: {  	s17 =	stileid.u32;
	s18 =	simm.s32 $0x3;
	s28 =	simm.s32 $0x1  }
0x4: {  	s29 =	simm.s32 $0x80;
	s30 =	simm.s32 $0x2;
	s31 =	simm.s32 $0x1C980  }
0x5: {  	[smem:$0x7FF] =	sst s2;
	s4 =	sadd.s32 $0x4000, s0;
	s5 =	sadd.s32 $0x4F9A00, s0  }
0x6: {  	s3 =	sand.u32 $0x1, s3;
	s6 =	sadd.s32 $0x17A00, s0;
	s10 =	smul.u32 $0x4E000, s17  }
0x7: {  	s0 =	sadd.s32 $0x1A200, s0;
	s21 =	sshll.u32 s17, $0x6;
	s19 =	sadd.s32 $0x138000, s1  }
0x8: {  	s23 =	smul.u32 $0x13800, s17;
	p0 =	sne.s32 s17, $0xF;
	_ =	strace $0x80000047  }
0x9: {  	s7 =	ssub.s32 $0x2, s3;
	s9 =	sshll.u32 s3, $0x4;
	s3 =	smul.u32 $0x138800, s3  }
0xa: {  	s19 =	sshrl.u32 @!p0 s19, $0x3;
	s8 =	sshrl.u32 s7, $0x1;
	s12 =	sor.u32 s17, s9  }
0xb: {  	s20 =	sshrl.u32 s10, $0x2;
	s11 =	ssub.s32 s7, s8;
	s7 =	smul.u32 $0x2710, s12  }
0xc: {  	s10 =	sadd.s32 s20, s1;
	s8 =	sor.u32 $0x1C03, s21;
	s13 =	smul.u32 $0x4E20, s12  }
0xd: {  	s12 =	smul.u32 $0x27100, s12;
	s25 =	sadd.s32 s23, s3;
	s3 =	sshrl.u32 s3, $0x3  }
0xe: {  	s20 =	simm.s32 $0x14980;
	s21 =	simm.s32 $0x18980;
	s23 =	simm.s32 $0x13880  }
0xf: {  	s26 =	sshrl.u32 s25, $0x3;
	s3 =	sadd.s32 s0, s3;
	s16 =	smax.u32 s11, $0x1  }
0x10: {  	s17 =	sshrl.u32 s10, $0x3;
	s9 =	sadd.s32 $0x4E200, s7;
	s15 =	sshrl.u32 s7, $0x3  }
0x11: {  	s13 =	sadd.s32 s5, s13;
	s12 =	sshrl.u32 s12, $0x3;
	s14 =	sshrl.u32 s9, $0x3  }
0x12: {  	s22 =	sadd.s32 s4, s15;
	[dreg:$0x4] =	wrdreg s13;
	s14 =	sadd.s32 s4, s14  }
0x13: {  	s12 =	sadd.s32 s5, s12;
	s24 =	sadd.s32 $0xA120, s22;
	[dreg:$0x3] =	wrdreg s14  }
0x14: {  	s25 =	simm.s32 $0x13900;
	s12 =	sadd.s32 $0x4E00, s12;
	[dreg:$0x5] =	wrdreg s24  }
0x15: {  	s15 =	sadd.s32 $0x27000, s3;
	s22 =	simm.s32 $0x1CB00;
	[dreg:$0x6] =	wrdreg s12  }
0x16: {  	s14 =	sadd.s32 s0, s26;
	s26 =	simm.s32 $0x14180;
	s24 =	simm.s32 $0x0  }
.LBB2_1:
0x17: {  	[spmem:s17], [sflag:s8] =	dma.local [hbm:s6], $0x2700  }
0x18: {  	_ =	swait.ge [sflag:s18], $0x2700  }
0x19: {  	[sflag:s18] =	ssyncset.done $0x0  }
0x1a: {  	s0 =	simm.s32 @!p0 $0x3;
	[sflag:s18] =	ssyncadd.s32 $0xFFFFD900  }
0x1b: {  	[spmem:s19], [sflag:s8] =	dma.local @!p0 [hbm:s6], $0x100  }
0x1c: {  	_ =	swait.ge @!p0 [sflag:s0], $0x100  }
0x1d: {  	[sflag:s0] =	ssyncset.done @!p0 $0x0  }
0x1e: {  	[sflag:s0] =	ssyncadd.s32 @!p0 $0xFFFFFF00  }
0x1f: {  	[tilespmem:s20], [sflag:$0x3] =	stream.linear.gather [hbm4b:s6+s2], $0x4000, $0x38;
	[tilespmem:$0x1D300] =	vst v63  }
0x20: {  	_ =	swait.ge [sflag:s18], $0x4000  }
0x21: {  	[sflag:s18] =	ssyncset.done $0x0  }
0x22: {  	[sflag:s18] =	ssyncadd.s32 $0xFFFFC000  }
0x23: {  	[tilespmem:s21], [sflag:$0x3] =	stream.linear.gather [hbm4b:s6+s2], $0x4000, $0x38;
	[tilespmem:$0x1D300] =	vst v63  }
0x24: {  	_ =	swait.ge [sflag:s18], $0x4000  }
0x25: {  	[sflag:s18] =	ssyncset.done $0x0  }
0x26: {  	[sflag:s18] =	ssyncadd.s32 $0xFFFFC000  }
0x27: {  	[tilespmem:s22], [sflag:$0x3] =	stream.linear.gather [hbm4b:s6+s2], $0x800, $0x38;
	[tilespmem:$0x1D300] =	vst v63  }
0x28: {  	_ =	swait.ge [sflag:s18], $0x800  }
0x29: {  	[sflag:s18] =	ssyncset.done $0x0  }
0x2a: {  	[sflag:s18] =	ssyncadd.s32 $0xFFFFF800  }
0x2b: {  	[bflag:$0x0] =	sbarrier.arrive $0xFFFF  }
0x2c: {  	s12 =	rddreg [dreg:$0x3]  }
0x2d: {  	[tilespmem:s23], [sflag:$0x3] =	stream.linear.gather [hbm4b:s12+s2], $0x80, $0x38;
	[tilespmem:$0x1D300] =	vst v63  }
0x2e: {  	_ =	swait.ge [sflag:s18], $0x80  }
0x2f: {  	s3 =	simm.s32 $0x13980;
	[sflag:s18] =	ssyncset.done $0x0  }
0x30: {  	s0 =	simm.s32 $0x0;
	s13 =	rddreg [dreg:$0x4];
	[sflag:s18] =	ssyncadd.s32 $0xFFFFFF80  }
0x31: {  	[tilespmem:s3], [sflag:$0x1] =	stream.linear.gather [hbm4b:s13+s2], $0x800, $0x38;
	[tilespmem:$0x1D300] =	vst v63  }
.LBB2_2:
0x32: {  	s3 =	sshll.u32 s0, $0x8  }
0x33: {  	s10 =	sor.u32 $0x80, s3  }
0x34: {  	s11 =	sadd.s32 s9, s10  }
0x35: {  	s11 =	sshrl.u32 s11, $0x3  }
0x36: {  	s10 =	sadd.s32 s7, s10;
	s12 =	sadd.s32 s4, s11;
	s11 =	simm.s32 $0x0  }
0x37: {  	[tilespmem:s25], [sflag:$0x3] =	stream.linear.gather [hbm4b:s12+s11], $0x80, $0x38;
	[tilespmem:$0x1D300] =	vst v63  }
0x38: {  	s10 =	sshll.u32 s10, $0x1;
	_ =	swait.ge [sflag:s18], $0x80  }
0x39: {  	s10 =	sand.u32 $0x1FFFFFE0, s10;
	[sflag:s18] =	ssyncset.done $0x0  }
0x3a: {  	s10 =	sadd.s32 s5, s10;
	[sflag:s18] =	ssyncadd.s32 $0xFFFFFF80  }
0x3b: {  	[tilespmem:s26], [sflag:$0x2] =	stream.linear.gather [hbm4b:s10+s11], $0x800, $0x38;
	[tilespmem:$0x1D300] =	vst v63  }
0x3c: {  	_ =	swait.ge [sflag:s28], $0x800  }
0x3d: {  	[sflag:s28] =	ssyncset.done $0x0  }
0x3e: {  	s10 =	simm.s32 $0x139C0;
	[sflag:s28] =	ssyncadd.s32 $0xFFFFF800  }
0x3f: {  	s12 =	simm.s32 $0x1000;
	v0 =	vld [tilespmem:s10+$0xFFFFFFC0]  }
.LBB2_3:
0x40: {  	p1 =	sne.s32 s12, $0xF000;
	_ =	sdelay $0x2  }
0x41: {  	s13 =	sshra.s32 s11, $0x2;
	s11 =	smov.u32 s12  }
0x42: {  	[tilespmem:s13+$0x14980] =	vst v0  }
0x43: {  	v0 =	vld [tilespmem:s10+$0xFFFFFFD0];
	_ =	sdelay $0x4  }
0x44: {  	[tilespmem:s13+$0x14A00] =	vst v0  }
0x45: {  	v0 =	vld [tilespmem:s10+$0xFFFFFFE0];
	_ =	sdelay $0x4  }
0x46: {  	[tilespmem:s13+$0x14A80] =	vst v0  }
0x47: {  	v0 =	vld [tilespmem:s10+$0xFFFFFFF0];
	_ =	sdelay $0x4  }
0x48: {  	[tilespmem:s13+$0x14B00] =	vst v0  }
0x49: {  	v0 =	vld [tilespmem:s10+$0x0];
	_ =	sdelay $0x4  }
0x4a: {  	[tilespmem:s13+$0x14B80] =	vst v0  }
0x4b: {  	v0 =	vld [tilespmem:s10+$0x10];
	_ =	sdelay $0x4  }
0x4c: {  	[tilespmem:s13+$0x14C00] =	vst v0  }
0x4d: {  	v0 =	vld [tilespmem:s10+$0x20];
	_ =	sdelay $0x4  }
0x4e: {  	[tilespmem:s13+$0x14C80] =	vst v0  }
0x4f: {  	v0 =	vld [tilespmem:s10+$0x30];
	_ =	sdelay $0x1  }
.Ltmp0:
0x50: {  	(pc) =	sbr.rel @p1 .LBB2_3-.Ltmp0, $3  }
0x51: {  	_ =	sdelay $0x1  }
0x52: {  	s10 =	sadd.s32 $0x80, s10;
	[tilespmem:s13+$0x14D00] =	vst v0  }
0x53: {  	s12 =	sadd.s32 $0x1000, s12;
	v0 =	vld [tilespmem:s10+$0xFFFFFFC0]  }
0x54: {  	_ =	sdelay $0x2  }
0x55: {  	s11 =	sshra.s32 s11, $0x2  }
0x56: {  	[tilespmem:s11+$0x14980] =	vst v0  }
0x57: {  	v0 =	vld [tilespmem:s10+$0xFFFFFFD0];
	_ =	sdelay $0x4  }
0x58: {  	[tilespmem:s11+$0x14A00] =	vst v0  }
0x59: {  	v0 =	vld [tilespmem:s10+$0xFFFFFFE0];
	_ =	sdelay $0x4  }
0x5a: {  	[tilespmem:s11+$0x14A80] =	vst v0  }
0x5b: {  	v0 =	vld [tilespmem:s10+$0xFFFFFFF0];
	_ =	sdelay $0x4  }
0x5c: {  	[tilespmem:s11+$0x14B00] =	vst v0  }
0x5d: {  	v0 =	vld [tilespmem:s10+$0x0];
	_ =	sdelay $0x4  }
0x5e: {  	[tilespmem:s11+$0x14B80] =	vst v0  }
0x5f: {  	v0 =	vld [tilespmem:s10+$0x10];
	_ =	sdelay $0x4  }
0x60: {  	[tilespmem:s11+$0x14C00] =	vst v0  }
0x61: {  	v0 =	vld [tilespmem:s10+$0x20];
	_ =	sdelay $0x4  }
0x62: {  	[tilespmem:s11+$0x14C80] =	vst v0  }
0x63: {  	v0 =	vld [tilespmem:s10+$0x30];
	_ =	sdelay $0x3  }
0x64: {  	p1 =	seq.s32 s0, $0x26  }
0x65: {  	s3 =	sadd.s32 @!p1 $0x100, s3;
	[tilespmem:s11+$0x14D00] =	vst v0  }
0x66: {  	[spmem:s1] =	stream.indirect.scatter.add.f32 [tilespmem:s20], [sflag:$0x3], $0x80, s23, s29, $0xb8;
	[tilespmem:$0x1D300] =	vst v63  }
0x67: {  	s10 =	sadd.s32 @!p1 s9, s3;
	_ =	swait.ge [sflag:s18], $0x4000  }
0x68: {  	s12 =	simm.s32 @!p1 $0x13880;
	s10 =	sshrl.u32 @!p1 s10, $0x3;
	[sflag:s18] =	ssyncset.done $0x0  }
0x69: {  	s10 =	sadd.s32 @!p1 s4, s10;
	s11 =	simm.s32 @!p1 $0x0;
	[sflag:s18] =	ssyncadd.s32 $0xFFFFC000  }
0x6a: {  	[tilespmem:s12], [sflag:$0x3] =	stream.linear.gather @!p1 [hbm4b:s10+s11], $0x80, $0x38;
	[tilespmem:$0x1D300] =	vst v63  }
0x6b: {  	s3 =	sadd.s32 @!p1 s7, s3;
	s10 =	simm.s32 @!p1 $0x3  }
0x6c: {  	s3 =	sshll.u32 @!p1 s3, $0x1;
	_ =	swait.ge @!p1 [sflag:s10], $0x80  }
0x6d: {  	s3 =	sand.u32 @!p1 $0x1FFFFFE0, s3;
	[sflag:s10] =	ssyncset.done @!p1 $0x0  }
0x6e: {  	s3 =	sadd.s32 @!p1 s5, s3;
	[sflag:s10] =	ssyncadd.s32 @!p1 $0xFFFFFF80;
	s10 =	simm.s32 @!p1 $0x13980  }
0x6f: {  	[tilespmem:s10], [sflag:$0x1] =	stream.linear.gather @!p1 [hbm4b:s3+s11], $0x800, $0x38;
	[tilespmem:$0x1D300] =	vst v63  }
0x70: {  	_ =	swait.ge [sflag:s30], $0x800  }
0x71: {  	[sflag:s30] =	ssyncset.done $0x0  }
0x72: {  	s3 =	simm.s32 $0x141C0;
	[sflag:s30] =	ssyncadd.s32 $0xFFFFF800  }
0x73: {  	s10 =	simm.s32 $0x0;
	s11 =	simm.s32 $0x1000;
	v0 =	vld [tilespmem:s3+$0xFFFFFFC0]  }
.LBB2_5:
0x74: {  	p1 =	sne.s32 s11, $0xF000;
	_ =	sdelay $0x2  }
0x75: {  	s12 =	sshra.s32 s10, $0x2;
	s10 =	smov.u32 s11  }
0x76: {  	[tilespmem:s12+$0x18980] =	vst v0  }
0x77: {  	v0 =	vld [tilespmem:s3+$0xFFFFFFD0];
	_ =	sdelay $0x4  }
0x78: {  	[tilespmem:s12+$0x18A00] =	vst v0  }
0x79: {  	v0 =	vld [tilespmem:s3+$0xFFFFFFE0];
	_ =	sdelay $0x4  }
0x7a: {  	[tilespmem:s12+$0x18A80] =	vst v0  }
0x7b: {  	v0 =	vld [tilespmem:s3+$0xFFFFFFF0];
	_ =	sdelay $0x4  }
0x7c: {  	[tilespmem:s12+$0x18B00] =	vst v0  }
0x7d: {  	v0 =	vld [tilespmem:s3+$0x0];
	_ =	sdelay $0x4  }
0x7e: {  	[tilespmem:s12+$0x18B80] =	vst v0  }
0x7f: {  	v0 =	vld [tilespmem:s3+$0x10];
	_ =	sdelay $0x4  }
0x80: {  	[tilespmem:s12+$0x18C00] =	vst v0  }
0x81: {  	v0 =	vld [tilespmem:s3+$0x20];
	_ =	sdelay $0x4  }
0x82: {  	[tilespmem:s12+$0x18C80] =	vst v0  }
0x83: {  	v0 =	vld [tilespmem:s3+$0x30];
	_ =	sdelay $0x1  }
.Ltmp1:
0x84: {  	(pc) =	sbr.rel @p1 .LBB2_5-.Ltmp1, $3  }
0x85: {  	_ =	sdelay $0x1  }
0x86: {  	s3 =	sadd.s32 $0x80, s3;
	[tilespmem:s12+$0x18D00] =	vst v0  }
0x87: {  	s11 =	sadd.s32 $0x1000, s11;
	v0 =	vld [tilespmem:s3+$0xFFFFFFC0]  }
0x88: {  	_ =	sdelay $0x2  }
0x89: {  	s10 =	sshra.s32 s10, $0x2  }
0x8a: {  	[tilespmem:s10+$0x18980] =	vst v0  }
0x8b: {  	v0 =	vld [tilespmem:s3+$0xFFFFFFD0];
	_ =	sdelay $0x4  }
0x8c: {  	[tilespmem:s10+$0x18A00] =	vst v0  }
0x8d: {  	v0 =	vld [tilespmem:s3+$0xFFFFFFE0];
	_ =	sdelay $0x4  }
0x8e: {  	[tilespmem:s10+$0x18A80] =	vst v0  }
0x8f: {  	v0 =	vld [tilespmem:s3+$0xFFFFFFF0];
	_ =	sdelay $0x4  }
0x90: {  	[tilespmem:s10+$0x18B00] =	vst v0  }
0x91: {  	v0 =	vld [tilespmem:s3+$0x0];
	_ =	sdelay $0x4  }
0x92: {  	[tilespmem:s10+$0x18B80] =	vst v0  }
0x93: {  	v0 =	vld [tilespmem:s3+$0x10];
	_ =	sdelay $0x4  }
0x94: {  	[tilespmem:s10+$0x18C00] =	vst v0  }
0x95: {  	v0 =	vld [tilespmem:s3+$0x20];
	_ =	sdelay $0x4  }
0x96: {  	[tilespmem:s10+$0x18C80] =	vst v0  }
0x97: {  	v0 =	vld [tilespmem:s3+$0x30];
	_ =	sdelay $0x2  }
0x98: {  	s0 =	sadd.s32 $0x1, s0  }
0x99: {  	p1 =	sne.s32 s0, $0x27  }
.Ltmp2:
0x9a: {  	[tilespmem:s10+$0x18D00] =	vst v0;
	(pc) =	sbr.rel @p1 .LBB2_2-.Ltmp2, $4  }
0x9b: {  	[spmem:s1] =	stream.indirect.scatter.add.f32 [tilespmem:s21], [sflag:$0x3], $0x80, s25, s29, $0xb8;
	[tilespmem:$0x1D300] =	vst v63  }
0x9c: {  	_ =	swait.ge [sflag:s18], $0x4000  }
0x9d: {  	[sflag:s18] =	ssyncset.done $0x0  }
0x9e: {  	[sflag:s18] =	ssyncadd.s32 $0xFFFFC000  }
0x9f: {  	s0 =	rddreg [dreg:$0x5]  }
0xa0: {  	[tilespmem:s31], [sflag:$0x3] =	stream.linear.gather [hbm4b:s0+s2], $0x10, $0x38;
	[tilespmem:$0x1D300] =	vst v63  }
0xa1: {  	_ =	swait.ge [sflag:s18], $0x10  }
0xa2: {  	[sflag:s18] =	ssyncset.done $0x0  }
0xa3: {  	s3 =	simm.s32 $0x1CA00;
	s12 =	rddreg [dreg:$0x6];
	[sflag:s18] =	ssyncadd.s32 $0xFFFFFFF0  }
0xa4: {  	[tilespmem:s3], [sflag:$0x1] =	stream.linear.gather [hbm4b:s12+s2], $0x100, $0x38;
	[tilespmem:$0x1D300] =	vst v63  }
0xa5: {  	_ =	swait.ge [sflag:s28], $0x100  }
0xa6: {  	[sflag:s28] =	ssyncset.done $0x0  }
0xa7: {  	[sflag:s28] =	ssyncadd.s32 $0xFFFFFF00  }
0xa8: {  	v0 =	vld [tilespmem:$0x1CA00]  }
0xa9: {  	v1 =	vld [tilespmem:$0x1CA10]  }
0xaa: {  	v2 =	vld [tilespmem:$0x1CA20]  }
0xab: {  	v3 =	vld [tilespmem:$0x1CA30]  }
0xac: {  	v4 =	vld [tilespmem:$0x1CA40]  }
0xad: {  	v53 =	vld [tilespmem:$0x1CA50];
	[tilespmem:$0x1CB00] =	vst v0  }
0xae: {  	v54 =	vld [tilespmem:$0x1CA60];
	[tilespmem:$0x1CB80] =	vst v1  }
0xaf: {  	v55 =	vld [tilespmem:$0x1CA70];
	[tilespmem:$0x1CC00] =	vst v2  }
0xb0: {  	v56 =	vld [tilespmem:$0x1CA80];
	[tilespmem:$0x1CC80] =	vst v3  }
0xb1: {  	v57 =	vld [tilespmem:$0x1CA90];
	[tilespmem:$0x1CD00] =	vst v4  }
0xb2: {  	v58 =	vld [tilespmem:$0x1CAA0];
	[tilespmem:$0x1CD80] =	vst v53  }
0xb3: {  	v59 =	vld [tilespmem:$0x1CAB0];
	[tilespmem:$0x1CE00] =	vst v54  }
0xb4: {  	v60 =	vld [tilespmem:$0x1CAC0];
	[tilespmem:$0x1CE80] =	vst v55  }
0xb5: {  	v61 =	vld [tilespmem:$0x1CAD0];
	[tilespmem:$0x1CF00] =	vst v56  }
0xb6: {  	v62 =	vld [tilespmem:$0x1CAE0];
	[tilespmem:$0x1CF80] =	vst v57  }
0xb7: {  	v63 =	vld [tilespmem:$0x1CAF0];
	[tilespmem:$0x1D000] =	vst v58  }
0xb8: {  	[tilespmem:$0x1D080] =	vst v59  }
0xb9: {  	[tilespmem:$0x1D100] =	vst v60  }
0xba: {  	[tilespmem:$0x1D180] =	vst v61  }
0xbb: {  	[tilespmem:$0x1D200] =	vst v62  }
0xbc: {  	s13 =	simm.s32 $0x10;
	[tilespmem:$0x1D280] =	vst v63  }
0xbd: {  	[spmem:s1] =	stream.indirect.scatter.add.f32 [tilespmem:s22], [sflag:$0x3], $0x80, s31, s13, $0xb8;
	[tilespmem:$0x1D300] =	vst v63  }
0xbe: {  	_ =	swait.ge [sflag:s18], $0x800  }
0xbf: {  	[sflag:s18] =	ssyncset.done $0x0  }
0xc0: {  	[sflag:s18] =	ssyncadd.s32 $0xFFFFF800  }
0xc1: {  	[bflag:$0x0] =	sbarrier.arrive $0xFFFF  }
0xc2: {  	[hbm:s14], [sflag:s8] =	dma.local [spmem:s17], $0x2700  }
0xc3: {  	s24 =	sadd.s32 $0x1, s24;
	_ =	swait.ge [sflag:s18], $0x2700  }
0xc4: {  	p1 =	sne.s32 s24, s16;
	[sflag:s18] =	ssyncset.done $0x0  }
.Ltmp3:
0xc5: {  	s0 =	simm.s32 @!p0 $0x3;
	[sflag:s18] =	ssyncadd.s32 $0xFFFFD900;
	(pc) =	sbr.rel @p1 .LBB2_1-.Ltmp3, $4  }
0xc6: {  	[hbm:s15], [sflag:s8] =	dma.local @!p0 [spmem:s19], $0x100  }
0xc7: {  	_ =	swait.ge @!p0 [sflag:s0], $0x100  }
0xc8: {  	[sflag:s0] =	ssyncset.done @!p0 $0x0  }
0xc9: {  	[sflag:s0] =	ssyncadd.s32 @!p0 $0xFFFFFF00  }
0xca: {  	_ =	sfence.sel $0x180000  }
0xcb: {  	[bflag:$0x0] =	sbarrier.arrive $0xFFFF  }
0xcc: {  	_ =	strace $0x90000047  }
0xcd: {  	s0 =	stileid.u32;
	[bflag:$0x2] =	sbarrier.arrive $0xFFFF  }
0xce: {  	p0 =	sne.s32 s0, $0x0;
	s0 =	rddreg [dreg:$0x2]  }
0xcf: {  	s0 =	sadd.s32 @!p0 $0x100000, s0  }
0xd0: {  	[sflag:s0] =	ssyncadd.tile.s32 @!p0 $0x1;
	_ =	shalt  }
.Lfunc_end2:
_tile_overlayer_lowered:
.L_overlay_start_2:
0xd1: {  	(tag) =	ssettag $0x2  }
0xd2: {  	s0 =	rddreg [dreg:$0x0];
	s2 =	stileid.u32  }
0xd3: {  	s1 =	rddreg [dreg:$0x1];
	p0 =	sne.s32 s2, $0x0  }
0xd4: {  	s3 =	rddreg [dreg:$0x2];
	[bflag:$0x3] =	sbarrier.arrive $0xFFFF;
	s2 =	simm.s32 @!p0 $0x1C03  }
0xd5: {  	[timem:s3], [sflag:s2] =	dma.local @!p0 [hbm:s0], s1  }
0xd6: {  	s0 =	simm.s32 @!p0 $0x3  }
0xd7: {  	_ =	swait.ge @!p0 [sflag:s0], s1  }
0xd8: {  	s1 =	ssub.s32 @!p0 $0x0, s1;
	[sflag:s0] =	ssyncset.done @!p0 $0x0  }
0xd9: {  	[sflag:s0] =	ssyncadd.s32 @!p0 s1  }
0xda: {  	[bflag:$0x3] =	sbarrier.arrive $0xFFFF  }
0xdb: {  	_ =	shalt  }

// kernel: kernel.15.cloned.1.call-start
scs
__scs_entry_jumppad:
0x0: {  	(pc) =	sbr.rel $0x88, $3  }
0x1: {  	(tag) =	ssettag $0x0;
	lr =	simm.s32 $0x1  }
0x2: {  	[smem:$0x3F8B] =	sst lr;
	_ =	strace $0xD0000000  }
0x3: {  	_ = 	snop  }
0x4: {  	_ = 	snop  }
0x5: {  	_ = 	snop  }
0x6: {  	_ = 	snop  }
0x7: {  	_ = 	snop  }
__scs_overlays_trampoline_lowered:
0x8: {  	[smem:$0x3F9A] =	sst s0  }
0x9: {  	[smem:$0x3F9B] =	sst s1  }
0xa: {  	[smem:$0x3F9C] =	sst s2  }
0xb: {  	[smem:$0x3F9D] =	sst s3  }
0xc: {  	[smem:$0x3F9E] =	sst s4  }
0xd: {  	[smem:$0x3F9F] =	sst s5  }
0xe: {  	[smem:$0x3FA0] =	sst s6  }
0xf: {  	[smem:$0x3FA1] =	sst s7  }
0x10: {  	[smem:$0x3FA2] =	sst s8  }
0x11: {  	[smem:$0x3FA3] =	sst s9;
	s0 =	simm.s32 @!p0 $0x0  }
0x12: {  	s1 =	sld [smem:$0x3F89];
	s0 =	simm.s32 @p0 $0x1  }
0x13: {  	[smem:$0x3FA4] =	sst s0;
	s0 =	simm.s32 @!p1 $0x0  }
0x14: {  	s2 =	sld [smem:$0x3F88];
	s0 =	simm.s32 @p1 $0x1  }
0x15: {  	[smem:$0x3FA5] =	sst s0;
	s0 =	simm.s32 @!p2 $0x0  }
0x16: {  	s3 =	sld [smem:$0x3FDB];
	s0 =	simm.s32 @p2 $0x1  }
0x17: {  	s4 =	simm.s32 $0x1BF5;
	[smem:$0x3FA7] =	sst s0  }
0x18: {  	s0 =	sld [smem:$0x3F8A];
	_ =	swait.ge [sflag:s4], $0x0  }
0x19: {  	s7 =	sld [smem:$0x3F8B]  }
0x1a: {  	s8 =	sadd.s32 $0xFFFFE003, lr  }
0x1b: {  	s9 =	sadd.s32 $0xFFFFFEF7, lr;
	s5 =	simm.s32 $0xFFFFFFFF;
	p2 =	slt.u32 s8, $0xFFFFF086  }
0x1c: {  	p1 =	slt.u32 s9, $0xF7A;
	s5 =	simm.s32 @!p2 $0x0  }
0x1d: {  	s5 =	simm.s32 @p1 $0x1;
	p0 =	seq.s32 s7, s2  }
0x1e: {  	s7 =	smul.u32 @!p0 $0xF7A, s2;
	p2 =	seq.s32 @!p0 s5, $0x0  }
0x1f: {  	s9 =	smul.u32 $0xF7A, s1;
	s8 =	simm.s32 @!p0 $0x1BF5;
	p2 =	por !p2, p0  }
0x20: {  	[sflag:s8] =	ssyncset.s32 @!p0 $0xFFFFF086;
	s6 =	sadd.s32 @!p0 s3, s7;
	s7 =	simm.s32 @!p0 $0x108  }
0x21: {  	s3 =	sadd.s32 s3, s9;
	s6 =	sadd.s32 @!p0 $0x88, s6;
	s7 =	simm.s32 @p2 $0x1082  }
0x22: {  	[simem:s7], [sflag:s8] =	dma.local @!p0 [hbm:s6], $0xF7A  }
0x23: {  	s9 =	sor.u32 $0xD0000000, s2;
	s6 =	simm.s32 $0x108;
	_ =	swait.ge @!p0 [sflag:s8], $0x0  }
0x24: {  	s3 =	sadd.s32 $0x88, s3;
	s6 =	simm.s32 @!p1 $0x1082;
	[sflag:s4] =	ssyncset.s32 $0xFFFFF086  }
0x25: {  	[simem:s6], [sflag:s4] =	dma.local [hbm:s3], $0xF7A  }
0x26: {  	[smem:$0x3F8B] =	sst s1;
	(tag) =	ssettag s2;
	_ =	strace s9  }
0x27: {  	s1 =	sld [smem:$0x3F9B]  }
0x28: {  	s2 =	sld [smem:$0x3F9C]  }
0x29: {  	s4 =	sld [smem:$0x3F9E]  }
0x2a: {  	p0 =	seq.s32 s5, $0x0;
	s5 =	sld [smem:$0x3F9F]  }
0x2b: {  	s6 =	sld [smem:$0x3FA0]  }
0x2c: {  	s7 =	sld [smem:$0x3FA1]  }
0x2d: {  	s3 =	simm.s32 $0x108;
	s8 =	sld [smem:$0x3FA2]  }
0x2e: {  	s3 =	simm.s32 @!p0 $0x1082;
	s9 =	sld [smem:$0x3FA3]  }
0x2f: {  	lr =	sadd.s32 s0, s3;
	s0 =	sld [smem:$0x3F9A]  }
0x30: {  	s3 =	sld [smem:$0x3F9D]  }
0x31: {  	[smem:$0x3FA6] =	sst s10  }
0x32: {  	s10 =	sld [smem:$0x3FA4];
	_ =	sdelay $0x3  }
0x33: {  	p0 =	seq.s32 s10, $0x1;
	s10 =	sld [smem:$0x3FA6];
	_ =	sdelay $0x3  }
0x34: {  	[smem:$0x3FA6] =	sst s10  }
0x35: {  	s10 =	sld [smem:$0x3FA5];
	_ =	sdelay $0x3  }
0x36: {  	p1 =	seq.s32 s10, $0x1;
	s10 =	sld [smem:$0x3FA6];
	_ =	sdelay $0x3  }
0x37: {  	[smem:$0x3FA6] =	sst s10  }
0x38: {  	s10 =	sld [smem:$0x3FA7]  }
0x39: {  	_ = 	snop;
	(pc) =	sbr.ind lr, $3  }
0x3a: {  	_ = 	snop  }
0x3b: {  	_ = 	snop  }
0x3c: {  	p2 =	seq.s32 s10, $0x1;
	s10 =	sld [smem:$0x3FA6]  }
0x3d: {  	_ =	shalt  }
0x3e: {  	_ =	shalt  }
0x3f: {  	_ =	shalt  }
0x40: {  	_ =	shalt  }
0x41: {  	_ =	shalt  }
0x42: {  	_ =	shalt  }
0x43: {  	_ =	shalt  }
0x44: {  	_ =	shalt  }
0x45: {  	_ =	shalt  }
0x46: {  	_ =	shalt  }
0x47: {  	_ =	shalt  }
0x48: {  	_ =	shalt  }
0x49: {  	_ =	shalt  }
0x4a: {  	_ =	shalt  }
0x4b: {  	_ =	shalt  }
0x4c: {  	_ =	shalt  }
0x4d: {  	_ =	shalt  }
0x4e: {  	_ =	shalt  }
0x4f: {  	_ =	shalt  }
0x50: {  	_ =	shalt  }
0x51: {  	_ =	shalt  }
0x52: {  	_ =	shalt  }
0x53: {  	_ =	shalt  }
0x54: {  	_ =	shalt  }
0x55: {  	_ =	shalt  }
0x56: {  	_ =	shalt  }
0x57: {  	_ =	shalt  }
0x58: {  	_ =	shalt  }
0x59: {  	_ =	shalt  }
0x5a: {  	_ =	shalt  }
0x5b: {  	_ =	shalt  }
0x5c: {  	_ =	shalt  }
0x5d: {  	_ =	shalt  }
0x5e: {  	_ =	shalt  }
0x5f: {  	_ =	shalt  }
0x60: {  	_ =	shalt  }
0x61: {  	_ =	shalt  }
0x62: {  	_ =	shalt  }
0x63: {  	_ =	shalt  }
0x64: {  	_ =	shalt  }
0x65: {  	_ =	shalt  }
0x66: {  	_ =	shalt  }
0x67: {  	_ =	shalt  }
0x68: {  	_ =	shalt  }
0x69: {  	_ =	shalt  }
0x6a: {  	_ =	shalt  }
0x6b: {  	_ =	shalt  }
0x6c: {  	_ =	shalt  }
0x6d: {  	_ =	shalt  }
0x6e: {  	_ =	shalt  }
0x6f: {  	_ =	shalt  }
0x70: {  	_ =	shalt  }
0x71: {  	_ =	shalt  }
0x72: {  	_ =	shalt  }
0x73: {  	_ =	shalt  }
0x74: {  	_ =	shalt  }
0x75: {  	_ =	shalt  }
0x76: {  	_ =	shalt  }
0x77: {  	_ =	shalt  }
0x78: {  	_ =	shalt  }
0x79: {  	_ =	shalt  }
0x7a: {  	_ =	shalt  }
0x7b: {  	_ =	shalt  }
0x7c: {  	_ =	shalt  }
0x7d: {  	_ =	shalt  }
0x7e: {  	_ =	shalt  }
0x7f: {  	_ =	shalt  }
0x80: {  	_ =	shalt  }
0x81: {  	_ =	shalt  }
0x82: {  	_ =	shalt  }
0x83: {  	_ =	shalt  }
0x84: {  	_ =	shalt  }
0x85: {  	_ =	shalt  }
0x86: {  	_ =	shalt  }
0x87: {  	_ =	shalt  }
.Lfunc_end0:
.L_simem_size_0:
called_computation.2_lowered:
.L_overlay_start_0:
0x88: {  	s2 =	sld [smem:$0x3FD9]  }
0x89: {  	s3 =	sld [smem:$0x3FFE];
	_ =	sdelay $0x1  }
0x8a: {  	s1 =	srdreg.scid  }
0x8b: {  	s0 =	sand.u32 $0x1, s1  }
0x8c: {  	s16 =	sshll.u32 s0, $0xA;
	s2 =	sadd.s32 s3, s2  }
0x8d: {  	s2 =	sadd.s32 s2, s16  }
0x8e: {  	[smem:$0x3FB2] =	sst s2  }
0x8f: {  	_ = 	snop  }
0x90: {  	(tm) =	ssettm $0x1  }
0x91: {  	s17 =	sld [smem:$0x3FFB];
	_ =	sdelay $0x3  }
0x92: {  	_ =	strace s17  }
0x93: {  	s2 =	sld [smem:$0x3FFC];
	_ =	sdelay $0x3  }
0x94: {  	_ =	strace s2  }
0x95: {  	s2 =	sld [smem:$0x3FFD];
	_ =	sdelay $0x3  }
0x96: {  	_ =	strace s2  }
0x97: {  	_ =	strace $0x8FFFFFFF  }
0x98: {  	s18 =	sld [smem:$0x3FDB];
	_ =	sdelay $0x1  }
0x99: {  	s19 =	simm.s32 $_scs_section_size  }
0x9a: {  	s4 =	simm.s32 $_size__tile_overlayer_lowered;
	s5 =	simm.s32 $_tile_overlayer_lowered  }
0x9b: {  	s22 =	simm.s32 $0x1BFF;
	s21 =	sshll.u32 s5, $0x1;
	s2 =	sadd.s32 s19, s18  }
0x9c: {  	s6 =	simm.s32 $0x0;
	s20 =	sshll.u32 s4, $0x1;
	s4 =	sadd.s32 s21, s2  }
0x9d: {  	[timem:s6], [sflag:s22] =	dma.local [hbm:s4], s20  }
0x9e: {  	_ =	swait.ge [sflag:s22], s20  }
0x9f: {  	s3 =	ssub.s32 $0x0, s20;
	[sflag:s22] =	ssyncset.done $0x0  }
0xa0: {  	[sflag:s22] =	ssyncadd.s32 s3;
	_ =	sdelay $0x1  }
0xa1: {  	s23 =	simm.s32 $0x1B8B  }
0xa2: {  	_ =	swait.ge [sflag:s23], $0x1  }
0xa3: {  	[sflag:s23] =	ssyncset.done $0x0  }
0xa4: {  	s25 =	simm.s32 $0x1B8E;
	s24 =	sld [smem:$0x3FFE];
	[sflag:s23] =	ssyncadd.s32 $0xFFFFFFFF  }
0xa5: {  	s26 =	simm.s32 $execute0_lowered;
	[smem:$0x3FD2] =	sst s25  }
0xa6: {  	s4 =	sshll.u32 s26, $0x1;
	_ =	strace $0x8000004C;
	[dreg:$0x1] =	wrdreg $0xFFFFFFFF  }
0xa7: {  	s28 =	simm.s32 $_size_execute0_lowered;
	s2 =	sadd.s32 s2, s4;
	[dreg:$0x0] =	wrdreg $0x0  }
0xa8: {  	s4 =	sshll.u32 s28, $0x1;
	[dreg:$0x2] =	wrdreg s2  }
0xa9: {  	[dreg:$0x3] =	wrdreg s4  }
0xaa: {  	[dreg:$0x4] =	wrdreg $0xC0  }
0xab: {  	_ =	task [dreg:s6], $0x5FFFF  }
0xac: {  	[dreg:$0x1] =	wrdreg $0xFFFFFFFF  }
0xad: {  	[dreg:$0x0] =	wrdreg $0x60  }
0xae: {  	[dreg:$0x2] =	wrdreg s24  }
0xaf: {  	[dreg:$0x3] =	wrdreg $0x0  }
0xb0: {  	[dreg:$0x4] =	wrdreg $0x9  }
0xb1: {  	_ =	task.clear_ibuf [dreg:s6], $0x5FFFF;
	_ =	strace $0x9000004C  }
0xb2: {  	s29 =	simm.s32 $0x9;
	_ =	strace $0x8000004E  }
0xb3: {  	_ =	swait.ge [sflag:s29], $0x1  }
0xb4: {  	[sflag:s29] =	ssyncadd.s32 $0xFFFFFFFF  }
0xb5: {  	_ =	strace $0x9000004E  }
0xb6: {  	_ =	sfence  }
0xb7: {  	s30 =	sld [smem:$0x0];
	_ =	sdelay $0x2  }
0xb8: {  	s31 =	sshll.u32 s1, $0xD;
	s1 =	sshrl.u32 s1, $0x2  }
0xb9: {  	s3 =	sand.u32 $0x4000, s31;
	s1 =	sadd.s32 s1, s30  }
0xba: {  	s0 =	sor.u32 s3, s0;
	s1 =	sshll.u32 s1, $0x11  }
0xbb: {  	s0 =	sor.u32 s1, s0  }
0xbc: {  	s0 =	sadd.s32 $0x8F2B, s0  }
0xbd: {  	[sflag:s0] =	ssyncadd.remote.s32 $0x1  }
0xbe: {  	_ =	sfence.sel $0xFFFF  }
0xbf: {  	[dreg:$0x0] =	wrdreg $0xFFFFFFFF;
	(pc) =	sbr.abs _section_cstart, $3  }
0xc0: {  	[dreg:$0x1] =	wrdreg $0xFFFFFFFF  }
0xc1: {  	_ =	task.clear_ibuf [dreg:s6], $0x2FFFF;
	_ =	strace $0x9FFFFFFF  }
0xc2: {  	(tm) =	ssettm $0x7FFFFFFF  }
0xc3: {  	_ =	shalt  }
tec
execute0_lowered:
.L_overlay_start_1:
0x0: {  	(tag) =	ssettag $0x1  }
0x1: {  	s0 =	rddreg [dreg:$0x0]  }
0x2: {  	s1 =	rddreg [dreg:$0x1];
	s2 =	simm.s32 $0x0;
	s6 =	srdreg.scid  }
0x3: {  	s17 =	stileid.u32;
	s19 =	simm.s32 $0x13880;
	s20 =	simm.s32 $0x16000  }
0x4: {  	s29 =	simm.s32 $0x1E100;
	s30 =	simm.s32 $0x10;
	[smem:$0x7FF] =	sst s2  }
0x5: {  	s3 =	sadd.s32 $0x4000, s0;
	s4 =	sadd.s32 $0x68400, s0;
	s5 =	sadd.s32 $0x17A00, s0  }
0x6: {  	s8 =	sand.u32 $0x1, s6;
	s9 =	smul.u32 $0x4E000, s17;
	s0 =	sadd.s32 $0x8F600, s0  }
0x7: {  	s22 =	sshll.u32 s17, $0x6;
	s24 =	smul.u32 $0x13800, s17;
	s18 =	sadd.s32 $0x138000, s1  }
0x8: {  	s13 =	smul.u32 $0x2710, s17;
	p0 =	sne.s32 s17, $0xF;
	_ =	strace $0x8000004D  }
0x9: {  	s6 =	ssub.s32 $0x2, s8;
	s7 =	sshll.u32 s8, $0x4;
	s23 =	smul.u32 $0x138800, s8  }
0xa: {  	s8 =	smul.u32 $0x27100, s8;
	s18 =	sshrl.u32 @!p0 s18, $0x3;
	s10 =	sshrl.u32 s6, $0x1  }
0xb: {  	s7 =	sor.u32 s17, s7;
	s21 =	sshrl.u32 s9, $0x2;
	s17 =	simm.s32 $0x3  }
0xc: {  	s12 =	ssub.s32 s6, s10;
	s7 =	smul.u32 $0x2710, s7;
	s16 =	sadd.s32 s21, s1  }
0xd: {  	s6 =	sor.u32 $0x1C03, s22;
	s25 =	sadd.s32 s24, s23;
	s14 =	sshrl.u32 s23, $0x3  }
0xe: {  	s8 =	sadd.s32 s13, s8;
	s21 =	simm.s32 $0x80;
	s22 =	simm.s32 $0x16100  }
0xf: {  	s23 =	simm.s32 $0x16080;
	s24 =	simm.s32 $0x1A100;
	s31 =	sadd.s32 $0x4E280, s8  }
0x10: {  	s8 =	sadd.s32 $0x4E300, s8;
	s12 =	smax.u32 s12, $0x1;
	s7 =	sshrl.u32 s7, $0x3  }
0x11: {  	s16 =	sshrl.u32 s16, $0x3;
	s8 =	sshrl.u32 s8, $0x3;
	s7 =	sadd.s32 s3, s7  }
0x12: {  	s15 =	sadd.s32 s8, s3;
	s11 =	sadd.s32 $0x9C40, s7;
	s26 =	sadd.s32 $0xA120, s7  }
0x13: {  	s13 =	sadd.s32 $0xA110, s7;
	[dreg:$0x3] =	wrdreg s11;
	s11 =	sshrl.u32 s25, $0x3  }
0x14: {  	[dreg:$0x4] =	wrdreg s26;
	s28 =	sadd.s32 s0, s11;
	s0 =	sadd.s32 s0, s14  }
0x15: {  	s25 =	simm.s32 $0x1;
	[dreg:$0x5] =	wrdreg s28;
	s0 =	sadd.s32 $0x27000, s0  }
0x16: {  	s26 =	simm.s32 $0x2;
	[dreg:$0x6] =	wrdreg s0;
	s0 =	sshrl.u32 s31, $0x3  }
0x17: {  	s14 =	sadd.s32 s0, s3;
	s0 =	simm.s32 $0x1E180;
	s3 =	simm.s32 $0x0  }
.LBB2_1:
0x18: {  	[spmem:s16], [sflag:s6] =	dma.local [hbm:s5], $0x2700  }
0x19: {  	_ =	swait.ge [sflag:s17], $0x2700  }
0x1a: {  	[sflag:s17] =	ssyncset.done $0x0  }
0x1b: {  	s8 =	simm.s32 @!p0 $0x3;
	[sflag:s17] =	ssyncadd.s32 $0xFFFFD900  }
0x1c: {  	[spmem:s18], [sflag:s6] =	dma.local @!p0 [hbm:s5], $0x100  }
0x1d: {  	_ =	swait.ge @!p0 [sflag:s8], $0x100  }
0x1e: {  	[sflag:s8] =	ssyncset.done @!p0 $0x0  }
0x1f: {  	[sflag:s8] =	ssyncadd.s32 @!p0 $0xFFFFFF00  }
0x20: {  	[tilespmem:s19], [sflag:$0x3] =	stream.linear.gather [hbm4b:s7+s2], $0x2710, $0x38;
	[tilespmem:$0x1E980] =	vst v63  }
0x21: {  	_ =	swait.ge [sflag:s17], $0x2710  }
0x22: {  	[sflag:s17] =	ssyncset.done $0x0  }
0x23: {  	[sflag:s17] =	ssyncadd.s32 $0xFFFFD8F0  }
0x24: {  	[bflag:$0x0] =	sbarrier.arrive $0xFFFF  }
0x25: {  	s10 =	rddreg [dreg:$0x3]  }
0x26: {  	[tilespmem:s20], [sflag:$0x3] =	stream.linear.gather [hbm4b:s10+s2], $0x80, $0x38;
	[tilespmem:$0x1E980] =	vst v63  }
0x27: {  	_ =	swait.ge [sflag:s17], $0x80  }
0x28: {  	[sflag:s17] =	ssyncset.done $0x0  }
0x29: {  	[sflag:s17] =	ssyncadd.s32 $0xFFFFFF80  }
0x2a: {  	[tilespmem:s22], [sflag:$0x1] =	stream.indirect.gather [hbm4b:s4+s21], $0x80, s19, s21, $0xb8;
	[tilespmem:$0x1E980] =	vst v63  }
0x2b: {  	s11 =	sadd.s32 $0x0, s14  }
0x2c: {  	[tilespmem:s23], [sflag:$0x3] =	stream.linear.gather [hbm4b:s11+s2], $0x80, $0x38;
	[tilespmem:$0x1E980] =	vst v63  }
0x2d: {  	_ =	swait.ge [sflag:s17], $0x80  }
0x2e: {  	[sflag:s17] =	ssyncset.done $0x0  }
0x2f: {  	s9 =	simm.s32 $0x13900;
	[sflag:s17] =	ssyncadd.s32 $0xFFFFFF80  }
0x30: {  	[tilespmem:s24], [sflag:$0x2] =	stream.indirect.gather [hbm4b:s4+s21], $0x80, s9, s21, $0xb8;
	[tilespmem:$0x1E980] =	vst v63  }
0x31: {  	_ =	swait.ge [sflag:s25], $0x4000  }
0x32: {  	[sflag:s25] =	ssyncset.done $0x0  }
0x33: {  	[sflag:s25] =	ssyncadd.s32 $0xFFFFC000  }
0x34: {  	[spmem:s1] =	stream.indirect.scatter.add.f32 [tilespmem:s22], [sflag:$0x3], $0x80, s20, s21, $0xb8;
	[tilespmem:$0x1E980] =	vst v63  }
0x35: {  	_ =	swait.ge [sflag:s17], $0x4000  }
0x36: {  	[sflag:s17] =	ssyncset.done $0x0  }
0x37: {  	s10 =	sadd.s32 $0x0, s15;
	[sflag:s17] =	ssyncadd.s32 $0xFFFFC000  }
0x38: {  	[tilespmem:s20], [sflag:$0x3] =	stream.linear.gather [hbm4b:s10+s2], $0x80, $0x38;
	[tilespmem:$0x1E980] =	vst v63  }
0x39: {  	_ =	swait.ge [sflag:s17], $0x80  }
0x3a: {  	[sflag:s17] =	ssyncset.done $0x0  }
0x3b: {  	s11 =	simm.s32 $0x13980;
	[sflag:s17] =	ssyncadd.s32 $0xFFFFFF80  }
0x3c: {  	[tilespmem:s22], [sflag:$0x1] =	stream.indirect.gather [hbm4b:s4+s21], $0x80, s11, s21, $0xb8;
	[tilespmem:$0x1E980] =	vst v63  }
0x3d: {  	_ =	swait.ge [sflag:s26], $0x4000  }
0x3e: {  	[sflag:s26] =	ssyncset.done $0x0  }
0x3f: {  	[sflag:s26] =	ssyncadd.s32 $0xFFFFC000  }
0x40: {  	[spmem:s1] =	stream.indirect.scatter.add.f32 [tilespmem:s24], [sflag:$0x3], $0x80, s23, s21, $0xb8;
	[tilespmem:$0x1E980] =	vst v63  }
0x41: {  	s31 =	simm.s32 $0x20;
	_ =	swait.ge [sflag:s17], $0x4000  }
0x42: {  	s28 =	simm.s32 $0x13A00;
	s8 =	simm.s32 $0x40;
	[sflag:s17] =	ssyncset.done $0x0  }
.LBB2_2:
0x43: {  	s9 =	sadd.s32 s31, s14  }
0x44: {  	[sflag:s17] =	ssyncadd.s32 $0xFFFFC000;
	s10 =	smov.u32 s8;
	s11 =	sadd.s32 $0x20, s8  }
0x45: {  	[tilespmem:s23], [sflag:$0x3] =	stream.linear.gather [hbm4b:s9+s2], $0x80, $0x38;
	[tilespmem:$0x1E980] =	vst v63  }
0x46: {  	p1 =	sne.s32 s8, $0x4A0;
	_ =	swait.ge [sflag:s17], $0x80  }
0x47: {  	[sflag:s17] =	ssyncset.done $0x0  }
0x48: {  	[sflag:s17] =	ssyncadd.s32 $0xFFFFFF80  }
0x49: {  	[tilespmem:s24], [sflag:$0x2] =	stream.indirect.gather [hbm4b:s4+s21], $0x80, s28, s21, $0xb8;
	[tilespmem:$0x1E980] =	vst v63  }
0x4a: {  	_ =	swait.ge [sflag:s25], $0x4000  }
0x4b: {  	[sflag:s25] =	ssyncset.done $0x0  }
0x4c: {  	[sflag:s25] =	ssyncadd.s32 $0xFFFFC000  }
0x4d: {  	[spmem:s1] =	stream.indirect.scatter.add.f32 [tilespmem:s22], [sflag:$0x3], $0x80, s20, s21, $0xb8;
	[tilespmem:$0x1E980] =	vst v63  }
0x4e: {  	_ =	swait.ge [sflag:s17], $0x4000  }
0x4f: {  	[sflag:s17] =	ssyncset.done $0x0  }
0x50: {  	s8 =	sadd.s32 s31, s15;
	s31 =	smov.u32 s10;
	[sflag:s17] =	ssyncadd.s32 $0xFFFFC000  }
0x51: {  	[tilespmem:s20], [sflag:$0x3] =	stream.linear.gather [hbm4b:s8+s2], $0x80, $0x38;
	[tilespmem:$0x1E980] =	vst v63  }
0x52: {  	_ =	swait.ge [sflag:s17], $0x80  }
0x53: {  	[sflag:s17] =	ssyncset.done $0x0  }
0x54: {  	s8 =	sadd.s32 $0x80, s28;
	[sflag:s17] =	ssyncadd.s32 $0xFFFFFF80  }
0x55: {  	[tilespmem:s22], [sflag:$0x1] =	stream.indirect.gather [hbm4b:s4+s21], $0x80, s8, s21, $0xb8;
	[tilespmem:$0x1E980] =	vst v63  }
0x56: {  	_ =	swait.ge [sflag:s26], $0x4000  }
.Ltmp0:
0x57: {  	[sflag:s26] =	ssyncset.done $0x0;
	(pc) =	sbr.rel @p1 .LBB2_2-.Ltmp0, $4  }
0x58: {  	[sflag:s26] =	ssyncadd.s32 $0xFFFFC000  }
0x59: {  	[spmem:s1] =	stream.indirect.scatter.add.f32 [tilespmem:s24], [sflag:$0x3], $0x80, s23, s21, $0xb8;
	[tilespmem:$0x1E980] =	vst v63  }
0x5a: {  	_ =	swait.ge [sflag:s17], $0x4000  }
0x5b: {  	s28 =	sadd.s32 $0x100, s28;
	s8 =	smov.u32 s11;
	[sflag:s17] =	ssyncset.done $0x0  }
0x5c: {  	s8 =	sadd.s32 s31, s14;
	[sflag:s17] =	ssyncadd.s32 $0xFFFFC000  }
0x5d: {  	[tilespmem:s23], [sflag:$0x3] =	stream.linear.gather [hbm4b:s8+s2], $0x80, $0x38;
	[tilespmem:$0x1E980] =	vst v63  }
0x5e: {  	_ =	swait.ge [sflag:s17], $0x80  }
0x5f: {  	[sflag:s17] =	ssyncset.done $0x0  }
0x60: {  	[sflag:s17] =	ssyncadd.s32 $0xFFFFFF80  }
0x61: {  	[tilespmem:s24], [sflag:$0x2] =	stream.indirect.gather [hbm4b:s4+s21], $0x80, s28, s21, $0xb8;
	[tilespmem:$0x1E980] =	vst v63  }
0x62: {  	_ =	swait.ge [sflag:s25], $0x4000  }
0x63: {  	[sflag:s25] =	ssyncset.done $0x0  }
0x64: {  	[sflag:s25] =	ssyncadd.s32 $0xFFFFC000  }
0x65: {  	[spmem:s1] =	stream.indirect.scatter.add.f32 [tilespmem:s22], [sflag:$0x3], $0x80, s20, s21, $0xb8;
	[tilespmem:$0x1E980] =	vst v63  }
0x66: {  	_ =	swait.ge [sflag:s17], $0x4000  }
0x67: {  	[sflag:s17] =	ssyncset.done $0x0  }
0x68: {  	s31 =	sadd.s32 s31, s15;
	[sflag:s17] =	ssyncadd.s32 $0xFFFFC000  }
0x69: {  	[tilespmem:s20], [sflag:$0x3] =	stream.linear.gather [hbm4b:s31+s2], $0x80, $0x38;
	[tilespmem:$0x1E980] =	vst v63  }
0x6a: {  	_ =	swait.ge [sflag:s17], $0x80  }
0x6b: {  	[sflag:s17] =	ssyncset.done $0x0  }
0x6c: {  	s9 =	sadd.s32 $0x80, s28;
	[sflag:s17] =	ssyncadd.s32 $0xFFFFFF80  }
0x6d: {  	[tilespmem:s22], [sflag:$0x1] =	stream.indirect.gather [hbm4b:s4+s21], $0x80, s9, s21, $0xb8;
	[tilespmem:$0x1E980] =	vst v63  }
0x6e: {  	_ =	swait.ge [sflag:s26], $0x4000  }
0x6f: {  	[sflag:s26] =	ssyncset.done $0x0  }
0x70: {  	[sflag:s26] =	ssyncadd.s32 $0xFFFFC000  }
0x71: {  	[spmem:s1] =	stream.indirect.scatter.add.f32 [tilespmem:s24], [sflag:$0x3], $0x80, s23, s21, $0xb8;
	[tilespmem:$0x1E980] =	vst v63  }
0x72: {  	_ =	swait.ge [sflag:s17], $0x4000  }
0x73: {  	[sflag:s17] =	ssyncset.done $0x0  }
0x74: {  	[sflag:s17] =	ssyncadd.s32 $0xFFFFC000  }
0x75: {  	[tilespmem:s23], [sflag:$0x3] =	stream.linear.gather [hbm4b:s13+s2], $0x80, $0x38;
	[tilespmem:$0x1E980] =	vst v63  }
0x76: {  	_ =	swait.ge [sflag:s17], $0x80  }
0x77: {  	[sflag:s17] =	ssyncset.done $0x0  }
0x78: {  	s10 =	simm.s32 $0x15F00;
	[sflag:s17] =	ssyncadd.s32 $0xFFFFFF80  }
0x79: {  	[tilespmem:s24], [sflag:$0x2] =	stream.indirect.gather [hbm4b:s4+s21], $0x80, s10, s21, $0xb8;
	[tilespmem:$0x1E980] =	vst v63  }
0x7a: {  	_ =	swait.ge [sflag:s25], $0x4000  }
0x7b: {  	[sflag:s25] =	ssyncset.done $0x0  }
0x7c: {  	[sflag:s25] =	ssyncadd.s32 $0xFFFFC000  }
0x7d: {  	[spmem:s1] =	stream.indirect.scatter.add.f32 [tilespmem:s22], [sflag:$0x3], $0x80, s20, s21, $0xb8;
	[tilespmem:$0x1E980] =	vst v63  }
0x7e: {  	_ =	swait.ge [sflag:s17], $0x4000  }
0x7f: {  	[sflag:s17] =	ssyncset.done $0x0  }
0x80: {  	[sflag:s17] =	ssyncadd.s32 $0xFFFFC000  }
0x81: {  	_ =	swait.ge [sflag:s26], $0x4000  }
0x82: {  	[sflag:s26] =	ssyncset.done $0x0  }
0x83: {  	[sflag:s26] =	ssyncadd.s32 $0xFFFFC000  }
0x84: {  	[spmem:s1] =	stream.indirect.scatter.add.f32 [tilespmem:s24], [sflag:$0x3], $0x80, s23, s21, $0xb8;
	[tilespmem:$0x1E980] =	vst v63  }
0x85: {  	_ =	swait.ge [sflag:s17], $0x4000  }
0x86: {  	[sflag:s17] =	ssyncset.done $0x0  }
0x87: {  	s11 =	rddreg [dreg:$0x4];
	[sflag:s17] =	ssyncadd.s32 $0xFFFFC000  }
0x88: {  	[tilespmem:s29], [sflag:$0x3] =	stream.linear.gather [hbm4b:s11+s2], $0x10, $0x38;
	[tilespmem:$0x1E980] =	vst v63  }
0x89: {  	_ =	swait.ge [sflag:s17], $0x10  }
0x8a: {  	[sflag:s17] =	ssyncset.done $0x0  }
0x8b: {  	s28 =	simm.s32 $0x15F80;
	[sflag:s17] =	ssyncadd.s32 $0xFFFFFFF0  }
0x8c: {  	[tilespmem:s0], [sflag:$0x1] =	stream.indirect.gather [hbm4b:s4+s30], $0x80, s28, s30, $0xb8;
	[tilespmem:$0x1E980] =	vst v63  }
0x8d: {  	_ =	swait.ge [sflag:s25], $0x800  }
0x8e: {  	[sflag:s25] =	ssyncset.done $0x0  }
0x8f: {  	[sflag:s25] =	ssyncadd.s32 $0xFFFFF800  }
0x90: {  	[spmem:s1] =	stream.indirect.scatter.add.f32 [tilespmem:s0], [sflag:$0x3], $0x80, s29, s30, $0xb8;
	[tilespmem:$0x1E980] =	vst v63  }
0x91: {  	_ =	swait.ge [sflag:s17], $0x800  }
0x92: {  	[sflag:s17] =	ssyncset.done $0x0  }
0x93: {  	[sflag:s17] =	ssyncadd.s32 $0xFFFFF800  }
0x94: {  	[bflag:$0x0] =	sbarrier.arrive $0xFFFF  }
0x95: {  	s31 =	rddreg [dreg:$0x5]  }
0x96: {  	[hbm:s31], [sflag:s6] =	dma.local [spmem:s16], $0x2700  }
0x97: {  	_ =	swait.ge [sflag:s17], $0x2700  }
0x98: {  	s3 =	sadd.s32 $0x1, s3;
	[sflag:s17] =	ssyncset.done $0x0  }
0x99: {  	p1 =	sne.s32 s3, s12;
	s8 =	rddreg [dreg:$0x6];
	[sflag:s17] =	ssyncadd.s32 $0xFFFFD900  }
0x9a: {  	[hbm:s8], [sflag:s6] =	dma.local @!p0 [spmem:s18], $0x100  }
.Ltmp1:
0x9b: {  	_ = 	snop;
	(pc) =	sbr.rel @p1 .LBB2_1-.Ltmp1, $4  }
0x9c: {  	s8 =	simm.s32 @!p0 $0x3  }
0x9d: {  	_ =	swait.ge @!p0 [sflag:s8], $0x100  }
0x9e: {  	[sflag:s8] =	ssyncset.done @!p0 $0x0  }
0x9f: {  	[sflag:s8] =	ssyncadd.s32 @!p0 $0xFFFFFF00  }
0xa0: {  	_ =	sfence.sel $0x180000  }
0xa1: {  	[bflag:$0x0] =	sbarrier.arrive $0xFFFF  }
0xa2: {  	_ =	strace $0x9000004D  }
0xa3: {  	s0 =	stileid.u32;
	[bflag:$0x2] =	sbarrier.arrive $0xFFFF  }
0xa4: {  	p0 =	sne.s32 s0, $0x0;
	s0 =	rddreg [dreg:$0x2]  }
0xa5: {  	s0 =	sadd.s32 @!p0 $0x100000, s0  }
0xa6: {  	[sflag:s0] =	ssyncadd.tile.s32 @!p0 $0x1;
	_ =	shalt  }
.Lfunc_end2:
_tile_overlayer_lowered:
.L_overlay_start_2:
0xa7: {  	(tag) =	ssettag $0x2  }
0xa8: {  	s0 =	rddreg [dreg:$0x0];
	s2 =	stileid.u32  }
0xa9: {  	s1 =	rddreg [dreg:$0x1];
	p0 =	sne.s32 s2, $0x0  }
0xaa: {  	s3 =	rddreg [dreg:$0x2];
	[bflag:$0x3] =	sbarrier.arrive $0xFFFF;
	s2 =	simm.s32 @!p0 $0x1C03  }
0xab: {  	[timem:s3], [sflag:s2] =	dma.local @!p0 [hbm:s0], s1  }
0xac: {  	s0 =	simm.s32 @!p0 $0x3  }
0xad: {  	_ =	swait.ge @!p0 [sflag:s0], s1  }
0xae: {  	s1 =	ssub.s32 @!p0 $0x0, s1;
	[sflag:s0] =	ssyncset.done @!p0 $0x0  }
0xaf: {  	[sflag:s0] =	ssyncadd.s32 @!p0 s1  }
0xb0: {  	[bflag:$0x3] =	sbarrier.arrive $0xFFFF  }
0xb1: {  	_ =	shalt  }

// kernel: kernel.18.cloned.1.call-start
scs
__scs_entry_jumppad:
0x0: {  	(pc) =	sbr.rel $0x88, $3  }
0x1: {  	(tag) =	ssettag $0x0;
	lr =	simm.s32 $0x1  }
0x2: {  	[smem:$0x3F8B] =	sst lr;
	_ =	strace $0xD0000000  }
0x3: {  	_ = 	snop  }
0x4: {  	_ = 	snop  }
0x5: {  	_ = 	snop  }
0x6: {  	_ = 	snop  }
0x7: {  	_ = 	snop  }
__scs_overlays_trampoline_lowered:
0x8: {  	[smem:$0x3F9A] =	sst s0  }
0x9: {  	[smem:$0x3F9B] =	sst s1  }
0xa: {  	[smem:$0x3F9C] =	sst s2  }
0xb: {  	[smem:$0x3F9D] =	sst s3  }
0xc: {  	[smem:$0x3F9E] =	sst s4  }
0xd: {  	[smem:$0x3F9F] =	sst s5  }
0xe: {  	[smem:$0x3FA0] =	sst s6  }
0xf: {  	[smem:$0x3FA1] =	sst s7  }
0x10: {  	[smem:$0x3FA2] =	sst s8  }
0x11: {  	[smem:$0x3FA3] =	sst s9;
	s0 =	simm.s32 @!p0 $0x0  }
0x12: {  	s1 =	sld [smem:$0x3F89];
	s0 =	simm.s32 @p0 $0x1  }
0x13: {  	[smem:$0x3FA4] =	sst s0;
	s0 =	simm.s32 @!p1 $0x0  }
0x14: {  	s2 =	sld [smem:$0x3F88];
	s0 =	simm.s32 @p1 $0x1  }
0x15: {  	[smem:$0x3FA5] =	sst s0;
	s0 =	simm.s32 @!p2 $0x0  }
0x16: {  	s3 =	sld [smem:$0x3FDB];
	s0 =	simm.s32 @p2 $0x1  }
0x17: {  	s4 =	simm.s32 $0x1BF5;
	[smem:$0x3FA7] =	sst s0  }
0x18: {  	s0 =	sld [smem:$0x3F8A];
	_ =	swait.ge [sflag:s4], $0x0  }
0x19: {  	s7 =	sld [smem:$0x3F8B]  }
0x1a: {  	s8 =	sadd.s32 $0xFFFFE003, lr  }
0x1b: {  	s9 =	sadd.s32 $0xFFFFFEF7, lr;
	s5 =	simm.s32 $0xFFFFFFFF;
	p2 =	slt.u32 s8, $0xFFFFF086  }
0x1c: {  	p1 =	slt.u32 s9, $0xF7A;
	s5 =	simm.s32 @!p2 $0x0  }
0x1d: {  	s5 =	simm.s32 @p1 $0x1;
	p0 =	seq.s32 s7, s2  }
0x1e: {  	s7 =	smul.u32 @!p0 $0xF7A, s2;
	p2 =	seq.s32 @!p0 s5, $0x0  }
0x1f: {  	s9 =	smul.u32 $0xF7A, s1;
	s8 =	simm.s32 @!p0 $0x1BF5;
	p2 =	por !p2, p0  }
0x20: {  	[sflag:s8] =	ssyncset.s32 @!p0 $0xFFFFF086;
	s6 =	sadd.s32 @!p0 s3, s7;
	s7 =	simm.s32 @!p0 $0x108  }
0x21: {  	s3 =	sadd.s32 s3, s9;
	s6 =	sadd.s32 @!p0 $0x88, s6;
	s7 =	simm.s32 @p2 $0x1082  }
0x22: {  	[simem:s7], [sflag:s8] =	dma.local @!p0 [hbm:s6], $0xF7A  }
0x23: {  	s9 =	sor.u32 $0xD0000000, s2;
	s6 =	simm.s32 $0x108;
	_ =	swait.ge @!p0 [sflag:s8], $0x0  }
0x24: {  	s3 =	sadd.s32 $0x88, s3;
	s6 =	simm.s32 @!p1 $0x1082;
	[sflag:s4] =	ssyncset.s32 $0xFFFFF086  }
0x25: {  	[simem:s6], [sflag:s4] =	dma.local [hbm:s3], $0xF7A  }
0x26: {  	[smem:$0x3F8B] =	sst s1;
	(tag) =	ssettag s2;
	_ =	strace s9  }
0x27: {  	s1 =	sld [smem:$0x3F9B]  }
0x28: {  	s2 =	sld [smem:$0x3F9C]  }
0x29: {  	s4 =	sld [smem:$0x3F9E]  }
0x2a: {  	p0 =	seq.s32 s5, $0x0;
	s5 =	sld [smem:$0x3F9F]  }
0x2b: {  	s6 =	sld [smem:$0x3FA0]  }
0x2c: {  	s7 =	sld [smem:$0x3FA1]  }
0x2d: {  	s3 =	simm.s32 $0x108;
	s8 =	sld [smem:$0x3FA2]  }
0x2e: {  	s3 =	simm.s32 @!p0 $0x1082;
	s9 =	sld [smem:$0x3FA3]  }
0x2f: {  	lr =	sadd.s32 s0, s3;
	s0 =	sld [smem:$0x3F9A]  }
0x30: {  	s3 =	sld [smem:$0x3F9D]  }
0x31: {  	[smem:$0x3FA6] =	sst s10  }
0x32: {  	s10 =	sld [smem:$0x3FA4];
	_ =	sdelay $0x3  }
0x33: {  	p0 =	seq.s32 s10, $0x1;
	s10 =	sld [smem:$0x3FA6];
	_ =	sdelay $0x3  }
0x34: {  	[smem:$0x3FA6] =	sst s10  }
0x35: {  	s10 =	sld [smem:$0x3FA5];
	_ =	sdelay $0x3  }
0x36: {  	p1 =	seq.s32 s10, $0x1;
	s10 =	sld [smem:$0x3FA6];
	_ =	sdelay $0x3  }
0x37: {  	[smem:$0x3FA6] =	sst s10  }
0x38: {  	s10 =	sld [smem:$0x3FA7]  }
0x39: {  	_ = 	snop;
	(pc) =	sbr.ind lr, $3  }
0x3a: {  	_ = 	snop  }
0x3b: {  	_ = 	snop  }
0x3c: {  	p2 =	seq.s32 s10, $0x1;
	s10 =	sld [smem:$0x3FA6]  }
0x3d: {  	_ =	shalt  }
0x3e: {  	_ =	shalt  }
0x3f: {  	_ =	shalt  }
0x40: {  	_ =	shalt  }
0x41: {  	_ =	shalt  }
0x42: {  	_ =	shalt  }
0x43: {  	_ =	shalt  }
0x44: {  	_ =	shalt  }
0x45: {  	_ =	shalt  }
0x46: {  	_ =	shalt  }
0x47: {  	_ =	shalt  }
0x48: {  	_ =	shalt  }
0x49: {  	_ =	shalt  }
0x4a: {  	_ =	shalt  }
0x4b: {  	_ =	shalt  }
0x4c: {  	_ =	shalt  }
0x4d: {  	_ =	shalt  }
0x4e: {  	_ =	shalt  }
0x4f: {  	_ =	shalt  }
0x50: {  	_ =	shalt  }
0x51: {  	_ =	shalt  }
0x52: {  	_ =	shalt  }
0x53: {  	_ =	shalt  }
0x54: {  	_ =	shalt  }
0x55: {  	_ =	shalt  }
0x56: {  	_ =	shalt  }
0x57: {  	_ =	shalt  }
0x58: {  	_ =	shalt  }
0x59: {  	_ =	shalt  }
0x5a: {  	_ =	shalt  }
0x5b: {  	_ =	shalt  }
0x5c: {  	_ =	shalt  }
0x5d: {  	_ =	shalt  }
0x5e: {  	_ =	shalt  }
0x5f: {  	_ =	shalt  }
0x60: {  	_ =	shalt  }
0x61: {  	_ =	shalt  }
0x62: {  	_ =	shalt  }
0x63: {  	_ =	shalt  }
0x64: {  	_ =	shalt  }
0x65: {  	_ =	shalt  }
0x66: {  	_ =	shalt  }
0x67: {  	_ =	shalt  }
0x68: {  	_ =	shalt  }
0x69: {  	_ =	shalt  }
0x6a: {  	_ =	shalt  }
0x6b: {  	_ =	shalt  }
0x6c: {  	_ =	shalt  }
0x6d: {  	_ =	shalt  }
0x6e: {  	_ =	shalt  }
0x6f: {  	_ =	shalt  }
0x70: {  	_ =	shalt  }
0x71: {  	_ =	shalt  }
0x72: {  	_ =	shalt  }
0x73: {  	_ =	shalt  }
0x74: {  	_ =	shalt  }
0x75: {  	_ =	shalt  }
0x76: {  	_ =	shalt  }
0x77: {  	_ =	shalt  }
0x78: {  	_ =	shalt  }
0x79: {  	_ =	shalt  }
0x7a: {  	_ =	shalt  }
0x7b: {  	_ =	shalt  }
0x7c: {  	_ =	shalt  }
0x7d: {  	_ =	shalt  }
0x7e: {  	_ =	shalt  }
0x7f: {  	_ =	shalt  }
0x80: {  	_ =	shalt  }
0x81: {  	_ =	shalt  }
0x82: {  	_ =	shalt  }
0x83: {  	_ =	shalt  }
0x84: {  	_ =	shalt  }
0x85: {  	_ =	shalt  }
0x86: {  	_ =	shalt  }
0x87: {  	_ =	shalt  }
.Lfunc_end0:
.L_simem_size_0:
called_computation.3_lowered:
.L_overlay_start_0:
0x88: {  	s2 =	sld [smem:$0x3FD9]  }
0x89: {  	s3 =	sld [smem:$0x3FFE];
	_ =	sdelay $0x1  }
0x8a: {  	s1 =	srdreg.scid  }
0x8b: {  	s0 =	sand.u32 $0x1, s1  }
0x8c: {  	s16 =	sshll.u32 s0, $0xA;
	s2 =	sadd.s32 s3, s2  }
0x8d: {  	s2 =	sadd.s32 s2, s16  }
0x8e: {  	[smem:$0x3FB2] =	sst s2  }
0x8f: {  	_ = 	snop  }
0x90: {  	(tm) =	ssettm $0x1  }
0x91: {  	s17 =	sld [smem:$0x3FFB];
	_ =	sdelay $0x3  }
0x92: {  	_ =	strace s17  }
0x93: {  	s2 =	sld [smem:$0x3FFC];
	_ =	sdelay $0x3  }
0x94: {  	_ =	strace s2  }
0x95: {  	s2 =	sld [smem:$0x3FFD];
	_ =	sdelay $0x3  }
0x96: {  	_ =	strace s2  }
0x97: {  	_ =	strace $0x8FFFFFFF  }
0x98: {  	s18 =	sld [smem:$0x3FDB];
	_ =	sdelay $0x1  }
0x99: {  	s19 =	simm.s32 $_scs_section_size  }
0x9a: {  	s4 =	simm.s32 $_size__tile_overlayer_lowered;
	s5 =	simm.s32 $_tile_overlayer_lowered  }
0x9b: {  	s22 =	simm.s32 $0x1BFF;
	s21 =	sshll.u32 s5, $0x1;
	s2 =	sadd.s32 s19, s18  }
0x9c: {  	s6 =	simm.s32 $0x0;
	s20 =	sshll.u32 s4, $0x1;
	s4 =	sadd.s32 s21, s2  }
0x9d: {  	[timem:s6], [sflag:s22] =	dma.local [hbm:s4], s20  }
0x9e: {  	_ =	swait.ge [sflag:s22], s20  }
0x9f: {  	s3 =	ssub.s32 $0x0, s20;
	[sflag:s22] =	ssyncset.done $0x0  }
0xa0: {  	[sflag:s22] =	ssyncadd.s32 s3;
	_ =	sdelay $0x1  }
0xa1: {  	s23 =	simm.s32 $0x1B8B  }
0xa2: {  	_ =	swait.ge [sflag:s23], $0x1  }
0xa3: {  	[sflag:s23] =	ssyncset.done $0x0  }
0xa4: {  	s25 =	simm.s32 $0x1B8E;
	s24 =	sld [smem:$0x3FFE];
	[sflag:s23] =	ssyncadd.s32 $0xFFFFFFFF  }
0xa5: {  	s26 =	simm.s32 $execute0_lowered;
	[smem:$0x3FD2] =	sst s25  }
0xa6: {  	s4 =	sshll.u32 s26, $0x1;
	_ =	strace $0x8000004F;
	[dreg:$0x1] =	wrdreg $0xFFFFFFFF  }
0xa7: {  	s28 =	simm.s32 $_size_execute0_lowered;
	s2 =	sadd.s32 s2, s4;
	[dreg:$0x0] =	wrdreg $0x0  }
0xa8: {  	s4 =	sshll.u32 s28, $0x1;
	[dreg:$0x2] =	wrdreg s2  }
0xa9: {  	[dreg:$0x3] =	wrdreg s4  }
0xaa: {  	[dreg:$0x4] =	wrdreg $0xC0  }
0xab: {  	_ =	task [dreg:s6], $0x5FFFF  }
0xac: {  	[dreg:$0x1] =	wrdreg $0xFFFFFFFF  }
0xad: {  	[dreg:$0x0] =	wrdreg $0x60  }
0xae: {  	[dreg:$0x2] =	wrdreg s24  }
0xaf: {  	[dreg:$0x3] =	wrdreg $0x0  }
0xb0: {  	[dreg:$0x4] =	wrdreg $0x10000  }
0xb1: {  	[dreg:$0x5] =	wrdreg $0x9  }
0xb2: {  	_ =	task.clear_ibuf [dreg:s6], $0x6FFFF;
	_ =	strace $0x9000004F  }
0xb3: {  	s29 =	simm.s32 $0x9;
	_ =	strace $0x80000051  }
0xb4: {  	_ =	swait.ge [sflag:s29], $0x1  }
0xb5: {  	[sflag:s29] =	ssyncadd.s32 $0xFFFFFFFF  }
0xb6: {  	_ =	strace $0x90000051  }
0xb7: {  	_ =	sfence  }
0xb8: {  	s30 =	sld [smem:$0x0];
	_ =	sdelay $0x2  }
0xb9: {  	s31 =	sshll.u32 s1, $0xD;
	s1 =	sshrl.u32 s1, $0x2  }
0xba: {  	s3 =	sand.u32 $0x4000, s31;
	s1 =	sadd.s32 s1, s30  }
0xbb: {  	s0 =	sor.u32 s3, s0;
	s1 =	sshll.u32 s1, $0x11  }
0xbc: {  	s0 =	sor.u32 s1, s0  }
0xbd: {  	s0 =	sadd.s32 $0x8F2B, s0  }
0xbe: {  	[sflag:s0] =	ssyncadd.remote.s32 $0x1  }
0xbf: {  	_ =	sfence.sel $0xFFFF  }
0xc0: {  	[dreg:$0x0] =	wrdreg $0xFFFFFFFF;
	(pc) =	sbr.abs _section_cstart, $3  }
0xc1: {  	[dreg:$0x1] =	wrdreg $0xFFFFFFFF  }
0xc2: {  	_ =	task.clear_ibuf [dreg:s6], $0x2FFFF;
	_ =	strace $0x9FFFFFFF  }
0xc3: {  	(tm) =	ssettm $0x7FFFFFFF  }
tec
execute0_lowered:
.L_overlay_start_1:
0x0: {  	(tag) =	ssettag $0x1  }
0x1: {  	s0 =	rddreg [dreg:$0x0]  }
0x2: {  	s1 =	rddreg [dreg:$0x1]  }
0x3: {  	s2 =	rddreg [dreg:$0x2];
	s3 =	simm.s32 $0x0;
	s4 =	srdreg.scid  }
0x4: {  	s8 =	stileid.u32;
	[smem:$0x7FF] =	sst s3  }
0x5: {  	s22 =	sadd.s32 $0x1A200, s0;
	s26 =	sadd.s32 $0xDD800, s0;
	s5 =	sadd.s32 $0x17A00, s0  }
0x6: {  	s6 =	sadd.s32 $0x4000, s0;
	s4 =	sand.u32 $0x1, s4;
	s21 =	sshll.u32 s8, $0xC  }
0x7: {  	_ =	strace $0x80000050;
	[dreg:$0x4] =	wrdreg s6;
	s16 =	sshll.u32 s4, $0x4  }
0x8: {  	s7 =	sadd.s32 s21, s1;
	s17 =	sadd.s32 s21, s2;
	s23 =	sor.u32 s8, s16  }
0x9: {  	s8 =	sshll.u32 s8, $0x6;
	[dreg:$0x5] =	wrdreg s17;
	s18 =	sshll.u32 s23, $0xB  }
0xa: {  	s9 =	sshll.u32 s23, $0x4;
	s13 =	sor.u32 $0x20, s23;
	s6 =	sadd.s32 s22, s18  }
0xb: {  	s9 =	sadd.s32 s26, s9;
	s10 =	sshll.u32 s13, $0xB;
	[dreg:$0x6] =	wrdreg s6  }
0xc: {  	s6 =	sor.u32 $0x1C01, s8;
	[dreg:$0x7] =	wrdreg s9;
	s19 =	sadd.s32 s22, s10  }
0xd: {  	s8 =	sshrl.u32 s7, $0x3;
	s7 =	simm.s32 $0x1;
	[dreg:$0x8] =	wrdreg s19  }
0xe: {  	[spmem:s8], [sflag:s6] =	dma.local [hbm:s5], $0x200  }
0xf: {  	_ =	swait.ge [sflag:s7], $0x200  }
0x10: {  	s20 =	rddreg [dreg:$0x5]  }
0x11: {  	[sflag:s7] =	ssyncset.done $0x0;
	s9 =	sshrl.u32 s20, $0x3  }
0x12: {  	[sflag:s7] =	ssyncadd.s32 $0xFFFFFE00;
	[dreg:$0x9] =	wrdreg s9  }
0x13: {  	[spmem:s9], [sflag:s6] =	dma.local [hbm:s5], $0x200  }
0x14: {  	_ =	swait.ge [sflag:s7], $0x200  }
0x15: {  	[sflag:s7] =	ssyncset.done $0x0  }
0x16: {  	s9 =	simm.s32 $0x6900;
	s24 =	rddreg [dreg:$0x4];
	[sflag:s7] =	ssyncadd.s32 $0xFFFFFE00  }
0x17: {  	[tilespmem:s9], [sflag:$0x1] =	stream.linear.gather [hbm4b:s24+s3], $0x4000, $0x38;
	[tilespmem:$0xA900] =	vst v63  }
0x18: {  	_ =	swait.ge [sflag:s7], $0x4000  }
0x19: {  	[sflag:s7] =	ssyncset.done $0x0  }
0x1a: {  	[sflag:s7] =	ssyncadd.s32 $0xFFFFC000  }
0x1b: {  	[bflag:$0x0] =	sbarrier.arrive $0xFFFF  }
0x1c: {  	s10 =	simm.s32 $0x2000;
	s11 =	rddreg [dreg:$0x6]  }
0x1d: {  	[tilespmem:s10], [sflag:$0x1] =	stream.linear.gather [hbm4b:s11+s3], $0x4000, $0x38;
	[tilespmem:$0xA900] =	vst v63  }
0x1e: {  	_ =	swait.ge [sflag:s7], $0x4000  }
0x1f: {  	[sflag:s7] =	ssyncset.done $0x0  }
0x20: {  	s11 =	simm.s32 $0x6000;
	s12 =	rddreg [dreg:$0x7];
	[sflag:s7] =	ssyncadd.s32 $0xFFFFC000  }
0x21: {  	[tilespmem:s11], [sflag:$0x1] =	stream.linear.gather [hbm4b:s12+s3], $0x80, $0x38;
	[tilespmem:$0xA900] =	vst v63  }
0x22: {  	_ =	swait.ge [sflag:s7], $0x80  }
0x23: {  	[sflag:s7] =	ssyncset.done $0x0  }
0x24: {  	s12 =	simm.s32 $0x80;
	[sflag:s7] =	ssyncadd.s32 $0xFFFFFF80  }
0x25: {  	[spmem:s1] =	stream.indirect.scatter.add.f32 [tilespmem:s10], [sflag:$0x1], $0x80, s11, s12, $0xb8;
	[tilespmem:$0xA900] =	vst v63  }
0x26: {  	_ =	swait.ge [sflag:s7], $0x4000  }
0x27: {  	[sflag:s7] =	ssyncset.done $0x0  }
0x28: {  	[sflag:s7] =	ssyncadd.s32 $0xFFFFC000  }
0x29: {  	[spmem:s2] =	stream.indirect.scatter.add.f32 [tilespmem:s9], [sflag:$0x1], $0x80, s11, s12, $0xb8;
	[tilespmem:$0xA900] =	vst v63  }
0x2a: {  	_ =	swait.ge [sflag:s7], $0x4000  }
0x2b: {  	[sflag:s7] =	ssyncset.done $0x0  }
0x2c: {  	s14 =	rddreg [dreg:$0x8];
	[sflag:s7] =	ssyncadd.s32 $0xFFFFC000  }
0x2d: {  	[tilespmem:s10], [sflag:$0x1] =	stream.linear.gather [hbm4b:s14+s3], $0x4000, $0x38;
	[tilespmem:$0xA900] =	vst v63  }
0x2e: {  	_ =	swait.ge [sflag:s7], $0x4000  }
0x2f: {  	s13 =	sshll.u32 s13, $0x4;
	[sflag:s7] =	ssyncset.done $0x0  }
0x30: {  	s13 =	sadd.s32 s26, s13;
	[sflag:s7] =	ssyncadd.s32 $0xFFFFC000  }
0x31: {  	[tilespmem:s11], [sflag:$0x1] =	stream.linear.gather [hbm4b:s13+s3], $0x80, $0x38;
	[tilespmem:$0xA900] =	vst v63  }
0x32: {  	_ =	swait.ge [sflag:s7], $0x80  }
0x33: {  	[sflag:s7] =	ssyncset.done $0x0  }
0x34: {  	[sflag:s7] =	ssyncadd.s32 $0xFFFFFF80  }
0x35: {  	[spmem:s1] =	stream.indirect.scatter.add.f32 [tilespmem:s10], [sflag:$0x1], $0x80, s11, s12, $0xb8;
	[tilespmem:$0xA900] =	vst v63  }
0x36: {  	_ =	swait.ge [sflag:s7], $0x4000  }
0x37: {  	p0 =	sgt.u32 s23, $0xD;
	[sflag:s7] =	ssyncset.done $0x0  }
0x38: {  	p1 =	sne.s32 @p0 s23, $0x1F;
	[sflag:s7] =	ssyncadd.s32 $0xFFFFC000  }
0x39: {  	[spmem:s2] =	stream.indirect.scatter.add.f32 [tilespmem:s9], [sflag:$0x1], $0x80, s11, s12, $0xb8;
	[tilespmem:$0xA900] =	vst v63  }
0x3a: {  	p1 =	por p1, !p0;
	_ =	swait.ge [sflag:s7], $0x4000  }
0x3b: {  	s15 =	simm.s32 @!p1 $0x1;
	s16 =	simm.s32 @!p1 $0x0;
	[sflag:s7] =	ssyncset.done $0x0  }
0x3c: {  	s17 =	simm.s32 @!p1 $0x6080;
	s14 =	sadd.s32 $0x41200, s0;
	[sflag:s7] =	ssyncadd.s32 $0xFFFFC000  }
0x3d: {  	[tilespmem:s17], [sflag:$0x1] =	stream.linear.gather @!p1 [hbm4b:s14+s16], $0x800, $0x38;
	[tilespmem:$0xA900] =	vst v63  }
0x3e: {  	_ =	swait.ge @!p1 [sflag:s15], $0x800  }
0x3f: {  	[sflag:s15] =	ssyncset.done @!p1 $0x0  }
0x40: {  	s18 =	sadd.s32 $0xDDCE0, s0;
	s19 =	simm.s32 @!p1 $0x6880;
	[sflag:s15] =	ssyncadd.s32 @!p1 $0xFFFFF800  }
0x41: {  	[tilespmem:s19], [sflag:$0x1] =	stream.linear.gather @!p1 [hbm4b:s18+s16], $0x10, $0x38;
	[tilespmem:$0xA900] =	vst v63  }
0x42: {  	_ =	swait.ge @!p1 [sflag:s15], $0x10  }
0x43: {  	[sflag:s15] =	ssyncset.done @!p1 $0x0  }
0x44: {  	s20 =	simm.s32 @!p1 $0x10;
	[sflag:s15] =	ssyncadd.s32 @!p1 $0xFFFFFFF0  }
0x45: {  	[spmem:s1] =	stream.indirect.scatter.add.f32 @!p1 [tilespmem:s17], [sflag:$0x1], $0x80, s19, s20, $0xb8;
	[tilespmem:$0xA900] =	vst v63  }
0x46: {  	_ =	swait.ge @!p1 [sflag:s15], $0x800  }
0x47: {  	[sflag:s15] =	ssyncset.done @!p1 $0x0  }
0x48: {  	s28 =	sor.u32 $0x40, s23;
	s23 =	simm.s32 @!p1 $0x6900;
	[sflag:s15] =	ssyncadd.s32 @!p1 $0xFFFFF800  }
0x49: {  	[spmem:s2] =	stream.indirect.scatter.add.f32 @!p1 [tilespmem:s23], [sflag:$0x1], $0x80, s19, s20, $0xb8;
	[tilespmem:$0xA900] =	vst v63  }
0x4a: {  	s25 =	sshll.u32 s28, $0xB;
	_ =	swait.ge @!p1 [sflag:s15], $0x800  }
0x4b: {  	s22 =	sadd.s32 s22, s25;
	s25 =	simm.s32 @!p0 $0x1;
	[sflag:s15] =	ssyncset.done @!p1 $0x0  }
0x4c: {  	s24 =	simm.s32 @!p0 $0x2000;
	s23 =	simm.s32 @!p0 $0x0;
	[sflag:s15] =	ssyncadd.s32 @!p1 $0xFFFFF800  }
0x4d: {  	[tilespmem:s24], [sflag:$0x1] =	stream.linear.gather @!p0 [hbm4b:s22+s23], $0x4000, $0x38;
	[tilespmem:$0xA900] =	vst v63  }
0x4e: {  	_ =	swait.ge @!p0 [sflag:s25], $0x4000  }
0x4f: {  	s28 =	sshll.u32 s28, $0x4;
	[sflag:s25] =	ssyncset.done @!p0 $0x0  }
0x50: {  	s26 =	sadd.s32 s26, s28;
	s28 =	simm.s32 @!p0 $0x6000;
	[sflag:s25] =	ssyncadd.s32 @!p0 $0xFFFFC000  }
0x51: {  	[tilespmem:s28], [sflag:$0x1] =	stream.linear.gather @!p0 [hbm4b:s26+s23], $0x80, $0x38;
	[tilespmem:$0xA900] =	vst v63  }
0x52: {  	_ =	swait.ge @!p0 [sflag:s25], $0x80  }
0x53: {  	[sflag:s25] =	ssyncset.done @!p0 $0x0  }
0x54: {  	s29 =	simm.s32 @!p0 $0x80;
	[sflag:s25] =	ssyncadd.s32 @!p0 $0xFFFFFF80  }
0x55: {  	[spmem:s1] =	stream.indirect.scatter.add.f32 @!p0 [tilespmem:s24], [sflag:$0x1], $0x80, s28, s29, $0xb8;
	[tilespmem:$0xA900] =	vst v63  }
0x56: {  	_ =	swait.ge @!p0 [sflag:s25], $0x4000  }
0x57: {  	s31 =	sshll.u32 s4, $0x10;
	[sflag:s25] =	ssyncset.done @!p0 $0x0  }
0x58: {  	s4 =	ssub.s32 $0x2, s4;
	s30 =	simm.s32 @!p0 $0x6900;
	[sflag:s25] =	ssyncadd.s32 @!p0 $0xFFFFC000  }
0x59: {  	[spmem:s2] =	stream.indirect.scatter.add.f32 @!p0 [tilespmem:s30], [sflag:$0x1], $0x80, s28, s29, $0xb8;
	[tilespmem:$0xA900] =	vst v63  }
0x5a: {  	s21 =	sor.u32 s21, s31;
	s30 =	sshrl.u32 s4, $0x1;
	_ =	swait.ge @!p0 [sflag:s25], $0x4000  }
0x5b: {  	s21 =	sshrl.u32 s21, $0x3;
	s4 =	ssub.s32 s4, s30;
	[sflag:s25] =	ssyncset.done @!p0 $0x0  }
0x5c: {  	s0 =	sadd.s32 s21, s0;
	s4 =	smax.u32 s4, $0x1;
	[sflag:s25] =	ssyncadd.s32 @!p0 $0xFFFFC000  }
0x5d: {  	s31 =	sadd.s32 $0x4800, s0;
	s4 =	sadd.s32 $0xFFFFFFFF, s4;
	[bflag:$0x0] =	sbarrier.arrive $0xFFFF  }
0x5e: {  	[hbm:s31], [sflag:s6] =	dma.local [spmem:s8], $0x200  }
0x5f: {  	p2 =	sne.s32 s4, $0x0;
	_ =	swait.ge [sflag:s7], $0x200  }
.Ltmp0:
0x60: {  	[sflag:s7] =	ssyncset.done $0x0;
	(pc) =	sbr.rel @!p2 .LBB2_2-.Ltmp0, $4  }
0x61: {  	s0 =	sadd.s32 $0x8800, s0;
	s30 =	rddreg [dreg:$0x9];
	[sflag:s7] =	ssyncadd.s32 $0xFFFFFE00  }
0x62: {  	[hbm:s0], [sflag:s6] =	dma.local [spmem:s30], $0x200  }
0x63: {  	_ =	swait.ge [sflag:s7], $0x200  }
0x64: {  	[sflag:s7] =	ssyncset.done $0x0  }
.LBB2_1:
0x65: {  	[sflag:s7] =	ssyncadd.s32 $0xFFFFFE00  }
0x66: {  	[spmem:s8], [sflag:s6] =	dma.local [hbm:s5], $0x200  }
0x67: {  	_ =	swait.ge [sflag:s7], $0x200  }
0x68: {  	[sflag:s7] =	ssyncset.done $0x0;
	s21 =	rddreg [dreg:$0x5]  }
0x69: {  	[sflag:s7] =	ssyncadd.s32 $0xFFFFFE00;
	s21 =	sshrl.u32 s21, $0x3  }
0x6a: {  	[spmem:s21], [sflag:s6] =	dma.local [hbm:s5], $0x200  }
0x6b: {  	_ =	swait.ge [sflag:s7], $0x200  }
0x6c: {  	[sflag:s7] =	ssyncset.done $0x0  }
0x6d: {  	s30 =	rddreg [dreg:$0x4];
	[sflag:s7] =	ssyncadd.s32 $0xFFFFFE00  }
0x6e: {  	[tilespmem:s9], [sflag:$0x1] =	stream.linear.gather [hbm4b:s30+s3], $0x4000, $0x38;
	[tilespmem:$0xA900] =	vst v63  }
0x6f: {  	_ =	swait.ge [sflag:s7], $0x4000  }
0x70: {  	[sflag:s7] =	ssyncset.done $0x0  }
0x71: {  	[sflag:s7] =	ssyncadd.s32 $0xFFFFC000  }
0x72: {  	[bflag:$0x0] =	sbarrier.arrive $0xFFFF  }
0x73: {  	s30 =	rddreg [dreg:$0x6]  }
0x74: {  	[tilespmem:s10], [sflag:$0x1] =	stream.linear.gather [hbm4b:s30+s3], $0x4000, $0x38;
	[tilespmem:$0xA900] =	vst v63  }
0x75: {  	_ =	swait.ge [sflag:s7], $0x4000  }
0x76: {  	[sflag:s7] =	ssyncset.done $0x0  }
0x77: {  	s30 =	rddreg [dreg:$0x7];
	[sflag:s7] =	ssyncadd.s32 $0xFFFFC000  }
0x78: {  	[tilespmem:s11], [sflag:$0x1] =	stream.linear.gather [hbm4b:s30+s3], $0x80, $0x38;
	[tilespmem:$0xA900] =	vst v63  }
0x79: {  	_ =	swait.ge [sflag:s7], $0x80  }
0x7a: {  	[sflag:s7] =	ssyncset.done $0x0  }
0x7b: {  	[sflag:s7] =	ssyncadd.s32 $0xFFFFFF80  }
0x7c: {  	[spmem:s1] =	stream.indirect.scatter.add.f32 [tilespmem:s10], [sflag:$0x1], $0x80, s11, s12, $0xb8;
	[tilespmem:$0xA900] =	vst v63  }
0x7d: {  	_ =	swait.ge [sflag:s7], $0x4000  }
0x7e: {  	[sflag:s7] =	ssyncset.done $0x0  }
0x7f: {  	[sflag:s7] =	ssyncadd.s32 $0xFFFFC000  }
0x80: {  	[spmem:s2] =	stream.indirect.scatter.add.f32 [tilespmem:s9], [sflag:$0x1], $0x80, s11, s12, $0xb8;
	[tilespmem:$0xA900] =	vst v63  }
0x81: {  	_ =	swait.ge [sflag:s7], $0x4000  }
0x82: {  	[sflag:s7] =	ssyncset.done $0x0  }
0x83: {  	s30 =	rddreg [dreg:$0x8];
	[sflag:s7] =	ssyncadd.s32 $0xFFFFC000  }
0x84: {  	[tilespmem:s10], [sflag:$0x1] =	stream.linear.gather [hbm4b:s30+s3], $0x4000, $0x38;
	[tilespmem:$0xA900] =	vst v63  }
0x85: {  	_ =	swait.ge [sflag:s7], $0x4000  }
0x86: {  	[sflag:s7] =	ssyncset.done $0x0  }
0x87: {  	[sflag:s7] =	ssyncadd.s32 $0xFFFFC000  }
0x88: {  	[tilespmem:s11], [sflag:$0x1] =	stream.linear.gather [hbm4b:s13+s3], $0x80, $0x38;
	[tilespmem:$0xA900] =	vst v63  }
0x89: {  	_ =	swait.ge [sflag:s7], $0x80  }
0x8a: {  	[sflag:s7] =	ssyncset.done $0x0  }
0x8b: {  	[sflag:s7] =	ssyncadd.s32 $0xFFFFFF80  }
0x8c: {  	[spmem:s1] =	stream.indirect.scatter.add.f32 [tilespmem:s10], [sflag:$0x1], $0x80, s11, s12, $0xb8;
	[tilespmem:$0xA900] =	vst v63  }
0x8d: {  	_ =	swait.ge [sflag:s7], $0x4000  }
0x8e: {  	[sflag:s7] =	ssyncset.done $0x0  }
0x8f: {  	[sflag:s7] =	ssyncadd.s32 $0xFFFFC000  }
0x90: {  	[spmem:s2] =	stream.indirect.scatter.add.f32 [tilespmem:s9], [sflag:$0x1], $0x80, s11, s12, $0xb8;
	[tilespmem:$0xA900] =	vst v63  }
0x91: {  	_ =	swait.ge [sflag:s7], $0x4000  }
0x92: {  	[sflag:s7] =	ssyncset.done $0x0  }
0x93: {  	[sflag:s7] =	ssyncadd.s32 $0xFFFFC000  }
0x94: {  	[tilespmem:s17], [sflag:$0x1] =	stream.linear.gather @!p1 [hbm4b:s14+s16], $0x800, $0x38;
	[tilespmem:$0xA900] =	vst v63  }
0x95: {  	_ =	swait.ge @!p1 [sflag:s15], $0x800  }
0x96: {  	[sflag:s15] =	ssyncset.done @!p1 $0x0  }
0x97: {  	[sflag:s15] =	ssyncadd.s32 @!p1 $0xFFFFF800  }
0x98: {  	[tilespmem:s19], [sflag:$0x1] =	stream.linear.gather @!p1 [hbm4b:s18+s16], $0x10, $0x38;
	[tilespmem:$0xA900] =	vst v63  }
0x99: {  	_ =	swait.ge @!p1 [sflag:s15], $0x10  }
0x9a: {  	[sflag:s15] =	ssyncset.done @!p1 $0x0  }
0x9b: {  	[sflag:s15] =	ssyncadd.s32 @!p1 $0xFFFFFFF0  }
0x9c: {  	[spmem:s1] =	stream.indirect.scatter.add.f32 @!p1 [tilespmem:s17], [sflag:$0x1], $0x80, s19, s20, $0xb8;
	[tilespmem:$0xA900] =	vst v63  }
0x9d: {  	_ =	swait.ge @!p1 [sflag:s15], $0x800  }
0x9e: {  	[sflag:s15] =	ssyncset.done @!p1 $0x0  }
0x9f: {  	s30 =	simm.s32 @!p1 $0x6900;
	[sflag:s15] =	ssyncadd.s32 @!p1 $0xFFFFF800  }
0xa0: {  	[spmem:s2] =	stream.indirect.scatter.add.f32 @!p1 [tilespmem:s30], [sflag:$0x1], $0x80, s19, s20, $0xb8;
	[tilespmem:$0xA900] =	vst v63  }
0xa1: {  	_ =	swait.ge @!p1 [sflag:s15], $0x800  }
0xa2: {  	[sflag:s15] =	ssyncset.done @!p1 $0x0  }
0xa3: {  	[sflag:s15] =	ssyncadd.s32 @!p1 $0xFFFFF800  }
0xa4: {  	[tilespmem:s24], [sflag:$0x1] =	stream.linear.gather @!p0 [hbm4b:s22+s23], $0x4000, $0x38;
	[tilespmem:$0xA900] =	vst v63  }
0xa5: {  	_ =	swait.ge @!p0 [sflag:s25], $0x4000  }
0xa6: {  	[sflag:s25] =	ssyncset.done @!p0 $0x0  }
0xa7: {  	[sflag:s25] =	ssyncadd.s32 @!p0 $0xFFFFC000  }
0xa8: {  	[tilespmem:s28], [sflag:$0x1] =	stream.linear.gather @!p0 [hbm4b:s26+s23], $0x80, $0x38;
	[tilespmem:$0xA900] =	vst v63  }
0xa9: {  	_ =	swait.ge @!p0 [sflag:s25], $0x80  }
0xaa: {  	[sflag:s25] =	ssyncset.done @!p0 $0x0  }
0xab: {  	[sflag:s25] =	ssyncadd.s32 @!p0 $0xFFFFFF80  }
0xac: {  	[spmem:s1] =	stream.indirect.scatter.add.f32 @!p0 [tilespmem:s24], [sflag:$0x1], $0x80, s28, s29, $0xb8;
	[tilespmem:$0xA900] =	vst v63  }
0xad: {  	_ =	swait.ge @!p0 [sflag:s25], $0x4000  }
0xae: {  	[sflag:s25] =	ssyncset.done @!p0 $0x0  }
0xaf: {  	s30 =	simm.s32 @!p0 $0x6900;
	[sflag:s25] =	ssyncadd.s32 @!p0 $0xFFFFC000  }
0xb0: {  	[spmem:s2] =	stream.indirect.scatter.add.f32 @!p0 [tilespmem:s30], [sflag:$0x1], $0x80, s28, s29, $0xb8;
	[tilespmem:$0xA900] =	vst v63  }
0xb1: {  	_ =	swait.ge @!p0 [sflag:s25], $0x4000  }
0xb2: {  	[sflag:s25] =	ssyncset.done @!p0 $0x0  }
0xb3: {  	[sflag:s25] =	ssyncadd.s32 @!p0 $0xFFFFC000  }
0xb4: {  	s4 =	sadd.s32 $0xFFFFFFFF, s4;
	[bflag:$0x0] =	sbarrier.arrive $0xFFFF  }
0xb5: {  	[hbm:s31], [sflag:s6] =	dma.local [spmem:s8], $0x200  }
0xb6: {  	p2 =	sne.s32 s4, $0x0;
	_ =	swait.ge [sflag:s7], $0x200  }
.Ltmp1:
0xb7: {  	[sflag:s7] =	ssyncset.done $0x0;
	(pc) =	sbr.rel @p2 .LBB2_1-.Ltmp1, $4  }
0xb8: {  	[sflag:s7] =	ssyncadd.s32 $0xFFFFFE00  }
0xb9: {  	[hbm:s0], [sflag:s6] =	dma.local [spmem:s21], $0x200  }
0xba: {  	_ =	swait.ge [sflag:s7], $0x200  }
0xbb: {  	[sflag:s7] =	ssyncset.done $0x0  }
.LBB2_2:
0xbc: {  	[sflag:s7] =	ssyncadd.s32 $0xFFFFFE00  }
0xbd: {  	_ =	sfence.sel $0x180000  }
0xbe: {  	[bflag:$0x0] =	sbarrier.arrive $0xFFFF  }
0xbf: {  	_ =	strace $0x90000050  }
0xc0: {  	s0 =	stileid.u32;
	[bflag:$0x2] =	sbarrier.arrive $0xFFFF  }
0xc1: {  	p0 =	sne.s32 s0, $0x0;
	s0 =	rddreg [dreg:$0x3]  }
0xc2: {  	s0 =	sadd.s32 @!p0 $0x100000, s0  }
0xc3: {  	[sflag:s0] =	ssyncadd.tile.s32 @!p0 $0x1;
	_ =	shalt  }
.Lfunc_end2:
_tile_overlayer_lowered:
.L_overlay_start_2:
0xc4: {  	(tag) =	ssettag $0x2  }
0xc5: {  	s0 =	rddreg [dreg:$0x0];
	s2 =	stileid.u32  }
0xc6: {  	s1 =	rddreg [dreg:$0x1];
	p0 =	sne.s32 s2, $0x0  }
0xc7: {  	s3 =	rddreg [dreg:$0x2];
	[bflag:$0x3] =	sbarrier.arrive $0xFFFF;
	s2 =	simm.s32 @!p0 $0x1C01  }
0xc8: {  	[timem:s3], [sflag:s2] =	dma.local @!p0 [hbm:s0], s1  }
0xc9: {  	s0 =	simm.s32 @!p0 $0x1  }
0xca: {  	_ =	swait.ge @!p0 [sflag:s0], s1  }
0xcb: {  	s1 =	ssub.s32 @!p0 $0x0, s1;
	[sflag:s0] =	ssyncset.done @!p0 $0x0  }
0xcc: {  	[sflag:s0] =	ssyncadd.s32 @!p0 s1  }
0xcd: {  	[bflag:$0x3] =	sbarrier.arrive $0xFFFF  }
0xce: {  	_ =	shalt  }

// kernel: kernel.9.cloned.1.call-start
scs
__scs_entry_jumppad:
0x0: {  	(pc) =	sbr.rel $0x88, $3  }
0x1: {  	(tag) =	ssettag $0x0;
	lr =	simm.s32 $0x1  }
0x2: {  	[smem:$0x3F8B] =	sst lr;
	_ =	strace $0xD0000000  }
0x3: {  	_ = 	snop  }
0x4: {  	_ = 	snop  }
0x5: {  	_ = 	snop  }
0x6: {  	_ = 	snop  }
0x7: {  	_ = 	snop  }
__scs_overlays_trampoline_lowered:
0x8: {  	[smem:$0x3F9A] =	sst s0  }
0x9: {  	[smem:$0x3F9B] =	sst s1  }
0xa: {  	[smem:$0x3F9C] =	sst s2  }
0xb: {  	[smem:$0x3F9D] =	sst s3  }
0xc: {  	[smem:$0x3F9E] =	sst s4  }
0xd: {  	[smem:$0x3F9F] =	sst s5  }
0xe: {  	[smem:$0x3FA0] =	sst s6  }
0xf: {  	[smem:$0x3FA1] =	sst s7  }
0x10: {  	[smem:$0x3FA2] =	sst s8  }
0x11: {  	[smem:$0x3FA3] =	sst s9;
	s0 =	simm.s32 @!p0 $0x0  }
0x12: {  	s1 =	sld [smem:$0x3F89];
	s0 =	simm.s32 @p0 $0x1  }
0x13: {  	[smem:$0x3FA4] =	sst s0;
	s0 =	simm.s32 @!p1 $0x0  }
0x14: {  	s2 =	sld [smem:$0x3F88];
	s0 =	simm.s32 @p1 $0x1  }
0x15: {  	[smem:$0x3FA5] =	sst s0;
	s0 =	simm.s32 @!p2 $0x0  }
0x16: {  	s3 =	sld [smem:$0x3FDB];
	s0 =	simm.s32 @p2 $0x1  }
0x17: {  	s4 =	simm.s32 $0x1BF5;
	[smem:$0x3FA7] =	sst s0  }
0x18: {  	s0 =	sld [smem:$0x3F8A];
	_ =	swait.ge [sflag:s4], $0x0  }
0x19: {  	s7 =	sld [smem:$0x3F8B]  }
0x1a: {  	s8 =	sadd.s32 $0xFFFFE003, lr  }
0x1b: {  	s9 =	sadd.s32 $0xFFFFFEF7, lr;
	s5 =	simm.s32 $0xFFFFFFFF;
	p2 =	slt.u32 s8, $0xFFFFF086  }
0x1c: {  	p1 =	slt.u32 s9, $0xF7A;
	s5 =	simm.s32 @!p2 $0x0  }
0x1d: {  	s5 =	simm.s32 @p1 $0x1;
	p0 =	seq.s32 s7, s2  }
0x1e: {  	s7 =	smul.u32 @!p0 $0xF7A, s2;
	p2 =	seq.s32 @!p0 s5, $0x0  }
0x1f: {  	s9 =	smul.u32 $0xF7A, s1;
	s8 =	simm.s32 @!p0 $0x1BF5;
	p2 =	por !p2, p0  }
0x20: {  	[sflag:s8] =	ssyncset.s32 @!p0 $0xFFFFF086;
	s6 =	sadd.s32 @!p0 s3, s7;
	s7 =	simm.s32 @!p0 $0x108  }
0x21: {  	s3 =	sadd.s32 s3, s9;
	s6 =	sadd.s32 @!p0 $0x88, s6;
	s7 =	simm.s32 @p2 $0x1082  }
0x22: {  	[simem:s7], [sflag:s8] =	dma.local @!p0 [hbm:s6], $0xF7A  }
0x23: {  	s9 =	sor.u32 $0xD0000000, s2;
	s6 =	simm.s32 $0x108;
	_ =	swait.ge @!p0 [sflag:s8], $0x0  }
0x24: {  	s3 =	sadd.s32 $0x88, s3;
	s6 =	simm.s32 @!p1 $0x1082;
	[sflag:s4] =	ssyncset.s32 $0xFFFFF086  }
0x25: {  	[simem:s6], [sflag:s4] =	dma.local [hbm:s3], $0xF7A  }
0x26: {  	[smem:$0x3F8B] =	sst s1;
	(tag) =	ssettag s2;
	_ =	strace s9  }
0x27: {  	s1 =	sld [smem:$0x3F9B]  }
0x28: {  	s2 =	sld [smem:$0x3F9C]  }
0x29: {  	s4 =	sld [smem:$0x3F9E]  }
0x2a: {  	p0 =	seq.s32 s5, $0x0;
	s5 =	sld [smem:$0x3F9F]  }
0x2b: {  	s6 =	sld [smem:$0x3FA0]  }
0x2c: {  	s7 =	sld [smem:$0x3FA1]  }
0x2d: {  	s3 =	simm.s32 $0x108;
	s8 =	sld [smem:$0x3FA2]  }
0x2e: {  	s3 =	simm.s32 @!p0 $0x1082;
	s9 =	sld [smem:$0x3FA3]  }
0x2f: {  	lr =	sadd.s32 s0, s3;
	s0 =	sld [smem:$0x3F9A]  }
0x30: {  	s3 =	sld [smem:$0x3F9D]  }
0x31: {  	[smem:$0x3FA6] =	sst s10  }
0x32: {  	s10 =	sld [smem:$0x3FA4];
	_ =	sdelay $0x3  }
0x33: {  	p0 =	seq.s32 s10, $0x1;
	s10 =	sld [smem:$0x3FA6];
	_ =	sdelay $0x3  }
0x34: {  	[smem:$0x3FA6] =	sst s10  }
0x35: {  	s10 =	sld [smem:$0x3FA5];
	_ =	sdelay $0x3  }
0x36: {  	p1 =	seq.s32 s10, $0x1;
	s10 =	sld [smem:$0x3FA6];
	_ =	sdelay $0x3  }
0x37: {  	[smem:$0x3FA6] =	sst s10  }
0x38: {  	s10 =	sld [smem:$0x3FA7]  }
0x39: {  	_ = 	snop;
	(pc) =	sbr.ind lr, $3  }
0x3a: {  	_ = 	snop  }
0x3b: {  	_ = 	snop  }
0x3c: {  	p2 =	seq.s32 s10, $0x1;
	s10 =	sld [smem:$0x3FA6]  }
0x3d: {  	_ =	shalt  }
0x3e: {  	_ =	shalt  }
0x3f: {  	_ =	shalt  }
0x40: {  	_ =	shalt  }
0x41: {  	_ =	shalt  }
0x42: {  	_ =	shalt  }
0x43: {  	_ =	shalt  }
0x44: {  	_ =	shalt  }
0x45: {  	_ =	shalt  }
0x46: {  	_ =	shalt  }
0x47: {  	_ =	shalt  }
0x48: {  	_ =	shalt  }
0x49: {  	_ =	shalt  }
0x4a: {  	_ =	shalt  }
0x4b: {  	_ =	shalt  }
0x4c: {  	_ =	shalt  }
0x4d: {  	_ =	shalt  }
0x4e: {  	_ =	shalt  }
0x4f: {  	_ =	shalt  }
0x50: {  	_ =	shalt  }
0x51: {  	_ =	shalt  }
0x52: {  	_ =	shalt  }
0x53: {  	_ =	shalt  }
0x54: {  	_ =	shalt  }
0x55: {  	_ =	shalt  }
0x56: {  	_ =	shalt  }
0x57: {  	_ =	shalt  }
0x58: {  	_ =	shalt  }
0x59: {  	_ =	shalt  }
0x5a: {  	_ =	shalt  }
0x5b: {  	_ =	shalt  }
0x5c: {  	_ =	shalt  }
0x5d: {  	_ =	shalt  }
0x5e: {  	_ =	shalt  }
0x5f: {  	_ =	shalt  }
0x60: {  	_ =	shalt  }
0x61: {  	_ =	shalt  }
0x62: {  	_ =	shalt  }
0x63: {  	_ =	shalt  }
0x64: {  	_ =	shalt  }
0x65: {  	_ =	shalt  }
0x66: {  	_ =	shalt  }
0x67: {  	_ =	shalt  }
0x68: {  	_ =	shalt  }
0x69: {  	_ =	shalt  }
0x6a: {  	_ =	shalt  }
0x6b: {  	_ =	shalt  }
0x6c: {  	_ =	shalt  }
0x6d: {  	_ =	shalt  }
0x6e: {  	_ =	shalt  }
0x6f: {  	_ =	shalt  }
0x70: {  	_ =	shalt  }
0x71: {  	_ =	shalt  }
0x72: {  	_ =	shalt  }
0x73: {  	_ =	shalt  }
0x74: {  	_ =	shalt  }
0x75: {  	_ =	shalt  }
0x76: {  	_ =	shalt  }
0x77: {  	_ =	shalt  }
0x78: {  	_ =	shalt  }
0x79: {  	_ =	shalt  }
0x7a: {  	_ =	shalt  }
0x7b: {  	_ =	shalt  }
0x7c: {  	_ =	shalt  }
0x7d: {  	_ =	shalt  }
0x7e: {  	_ =	shalt  }
0x7f: {  	_ =	shalt  }
0x80: {  	_ =	shalt  }
0x81: {  	_ =	shalt  }
0x82: {  	_ =	shalt  }
0x83: {  	_ =	shalt  }
0x84: {  	_ =	shalt  }
0x85: {  	_ =	shalt  }
0x86: {  	_ =	shalt  }
0x87: {  	_ =	shalt  }
.Lfunc_end0:
.L_simem_size_0:
called_computation_lowered:
.L_overlay_start_0:
0x88: {  	s2 =	sld [smem:$0x3FD9]  }
0x89: {  	s3 =	sld [smem:$0x3FFE];
	_ =	sdelay $0x1  }
0x8a: {  	s1 =	srdreg.scid  }
0x8b: {  	s0 =	sand.u32 $0x1, s1  }
0x8c: {  	s17 =	sshll.u32 s0, $0xA;
	s2 =	sadd.s32 s3, s2  }
0x8d: {  	s2 =	sadd.s32 s2, s17  }
0x8e: {  	[smem:$0x3FB2] =	sst s2  }
0x8f: {  	_ = 	snop  }
0x90: {  	s18 =	sld [smem:$0x3FC9];
	(tm) =	ssettm $0x1  }
0x91: {  	s19 =	sld [smem:$0x3FFB];
	_ =	sdelay $0x3  }
0x92: {  	_ =	strace s19  }
0x93: {  	s2 =	sld [smem:$0x3FFC];
	_ =	sdelay $0x3  }
0x94: {  	_ =	strace s2  }
0x95: {  	s2 =	sld [smem:$0x3FFD];
	_ =	sdelay $0x3  }
0x96: {  	_ =	strace s2  }
0x97: {  	_ =	strace $0x8FFFFFFF  }
0x98: {  	s20 =	sld [smem:$0x3FDB];
	_ =	sdelay $0x1  }
0x99: {  	s4 =	simm.s32 $_scs_section_size  }
0x9a: {  	s5 =	simm.s32 $_size__tile_overlayer_lowered;
	s6 =	simm.s32 $_tile_overlayer_lowered  }
0x9b: {  	s7 =	simm.s32 $0x1BFF;
	s21 =	sshll.u32 s6, $0x1;
	s4 =	sadd.s32 s4, s20  }
0x9c: {  	s22 =	simm.s32 $0x0;
	s5 =	sshll.u32 s5, $0x1;
	s6 =	sadd.s32 s21, s4  }
0x9d: {  	[timem:s22], [sflag:s7] =	dma.local [hbm:s6], s5  }
0x9e: {  	_ =	swait.ge [sflag:s7], s5  }
0x9f: {  	s5 =	ssub.s32 $0x0, s5;
	[sflag:s7] =	ssyncset.done $0x0  }
0xa0: {  	[sflag:s7] =	ssyncadd.s32 s5;
	_ =	sdelay $0x1  }
0xa1: {  	s23 =	simm.s32 $0x1B8B  }
0xa2: {  	_ =	swait.ge [sflag:s23], $0x1  }
0xa3: {  	[sflag:s23] =	ssyncset.done $0x0  }
0xa4: {  	[sflag:s23] =	ssyncadd.s32 $0xFFFFFFFF  }
0xa5: {  	s5 =	sld [smem:$0x0]  }
0xa6: {  	s6 =	sand.u32 $0xFFFFFFFE, s1  }
0xa7: {  	p0 =	sne.s32 s1, s6  }
0xa8: {  	s6 =	sshll.u32 @p0 s6, $0xE  }
0xa9: {  	s6 =	sadd.s32 @p0 $0x11B8D, s6;
	s7 =	sshll.u32 @p0 s5, $0x11  }
0xaa: {  	s6 =	sor.u32 @p0 s7, s6  }
0xab: {  	[sflag:s6] =	ssyncadd.remote.s32 @p0 $0x1;
	_ =	sdelay $0x1  }
0xac: {  	s6 =	simm.s32 @p0 $0x1B8D  }
0xad: {  	_ =	swait.eq @p0 [sflag:s6], $0x1  }
0xae: {  	[sflag:s6] =	ssyncadd.s32 @p0 $0xFFFFFFFF  }
0xaf: {  	s7 =	sshll.u32 @!p0 s1, $0xE  }
0xb0: {  	s7 =	sor.u32 @!p0 $0x4000, s7;
	s6 =	simm.s32 @!p0 $0x1B8D  }
0xb1: {  	s5 =	sshll.u32 @!p0 s5, $0x11;
	s7 =	sadd.s32 @!p0 $0x11B8D, s7;
	_ =	swait.eq @!p0 [sflag:s6], $0x1  }
0xb2: {  	s5 =	sor.u32 @!p0 s5, s7;
	[sflag:s6] =	ssyncadd.s32 @!p0 $0xFFFFFFFF  }
0xb3: {  	s25 =	simm.s32 $0x1B8E;
	s24 =	sld [smem:$0x3FFE];
	[sflag:s5] =	ssyncadd.remote.s32 @!p0 $0x1  }
0xb4: {  	s26 =	simm.s32 $execute0_lowered;
	[smem:$0x3FD2] =	sst s25  }
0xb5: {  	s6 =	sshll.u32 s26, $0x1;
	_ =	strace $0x80000049;
	[dreg:$0x1] =	wrdreg $0xFFFFFFFF  }
0xb6: {  	s28 =	simm.s32 $_size_execute0_lowered;
	s4 =	sadd.s32 s4, s6;
	[dreg:$0x0] =	wrdreg $0x0  }
0xb7: {  	s6 =	sshll.u32 s28, $0x1;
	[dreg:$0x2] =	wrdreg s4  }
0xb8: {  	[dreg:$0x3] =	wrdreg s6  }
0xb9: {  	[dreg:$0x4] =	wrdreg $0xC0  }
0xba: {  	_ =	task [dreg:s22], $0x5FFFF  }
0xbb: {  	[dreg:$0x1] =	wrdreg $0xFFFFFFFF  }
0xbc: {  	[dreg:$0x0] =	wrdreg $0x60  }
0xbd: {  	[dreg:$0x2] =	wrdreg s24  }
0xbe: {  	[dreg:$0x3] =	wrdreg s18  }
0xbf: {  	[dreg:$0x4] =	wrdreg $0x0  }
0xc0: {  	[dreg:$0x5] =	wrdreg $0x9  }
0xc1: {  	_ =	task.clear_ibuf [dreg:s22], $0x6FFFF;
	_ =	strace $0x90000049  }
0xc2: {  	s29 =	simm.s32 $0x9;
	_ =	strace $0x8000004B  }
0xc3: {  	_ =	swait.ge [sflag:s29], $0x1  }
0xc4: {  	[sflag:s29] =	ssyncadd.s32 $0xFFFFFFFF  }
0xc5: {  	_ =	strace $0x9000004B  }
0xc6: {  	_ =	sfence  }
0xc7: {  	s30 =	sld [smem:$0x0];
	_ =	sdelay $0x2  }
0xc8: {  	s31 =	sshll.u32 s1, $0xD;
	s1 =	sshrl.u32 s1, $0x2  }
0xc9: {  	s4 =	sand.u32 $0x4000, s31;
	s1 =	sadd.s32 s1, s30  }
0xca: {  	s0 =	sor.u32 s4, s0;
	s1 =	sshll.u32 s1, $0x11  }
0xcb: {  	s0 =	sor.u32 s1, s0  }
0xcc: {  	s0 =	sadd.s32 $0x8F2B, s0  }
0xcd: {  	[sflag:s0] =	ssyncadd.remote.s32 $0x1  }
0xce: {  	_ =	sfence.sel $0xFFFF  }
0xcf: {  	[dreg:$0x0] =	wrdreg $0xFFFFFFFF;
	(pc) =	sbr.abs _section_cstart, $3  }
0xd0: {  	[dreg:$0x1] =	wrdreg $0xFFFFFFFF  }
0xd1: {  	_ =	task.clear_ibuf [dreg:s22], $0x2FFFF;
	_ =	strace $0x9FFFFFFF  }
0xd2: {  	(tm) =	ssettm $0x7FFFFFFF  }
0xd3: {  	_ =	shalt  }
tec
execute0_lowered:
.L_overlay_start_1:
0x0: {  	(tag) =	ssettag $0x1  }
0x1: {  	s0 =	rddreg [dreg:$0x0]  }
0x2: {  	s1 =	rddreg [dreg:$0x1]  }
0x3: {  	s2 =	rddreg [dreg:$0x2];
	s3 =	simm.s32 $0x0  }
0x4: {  	s6 =	srdreg.scid;
	s17 =	stileid.u32;
	s19 =	simm.s32 $0x13880  }
0x5: {  	s20 =	simm.s32 $0x16000;
	s29 =	simm.s32 $0x1E100;
	s30 =	simm.s32 $0x10  }
0x6: {  	[smem:$0x7FF] =	sst s3;
	s4 =	sadd.s32 $0x4000, s0;
	s5 =	sadd.s32 $0x17A00, s0  }
0x7: {  	s8 =	sand.u32 $0x1, s6;
	s9 =	smul.u32 $0x4E000, s17;
	s0 =	sadd.s32 $0x68400, s0  }
0x8: {  	s22 =	sshll.u32 s17, $0x6;
	s24 =	smul.u32 $0x13800, s17;
	s18 =	sadd.s32 $0x138000, s2  }
0x9: {  	s13 =	smul.u32 $0x2710, s17;
	p0 =	sne.s32 s17, $0xF;
	_ =	strace $0x8000004A  }
0xa: {  	s6 =	ssub.s32 $0x2, s8;
	s7 =	sshll.u32 s8, $0x4;
	s23 =	smul.u32 $0x138800, s8  }
0xb: {  	s8 =	smul.u32 $0x27100, s8;
	s18 =	sshrl.u32 @!p0 s18, $0x3;
	s10 =	sshrl.u32 s6, $0x1  }
0xc: {  	s7 =	sor.u32 s17, s7;
	s21 =	sshrl.u32 s9, $0x2;
	s17 =	simm.s32 $0x3  }
0xd: {  	s12 =	ssub.s32 s6, s10;
	s7 =	smul.u32 $0x2710, s7;
	s16 =	sadd.s32 s21, s2  }
0xe: {  	s6 =	sor.u32 $0x1C03, s22;
	s25 =	sadd.s32 s24, s23;
	s14 =	sshrl.u32 s23, $0x3  }
0xf: {  	s8 =	sadd.s32 s13, s8;
	s21 =	simm.s32 $0x80;
	s22 =	simm.s32 $0x16100  }
0x10: {  	s23 =	simm.s32 $0x16080;
	s24 =	simm.s32 $0x1A100;
	s31 =	sadd.s32 $0x4E280, s8  }
0x11: {  	s8 =	sadd.s32 $0x4E300, s8;
	s12 =	smax.u32 s12, $0x1;
	s7 =	sshrl.u32 s7, $0x3  }
0x12: {  	s16 =	sshrl.u32 s16, $0x3;
	s8 =	sshrl.u32 s8, $0x3;
	s7 =	sadd.s32 s4, s7  }
0x13: {  	s15 =	sadd.s32 s8, s4;
	s11 =	sadd.s32 $0x9C40, s7;
	s26 =	sadd.s32 $0xA120, s7  }
0x14: {  	s13 =	sadd.s32 $0xA110, s7;
	[dreg:$0x4] =	wrdreg s11;
	s11 =	sshrl.u32 s25, $0x3  }
0x15: {  	[dreg:$0x5] =	wrdreg s26;
	s28 =	sadd.s32 s0, s11;
	s0 =	sadd.s32 s0, s14  }
0x16: {  	s25 =	simm.s32 $0x1;
	[dreg:$0x6] =	wrdreg s28;
	s0 =	sadd.s32 $0x27000, s0  }
0x17: {  	s26 =	simm.s32 $0x2;
	[dreg:$0x7] =	wrdreg s0;
	s0 =	sshrl.u32 s31, $0x3  }
0x18: {  	s14 =	sadd.s32 s0, s4;
	s0 =	simm.s32 $0x1E180;
	s4 =	simm.s32 $0x0  }
.LBB2_1:
0x19: {  	[spmem:s16], [sflag:s6] =	dma.local [hbm:s5], $0x2700  }
0x1a: {  	_ =	swait.ge [sflag:s17], $0x2700  }
0x1b: {  	[sflag:s17] =	ssyncset.done $0x0  }
0x1c: {  	s8 =	simm.s32 @!p0 $0x3;
	[sflag:s17] =	ssyncadd.s32 $0xFFFFD900  }
0x1d: {  	[spmem:s18], [sflag:s6] =	dma.local @!p0 [hbm:s5], $0x100  }
0x1e: {  	_ =	swait.ge @!p0 [sflag:s8], $0x100  }
0x1f: {  	[sflag:s8] =	ssyncset.done @!p0 $0x0  }
0x20: {  	[sflag:s8] =	ssyncadd.s32 @!p0 $0xFFFFFF00  }
0x21: {  	[tilespmem:s19], [sflag:$0x3] =	stream.linear.gather [hbm4b:s7+s3], $0x2710, $0x38;
	[tilespmem:$0x1E980] =	vst v63  }
0x22: {  	_ =	swait.ge [sflag:s17], $0x2710  }
0x23: {  	[sflag:s17] =	ssyncset.done $0x0  }
0x24: {  	[sflag:s17] =	ssyncadd.s32 $0xFFFFD8F0  }
0x25: {  	[bflag:$0x0] =	sbarrier.arrive $0xFFFF  }
0x26: {  	s10 =	rddreg [dreg:$0x4]  }
0x27: {  	[tilespmem:s20], [sflag:$0x3] =	stream.linear.gather [hbm4b:s10+s3], $0x80, $0x38;
	[tilespmem:$0x1E980] =	vst v63  }
0x28: {  	_ =	swait.ge [sflag:s17], $0x80  }
0x29: {  	[sflag:s17] =	ssyncset.done $0x0  }
0x2a: {  	[sflag:s17] =	ssyncadd.s32 $0xFFFFFF80  }
0x2b: {  	[tilespmem:s22], [sflag:$0x1] =	stream.indirect.gather [hbm4b:s1+s21], $0x80, s19, s21, $0xb8;
	[tilespmem:$0x1E980] =	vst v63  }
0x2c: {  	s11 =	sadd.s32 $0x0, s14  }
0x2d: {  	[tilespmem:s23], [sflag:$0x3] =	stream.linear.gather [hbm4b:s11+s3], $0x80, $0x38;
	[tilespmem:$0x1E980] =	vst v63  }
0x2e: {  	_ =	swait.ge [sflag:s17], $0x80  }
0x2f: {  	[sflag:s17] =	ssyncset.done $0x0  }
0x30: {  	s9 =	simm.s32 $0x13900;
	[sflag:s17] =	ssyncadd.s32 $0xFFFFFF80  }
0x31: {  	[tilespmem:s24], [sflag:$0x2] =	stream.indirect.gather [hbm4b:s1+s21], $0x80, s9, s21, $0xb8;
	[tilespmem:$0x1E980] =	vst v63  }
0x32: {  	_ =	swait.ge [sflag:s25], $0x4000  }
0x33: {  	[sflag:s25] =	ssyncset.done $0x0  }
0x34: {  	[sflag:s25] =	ssyncadd.s32 $0xFFFFC000  }
0x35: {  	[spmem:s2] =	stream.indirect.scatter.add.f32 [tilespmem:s22], [sflag:$0x3], $0x80, s20, s21, $0xb8;
	[tilespmem:$0x1E980] =	vst v63  }
0x36: {  	_ =	swait.ge [sflag:s17], $0x4000  }
0x37: {  	[sflag:s17] =	ssyncset.done $0x0  }
0x38: {  	s10 =	sadd.s32 $0x0, s15;
	[sflag:s17] =	ssyncadd.s32 $0xFFFFC000  }
0x39: {  	[tilespmem:s20], [sflag:$0x3] =	stream.linear.gather [hbm4b:s10+s3], $0x80, $0x38;
	[tilespmem:$0x1E980] =	vst v63  }
0x3a: {  	_ =	swait.ge [sflag:s17], $0x80  }
0x3b: {  	[sflag:s17] =	ssyncset.done $0x0  }
0x3c: {  	s11 =	simm.s32 $0x13980;
	[sflag:s17] =	ssyncadd.s32 $0xFFFFFF80  }
0x3d: {  	[tilespmem:s22], [sflag:$0x1] =	stream.indirect.gather [hbm4b:s1+s21], $0x80, s11, s21, $0xb8;
	[tilespmem:$0x1E980] =	vst v63  }
0x3e: {  	_ =	swait.ge [sflag:s26], $0x4000  }
0x3f: {  	[sflag:s26] =	ssyncset.done $0x0  }
0x40: {  	[sflag:s26] =	ssyncadd.s32 $0xFFFFC000  }
0x41: {  	[spmem:s2] =	stream.indirect.scatter.add.f32 [tilespmem:s24], [sflag:$0x3], $0x80, s23, s21, $0xb8;
	[tilespmem:$0x1E980] =	vst v63  }
0x42: {  	s31 =	simm.s32 $0x20;
	_ =	swait.ge [sflag:s17], $0x4000  }
0x43: {  	s28 =	simm.s32 $0x13A00;
	s8 =	simm.s32 $0x40;
	[sflag:s17] =	ssyncset.done $0x0  }
.LBB2_2:
0x44: {  	s9 =	sadd.s32 s31, s14  }
0x45: {  	[sflag:s17] =	ssyncadd.s32 $0xFFFFC000;
	s10 =	smov.u32 s8;
	s11 =	sadd.s32 $0x20, s8  }
0x46: {  	[tilespmem:s23], [sflag:$0x3] =	stream.linear.gather [hbm4b:s9+s3], $0x80, $0x38;
	[tilespmem:$0x1E980] =	vst v63  }
0x47: {  	p1 =	sne.s32 s8, $0x4A0;
	_ =	swait.ge [sflag:s17], $0x80  }
0x48: {  	[sflag:s17] =	ssyncset.done $0x0  }
0x49: {  	[sflag:s17] =	ssyncadd.s32 $0xFFFFFF80  }
0x4a: {  	[tilespmem:s24], [sflag:$0x2] =	stream.indirect.gather [hbm4b:s1+s21], $0x80, s28, s21, $0xb8;
	[tilespmem:$0x1E980] =	vst v63  }
0x4b: {  	_ =	swait.ge [sflag:s25], $0x4000  }
0x4c: {  	[sflag:s25] =	ssyncset.done $0x0  }
0x4d: {  	[sflag:s25] =	ssyncadd.s32 $0xFFFFC000  }
0x4e: {  	[spmem:s2] =	stream.indirect.scatter.add.f32 [tilespmem:s22], [sflag:$0x3], $0x80, s20, s21, $0xb8;
	[tilespmem:$0x1E980] =	vst v63  }
0x4f: {  	_ =	swait.ge [sflag:s17], $0x4000  }
0x50: {  	[sflag:s17] =	ssyncset.done $0x0  }
0x51: {  	s8 =	sadd.s32 s31, s15;
	s31 =	smov.u32 s10;
	[sflag:s17] =	ssyncadd.s32 $0xFFFFC000  }
0x52: {  	[tilespmem:s20], [sflag:$0x3] =	stream.linear.gather [hbm4b:s8+s3], $0x80, $0x38;
	[tilespmem:$0x1E980] =	vst v63  }
0x53: {  	_ =	swait.ge [sflag:s17], $0x80  }
0x54: {  	[sflag:s17] =	ssyncset.done $0x0  }
0x55: {  	s8 =	sadd.s32 $0x80, s28;
	[sflag:s17] =	ssyncadd.s32 $0xFFFFFF80  }
0x56: {  	[tilespmem:s22], [sflag:$0x1] =	stream.indirect.gather [hbm4b:s1+s21], $0x80, s8, s21, $0xb8;
	[tilespmem:$0x1E980] =	vst v63  }
0x57: {  	_ =	swait.ge [sflag:s26], $0x4000  }
.Ltmp0:
0x58: {  	[sflag:s26] =	ssyncset.done $0x0;
	(pc) =	sbr.rel @p1 .LBB2_2-.Ltmp0, $4  }
0x59: {  	[sflag:s26] =	ssyncadd.s32 $0xFFFFC000  }
0x5a: {  	[spmem:s2] =	stream.indirect.scatter.add.f32 [tilespmem:s24], [sflag:$0x3], $0x80, s23, s21, $0xb8;
	[tilespmem:$0x1E980] =	vst v63  }
0x5b: {  	_ =	swait.ge [sflag:s17], $0x4000  }
0x5c: {  	s28 =	sadd.s32 $0x100, s28;
	s8 =	smov.u32 s11;
	[sflag:s17] =	ssyncset.done $0x0  }
0x5d: {  	s8 =	sadd.s32 s31, s14;
	[sflag:s17] =	ssyncadd.s32 $0xFFFFC000  }
0x5e: {  	[tilespmem:s23], [sflag:$0x3] =	stream.linear.gather [hbm4b:s8+s3], $0x80, $0x38;
	[tilespmem:$0x1E980] =	vst v63  }
0x5f: {  	_ =	swait.ge [sflag:s17], $0x80  }
0x60: {  	[sflag:s17] =	ssyncset.done $0x0  }
0x61: {  	[sflag:s17] =	ssyncadd.s32 $0xFFFFFF80  }
0x62: {  	[tilespmem:s24], [sflag:$0x2] =	stream.indirect.gather [hbm4b:s1+s21], $0x80, s28, s21, $0xb8;
	[tilespmem:$0x1E980] =	vst v63  }
0x63: {  	_ =	swait.ge [sflag:s25], $0x4000  }
0x64: {  	[sflag:s25] =	ssyncset.done $0x0  }
0x65: {  	[sflag:s25] =	ssyncadd.s32 $0xFFFFC000  }
0x66: {  	[spmem:s2] =	stream.indirect.scatter.add.f32 [tilespmem:s22], [sflag:$0x3], $0x80, s20, s21, $0xb8;
	[tilespmem:$0x1E980] =	vst v63  }
0x67: {  	_ =	swait.ge [sflag:s17], $0x4000  }
0x68: {  	[sflag:s17] =	ssyncset.done $0x0  }
0x69: {  	s31 =	sadd.s32 s31, s15;
	[sflag:s17] =	ssyncadd.s32 $0xFFFFC000  }
0x6a: {  	[tilespmem:s20], [sflag:$0x3] =	stream.linear.gather [hbm4b:s31+s3], $0x80, $0x38;
	[tilespmem:$0x1E980] =	vst v63  }
0x6b: {  	_ =	swait.ge [sflag:s17], $0x80  }
0x6c: {  	[sflag:s17] =	ssyncset.done $0x0  }
0x6d: {  	s9 =	sadd.s32 $0x80, s28;
	[sflag:s17] =	ssyncadd.s32 $0xFFFFFF80  }
0x6e: {  	[tilespmem:s22], [sflag:$0x1] =	stream.indirect.gather [hbm4b:s1+s21], $0x80, s9, s21, $0xb8;
	[tilespmem:$0x1E980] =	vst v63  }
0x6f: {  	_ =	swait.ge [sflag:s26], $0x4000  }
0x70: {  	[sflag:s26] =	ssyncset.done $0x0  }
0x71: {  	[sflag:s26] =	ssyncadd.s32 $0xFFFFC000  }
0x72: {  	[spmem:s2] =	stream.indirect.scatter.add.f32 [tilespmem:s24], [sflag:$0x3], $0x80, s23, s21, $0xb8;
	[tilespmem:$0x1E980] =	vst v63  }
0x73: {  	_ =	swait.ge [sflag:s17], $0x4000  }
0x74: {  	[sflag:s17] =	ssyncset.done $0x0  }
0x75: {  	[sflag:s17] =	ssyncadd.s32 $0xFFFFC000  }
0x76: {  	[tilespmem:s23], [sflag:$0x3] =	stream.linear.gather [hbm4b:s13+s3], $0x80, $0x38;
	[tilespmem:$0x1E980] =	vst v63  }
0x77: {  	_ =	swait.ge [sflag:s17], $0x80  }
0x78: {  	[sflag:s17] =	ssyncset.done $0x0  }
0x79: {  	s10 =	simm.s32 $0x15F00;
	[sflag:s17] =	ssyncadd.s32 $0xFFFFFF80  }
0x7a: {  	[tilespmem:s24], [sflag:$0x2] =	stream.indirect.gather [hbm4b:s1+s21], $0x80, s10, s21, $0xb8;
	[tilespmem:$0x1E980] =	vst v63  }
0x7b: {  	_ =	swait.ge [sflag:s25], $0x4000  }
0x7c: {  	[sflag:s25] =	ssyncset.done $0x0  }
0x7d: {  	[sflag:s25] =	ssyncadd.s32 $0xFFFFC000  }
0x7e: {  	[spmem:s2] =	stream.indirect.scatter.add.f32 [tilespmem:s22], [sflag:$0x3], $0x80, s20, s21, $0xb8;
	[tilespmem:$0x1E980] =	vst v63  }
0x7f: {  	_ =	swait.ge [sflag:s17], $0x4000  }
0x80: {  	[sflag:s17] =	ssyncset.done $0x0  }
0x81: {  	[sflag:s17] =	ssyncadd.s32 $0xFFFFC000  }
0x82: {  	_ =	swait.ge [sflag:s26], $0x4000  }
0x83: {  	[sflag:s26] =	ssyncset.done $0x0  }
0x84: {  	[sflag:s26] =	ssyncadd.s32 $0xFFFFC000  }
0x85: {  	[spmem:s2] =	stream.indirect.scatter.add.f32 [tilespmem:s24], [sflag:$0x3], $0x80, s23, s21, $0xb8;
	[tilespmem:$0x1E980] =	vst v63  }
0x86: {  	_ =	swait.ge [sflag:s17], $0x4000  }
0x87: {  	[sflag:s17] =	ssyncset.done $0x0  }
0x88: {  	s11 =	rddreg [dreg:$0x5];
	[sflag:s17] =	ssyncadd.s32 $0xFFFFC000  }
0x89: {  	[tilespmem:s29], [sflag:$0x3] =	stream.linear.gather [hbm4b:s11+s3], $0x10, $0x38;
	[tilespmem:$0x1E980] =	vst v63  }
0x8a: {  	_ =	swait.ge [sflag:s17], $0x10  }
0x8b: {  	[sflag:s17] =	ssyncset.done $0x0  }
0x8c: {  	s28 =	simm.s32 $0x15F80;
	[sflag:s17] =	ssyncadd.s32 $0xFFFFFFF0  }
0x8d: {  	[tilespmem:s0], [sflag:$0x1] =	stream.indirect.gather [hbm4b:s1+s30], $0x80, s28, s30, $0xb8;
	[tilespmem:$0x1E980] =	vst v63  }
0x8e: {  	_ =	swait.ge [sflag:s25], $0x800  }
0x8f: {  	[sflag:s25] =	ssyncset.done $0x0  }
0x90: {  	[sflag:s25] =	ssyncadd.s32 $0xFFFFF800  }
0x91: {  	[spmem:s2] =	stream.indirect.scatter.add.f32 [tilespmem:s0], [sflag:$0x3], $0x80, s29, s30, $0xb8;
	[tilespmem:$0x1E980] =	vst v63  }
0x92: {  	_ =	swait.ge [sflag:s17], $0x800  }
0x93: {  	[sflag:s17] =	ssyncset.done $0x0  }
0x94: {  	[sflag:s17] =	ssyncadd.s32 $0xFFFFF800  }
0x95: {  	[bflag:$0x0] =	sbarrier.arrive $0xFFFF  }
0x96: {  	s31 =	rddreg [dreg:$0x6]  }
0x97: {  	[hbm:s31], [sflag:s6] =	dma.local [spmem:s16], $0x2700  }
0x98: {  	_ =	swait.ge [sflag:s17], $0x2700  }
0x99: {  	s4 =	sadd.s32 $0x1, s4;
	[sflag:s17] =	ssyncset.done $0x0  }
0x9a: {  	p1 =	sne.s32 s4, s12;
	s8 =	rddreg [dreg:$0x7];
	[sflag:s17] =	ssyncadd.s32 $0xFFFFD900  }
0x9b: {  	[hbm:s8], [sflag:s6] =	dma.local @!p0 [spmem:s18], $0x100  }
.Ltmp1:
0x9c: {  	_ = 	snop;
	(pc) =	sbr.rel @p1 .LBB2_1-.Ltmp1, $4  }
0x9d: {  	s8 =	simm.s32 @!p0 $0x3  }
0x9e: {  	_ =	swait.ge @!p0 [sflag:s8], $0x100  }
0x9f: {  	[sflag:s8] =	ssyncset.done @!p0 $0x0  }
0xa0: {  	[sflag:s8] =	ssyncadd.s32 @!p0 $0xFFFFFF00  }
0xa1: {  	_ =	sfence.sel $0x180000  }
0xa2: {  	[bflag:$0x0] =	sbarrier.arrive $0xFFFF  }
0xa3: {  	_ =	strace $0x9000004A  }
0xa4: {  	s0 =	stileid.u32;
	[bflag:$0x2] =	sbarrier.arrive $0xFFFF  }
0xa5: {  	p0 =	sne.s32 s0, $0x0;
	s0 =	rddreg [dreg:$0x3]  }
0xa6: {  	s0 =	sadd.s32 @!p0 $0x100000, s0  }
0xa7: {  	[sflag:s0] =	ssyncadd.tile.s32 @!p0 $0x1;
	_ =	shalt  }
.Lfunc_end2:
_tile_overlayer_lowered:
.L_overlay_start_2:
0xa8: {  	(tag) =	ssettag $0x2  }
0xa9: {  	s0 =	rddreg [dreg:$0x0];
	s2 =	stileid.u32  }
0xaa: {  	s1 =	rddreg [dreg:$0x1];
	p0 =	sne.s32 s2, $0x0  }
0xab: {  	s3 =	rddreg [dreg:$0x2];
	[bflag:$0x3] =	sbarrier.arrive $0xFFFF;
	s2 =	simm.s32 @!p0 $0x1C03  }
0xac: {  	[timem:s3], [sflag:s2] =	dma.local @!p0 [hbm:s0], s1  }
0xad: {  	s0 =	simm.s32 @!p0 $0x3  }
0xae: {  	_ =	swait.ge @!p0 [sflag:s0], s1  }
0xaf: {  	s1 =	ssub.s32 @!p0 $0x0, s1;
	[sflag:s0] =	ssyncset.done @!p0 $0x0  }
0xb0: {  	[sflag:s0] =	ssyncadd.s32 @!p0 s1  }
0xb1: {  	[bflag:$0x3] =	sbarrier.arrive $0xFFFF  }
0xb2: {  	_ =	shalt  }

</sc_bundles>
